<compile_context>
chip_gen: v7x
topology: tpu7x:2x2x1
jax: 0.10.2.dev20260603
libtpu: 0.0.44.dev20260713+nightly
codegen_flags: <defaults>
</compile_context>

<pallas_src>
import dataclasses
import functools

import jax
import jax.numpy as jnp
from jax import lax
from jax.experimental import pallas as pl
from jax.experimental.pallas import tpu as pltpu
from jax.experimental.pallas import tpu_sc as plsc

NUM_WORKERS = 32
CHUNK = 128
SUBS = 16
LANES = 16


def _sc_mesh():
    return plsc.VectorSubcoreMesh(core_axis_name="c", subcore_axis_name="s")


def _sc_params():
    cp = pltpu.CompilerParams()
    if "needs_layout_passes" in pltpu.CompilerParams.__dataclass_fields__:
        cp = dataclasses.replace(cp, needs_layout_passes=False)
    return cp


def _sc_aggregate(y, srcp, dstp, zeros_d):
    NP, D = zeros_d.shape
    NCH = srcp.shape[0] // (NUM_WORKERS * CHUNK)
    RPS = NP // SUBS
    out_sds = jax.ShapeDtypeStruct((NP, D), jnp.float32)

    @functools.partial(
        pl.kernel,
        out_type=(out_sds, out_sds),
        mesh=_sc_mesh(),
        scratch_types=[
            pltpu.VMEM((CHUNK,), jnp.int32),
            pltpu.VMEM((CHUNK,), jnp.int32),
            pltpu.VMEM((CHUNK, D), jnp.float32),
            pltpu.VMEM_SHARED((NP, D), jnp.float32),
            pltpu.SemaphoreType.DMA,
        ],
    )
    def sc_agg(y_hbm, src_hbm, dst_hbm, z_hbm, oa_hbm, ob_hbm,
               src_v, dst_v, rows_v, acc, sem):
        c = lax.axis_index("c")
        s = lax.axis_index("s")
        w = c * SUBS + s
        pltpu.sync_copy(z_hbm.at[pl.ds(s * RPS, RPS)], acc.at[pl.ds(s * RPS, RPS)])
        plsc.subcore_barrier()

        @pl.loop(0, NCH)
        def _(k):
            base = (w * NCH + k) * CHUNK
            pltpu.sync_copy(src_hbm.at[pl.ds(base, CHUNK)], src_v)
            pltpu.sync_copy(dst_hbm.at[pl.ds(base, CHUNK)], dst_v)
            pltpu.async_copy(y_hbm.at[src_v], rows_v, sem).wait()
            pltpu.sync_copy(rows_v, acc.at[dst_v], add=True)

        plsc.subcore_barrier()

        @pl.when(c == 0)
        def _():
            pltpu.sync_copy(acc.at[pl.ds(s * RPS, RPS)], oa_hbm.at[pl.ds(s * RPS, RPS)])

        @pl.when(c == 1)
        def _():
            pltpu.sync_copy(acc.at[pl.ds(s * RPS, RPS)], ob_hbm.at[pl.ds(s * RPS, RPS)])

    return sc_agg(y, srcp, dstp, zeros_d)


def _sc_degree(dstp, NP):
    EW = dstp.shape[0] // NUM_WORKERS
    RPS = NP // SUBS
    out_sds = jax.ShapeDtypeStruct((NP, LANES), jnp.float32)

    @functools.partial(
        pl.kernel,
        out_type=(out_sds, out_sds),
        mesh=_sc_mesh(),
        scratch_types=[
            pltpu.VMEM((EW,), jnp.int32),
            pltpu.VMEM((NP,), jnp.float32),
            pltpu.VMEM((RPS,), jnp.float32),
            pltpu.VMEM((RPS, LANES), jnp.float32),
            pltpu.VMEM_SHARED((SUBS, NP), jnp.float32),
        ],
        compiler_params=_sc_params(),
    )
    def sc_deg(dst_hbm, oa_hbm, ob_hbm, dst_all, hist, tsum, tout, stage):
        c = lax.axis_index("c")
        s = lax.axis_index("s")
        w = c * SUBS + s
        zeros = jnp.zeros((LANES,), jnp.float32)
        ones = jnp.ones((LANES,), jnp.float32)

        @pl.loop(0, NP // LANES)
        def _(i):
            hist[pl.ds(i * LANES, LANES)] = zeros

        pltpu.sync_copy(dst_hbm.at[pl.ds(w * EW, EW)], dst_all)

        @pl.loop(0, EW // LANES)
        def _(i):
            idx = dst_all[pl.ds(i * LANES, LANES)]
            plsc.addupdate_scatter(hist, [idx], ones)

        pltpu.sync_copy(hist, stage.at[s])
        plsc.subcore_barrier()

        pltpu.sync_copy(stage.at[0, pl.ds(s * RPS, RPS)], tsum)
        for t in range(1, SUBS):
            pltpu.sync_copy(stage.at[t, pl.ds(s * RPS, RPS)], hist.at[pl.ds(0, RPS)])

            @pl.loop(0, RPS // LANES)
            def _(i):
                sl = pl.ds(i * LANES, LANES)
                tsum[sl] = tsum[sl] + hist[sl]

        @pl.loop(0, RPS // LANES)
        def _(i):
            for j in range(LANES):
                r = i * LANES + j
                val = plsc.load_gather(tsum, [jnp.full((LANES,), r, jnp.int32)])
                tout[r] = val

        @pl.when(c == 0)
        def _():
            pltpu.sync_copy(tout, oa_hbm.at[pl.ds(s * RPS, RPS)])

        @pl.when(c == 1)
        def _():
            pltpu.sync_copy(tout, ob_hbm.at[pl.ds(s * RPS, RPS)])

    return sc_deg(dstp)


_DOT_KW = dict(preferred_element_type=jnp.float32, precision=lax.Precision.HIGHEST)


def _dis_block(da_ref, db_ref):
    return lax.rsqrt(da_ref[:, :1] + db_ref[:, :1] + 1.0)


def _tc_scale_matmul(xp, W, dpa, dpb):
    NP, D = xp.shape
    R = 512

    def body(x_ref, w_ref, da_ref, db_ref, o_ref):
        dis = _dis_block(da_ref, db_ref)
        o_ref[...] = jnp.dot(x_ref[...], w_ref[...], **_DOT_KW) * dis

    return pl.pallas_call(
        body,
        grid=(NP // R,),
        in_specs=[
            pl.BlockSpec((R, D), lambda i: (i, 0)),
            pl.BlockSpec((D, D), lambda i: (0, 0)),
            pl.BlockSpec((R, LANES), lambda i: (i, 0)),
            pl.BlockSpec((R, LANES), lambda i: (i, 0)),
        ],
        out_specs=pl.BlockSpec((R, D), lambda i: (i, 0)),
        out_shape=jax.ShapeDtypeStruct((NP, D), jnp.float32),
    )(xp, W, dpa, dpb)


def _tc_layer(pa, pb, y, dpa, dpb, b, W):
    NP, D = y.shape
    R = 512

    def body(pa_ref, pb_ref, y_ref, da_ref, db_ref, b_ref, w_ref, o_ref):
        dis = _dis_block(da_ref, db_ref)
        h = jnp.tanh(dis * (pa_ref[...] + pb_ref[...] + y_ref[...]) + b_ref[...])
        o_ref[...] = jnp.dot(h, w_ref[...], **_DOT_KW) * dis

    return pl.pallas_call(
        body,
        grid=(NP // R,),
        in_specs=[
            pl.BlockSpec((R, D), lambda i: (i, 0)),
            pl.BlockSpec((R, D), lambda i: (i, 0)),
            pl.BlockSpec((R, D), lambda i: (i, 0)),
            pl.BlockSpec((R, LANES), lambda i: (i, 0)),
            pl.BlockSpec((R, LANES), lambda i: (i, 0)),
            pl.BlockSpec((1, D), lambda i: (0, 0)),
            pl.BlockSpec((D, D), lambda i: (0, 0)),
        ],
        out_specs=pl.BlockSpec((R, D), lambda i: (i, 0)),
        out_shape=jax.ShapeDtypeStruct((NP, D), jnp.float32),
    )(pa, pb, y, dpa, dpb, b, W)


def _tc_head(pa, pb, y, dpa, dpb, b, W3p, b3p):
    NP, D = y.shape
    R = 512

    def body(pa_ref, pb_ref, y_ref, da_ref, db_ref, b_ref, w_ref, b3_ref,
             h_ref, lg_ref):
        dis = _dis_block(da_ref, db_ref)
        h = jnp.tanh(dis * (pa_ref[...] + pb_ref[...] + y_ref[...]) + b_ref[...])
        h_ref[...] = h
        lg_ref[...] = jnp.dot(h, w_ref[...], **_DOT_KW) + b3_ref[...]

    return pl.pallas_call(
        body,
        grid=(NP // R,),
        in_specs=[
            pl.BlockSpec((R, D), lambda i: (i, 0)),
            pl.BlockSpec((R, D), lambda i: (i, 0)),
            pl.BlockSpec((R, D), lambda i: (i, 0)),
            pl.BlockSpec((R, LANES), lambda i: (i, 0)),
            pl.BlockSpec((R, LANES), lambda i: (i, 0)),
            pl.BlockSpec((1, D), lambda i: (0, 0)),
            pl.BlockSpec((D, D), lambda i: (0, 0)),
            pl.BlockSpec((1, D), lambda i: (0, 0)),
        ],
        out_specs=[
            pl.BlockSpec((R, D), lambda i: (i, 0)),
            pl.BlockSpec((R, D), lambda i: (i, 0)),
        ],
        out_shape=[
            jax.ShapeDtypeStruct((NP, D), jnp.float32),
            jax.ShapeDtypeStruct((NP, D), jnp.float32),
        ],
    )(pa, pb, y, dpa, dpb, b, W3p, b3p)


def kernel(x, edge_index, W1, b1, W2, b2, W3, b3):
    N, D = x.shape
    E = edge_index.shape[1]
    NP = -(-N // 512) * 512
    NCH = -(-E // (NUM_WORKERS * CHUNK))
    EPAD = NCH * NUM_WORKERS * CHUNK
    DOUT = W3.shape[1]

    src = edge_index[0].astype(jnp.int32)
    dst = edge_index[1].astype(jnp.int32)
    pad = jnp.full((EPAD - E,), N, jnp.int32)
    srcp = jnp.concatenate([src, pad])
    dstp = jnp.concatenate([dst, pad])
    xp = jnp.pad(x, ((0, NP - N), (0, 0)))
    zeros_d = jnp.zeros((NP, D), jnp.float32)
    W3p = jnp.pad(W3, ((0, 0), (0, D - DOUT)))
    b3p = jnp.pad(b3, (0, D - DOUT)).reshape(1, D)
    b1r = b1.reshape(1, D)
    b2r = b2.reshape(1, D)

    dpa, dpb = _sc_degree(dstp, NP)
    y1 = _tc_scale_matmul(xp, W1, dpa, dpb)
    p1a, p1b = _sc_aggregate(y1, srcp, dstp, zeros_d)
    y2 = _tc_layer(p1a, p1b, y1, dpa, dpb, b1r, W2)
    p2a, p2b = _sc_aggregate(y2, srcp, dstp, zeros_d)
    h2f, lgf = _tc_head(p2a, p2b, y2, dpa, dpb, b2r, W3p, b3p)
    return h2f[:N], lgf[:N, :DOUT]

# --- scband reference (transcript-rebuilt; emitter-appended) ---
"""Pipeline reference for scband-encoder-e-colgcn-42356967473565 (READ-ONLY COPY).

The authoritative reference and input builder live on the scoring server;
editing this copy changes nothing except your own understanding.
"""

import jax, jax.numpy as jnp
import numpy as np

N_NODES = 10000
N_EDGES = 320000
D_IN = 128
D_HID = 128
D_OUT = 128
N_TYPES = 8


def gcn_conv(x, edge_index, W, b):
    # Faithful PyG GCNConv: add self-loops, symmetric normalization, aggregate, linear
    N = x.shape[0]
    loop = jnp.arange(N, dtype=edge_index.dtype)
    src = jnp.concatenate([edge_index[0], loop])
    dst = jnp.concatenate([edge_index[1], loop])
    deg = jnp.zeros((N,), dtype=x.dtype).at[dst].add(1.0)
    deg_inv_sqrt = jnp.where(deg > 0, deg ** -0.5, 0.0)
    norm = deg_inv_sqrt[src] * deg_inv_sqrt[dst]
    xw = x @ W  # linear transform first (standard GCNConv)
    msg = xw[src] * norm[:, None]
    out = jnp.zeros((N, W.shape[1]), dtype=x.dtype).at[dst].add(msg)
    return out + b


def setup_inputs(seed: int = 0) -> dict:
    key = jax.random.key(seed)
    k1, k2, k3, k4, k5 = jax.random.split(key, 5)
    x = jax.random.normal(k1, (N_NODES, D_IN), dtype=jnp.float32)
    edge_index = jax.random.randint(k2, (2, N_EDGES), 0, N_NODES, dtype=jnp.int64)
    s1 = 1.0 / np.sqrt(D_IN)
    s2 = 1.0 / np.sqrt(D_HID)
    s3 = 1.0 / np.sqrt(D_OUT)
    W1 = jax.random.uniform(k3, (D_IN, D_HID), dtype=jnp.float32, minval=-s1, maxval=s1)
    b1 = jnp.zeros((D_HID,), dtype=jnp.float32)
    W2 = jax.random.uniform(k4, (D_HID, D_OUT), dtype=jnp.float32, minval=-s2, maxval=s2)
    b2 = jnp.zeros((D_OUT,), dtype=jnp.float32)
    W3 = jax.random.uniform(k5, (D_OUT, N_TYPES), dtype=jnp.float32, minval=-s3, maxval=s3)
    b3 = jnp.zeros((N_TYPES,), dtype=jnp.float32)
    return {"x": x, "edge_index": edge_index, "W1": W1, "b1": b1, "W2": W2, "b2": b2, "W3": W3, "b3": b3}


def reference(x, edge_index, W1, b1, W2, b2, W3, b3):
    h1 = jnp.tanh(gcn_conv(x, edge_index, W1, b1))
    h2 = jnp.tanh(gcn_conv(h1, edge_index, W2, b2))
    logits = h2 @ W3 + b3
    return (h2, logits)

if __name__ == "__main__":
    import jax
    _d = setup_inputs()
    print(jax.jit(kernel)(*tuple(_d.values())))

</pallas_src>

<mosaic_0001>
#map = affine_map<(d0, d1) -> (0, 0)>
#map1 = affine_map<(d0, d1) -> (0)>
module attributes {stable_mosaic.version = 14 : i64} {
  func.func @sc_agg(%arg0: i32, %arg1: i32, %arg2: memref<10240x128xf32, #tpu.memory_space<hbm>>, %arg3: memref<323584xi32, #tpu.memory_space<hbm>>, %arg4: memref<323584xi32, #tpu.memory_space<hbm>>, %arg5: memref<10240x128xf32, #tpu.memory_space<hbm>>, %arg6: memref<10240x128xf32, #tpu.memory_space<hbm>>, %arg7: memref<10240x128xf32, #tpu.memory_space<hbm>>, %arg8: memref<128xi32, #tpu.memory_space<vmem>>, %arg9: memref<128xi32, #tpu.memory_space<vmem>>, %arg10: memref<128x128xf32, #tpu.memory_space<vmem>>, %arg11: memref<10240x128xf32, #tpu.memory_space<vmem_shared>>, %arg12: memref<!tpu.dma_semaphore, #tpu.memory_space<semaphore_mem>>) attributes {dimension_semantics = [#tpu.dimension_semantics<core_parallel>, #tpu.dimension_semantics<subcore_parallel>], iteration_bounds = array<i64: 2, 16>, scalar_prefetch = 0 : i64, scratch_operands = 5 : i64, tpu.core_type = #tpu.core_type<sc_vector_subcore>, window_params = [{transform_indices = #map}, {transform_indices = #map1}, {transform_indices = #map1}, {transform_indices = #map}, {transform_indices = #map}, {transform_indices = #map}]} {
    %mul3A = arith.constant 16 : i32
    %mul3A_0 = arith.muli %arg0, %mul3A : i32
    %add3A = arith.addi %mul3A_0, %arg1 : i32
    %mul3A_1 = arith.constant 640 : i32
    %mul3A_2 = arith.muli %arg1, %mul3A_1 : i32
    %mul3A_3 = arith.constant 640 : i32
    %mul3A_4 = arith.muli %arg1, %mul3A_3 : i32
    "tpu.region"() ({
      %run_scoped3A = tpu.sem_alloc : memref<!tpu.dma_semaphore, #tpu.memory_space<semaphore_mem>>
      %dma_start3A = arith.constant 0 : i32
      %dma_start3A_17 = tpu.memref_slice %arg11[%mul3A_4, %dma_start3A] : memref<10240x128xf32, #tpu.memory_space<vmem_shared>> -> memref<640x128xf32, #tpu.memory_space<vmem_shared>>
      %dma_start3A_18 = arith.constant 0 : i32
      %dma_start3A_19 = tpu.memref_slice %arg5[%mul3A_2, %dma_start3A_18] : memref<10240x128xf32, #tpu.memory_space<hbm>> -> memref<640x128xf32, #tpu.memory_space<hbm>>
      tpu.enqueue_dma source(%dma_start3A_19 : memref<640x128xf32, #tpu.memory_space<hbm>>) target(%dma_start3A_17 : memref<640x128xf32, #tpu.memory_space<vmem_shared>>) target_semaphore(%run_scoped3A : memref<!tpu.dma_semaphore, #tpu.memory_space<semaphore_mem>>)
      %dma_wait3A = arith.constant 0 : i32
      %dma_wait3A_20 = tpu.memref_slice %arg11[%mul3A_4, %dma_wait3A] : memref<10240x128xf32, #tpu.memory_space<vmem_shared>> -> memref<640x128xf32, #tpu.memory_space<vmem_shared>>
      %dma_wait3A_21 = arith.constant 0 : i32
      %dma_wait3A_22 = tpu.memref_slice %arg5[%mul3A_2, %dma_wait3A_21] : memref<10240x128xf32, #tpu.memory_space<hbm>> -> memref<640x128xf32, #tpu.memory_space<hbm>>
      tpu.wait_dma2 semaphore(%run_scoped3A : memref<!tpu.dma_semaphore, #tpu.memory_space<semaphore_mem>>) src(%dma_wait3A_22 : memref<640x128xf32, #tpu.memory_space<hbm>>) dst(%dma_wait3A_20 : memref<640x128xf32, #tpu.memory_space<vmem_shared>>)
      tpu.yield
    }) : () -> ()
    %barrier3A = arith.constant 0 : index
    tpu.barrier barrier_id(%barrier3A)
    %scan3A = arith.constant 0 : i32
    %scan3A_5 = arith.constant 79 : i32
    %scan3A_6 = arith.addi %scan3A, %scan3A_5 : i32
    %scan3A_7 = arith.constant 1 : i32
    scf.for %scan3A_17 = %scan3A to %scan3A_6 step %scan3A_7  : i32 {
      %mul3A_18 = arith.constant 1 : i32
      %mul3A_19 = arith.muli %scan3A_17, %mul3A_18 : i32
      %add3A_20 = arith.constant 0 : i32
      %add3A_21 = arith.addi %add3A_20, %mul3A_19 : i32
      %mul3A_22 = arith.constant 79 : i32
      %mul3A_23 = arith.muli %add3A, %mul3A_22 : i32
      %add3A_24 = arith.addi %mul3A_23, %add3A_21 : i32
      %mul3A_25 = arith.constant 128 : i32
      %mul3A_26 = arith.muli %add3A_24, %mul3A_25 : i32
      "tpu.region"() ({
        %run_scoped3A = tpu.sem_alloc : memref<!tpu.dma_semaphore, #tpu.memory_space<semaphore_mem>>
        %dma_start3A_31 = tpu.memref_slice %arg3[%mul3A_26] : memref<323584xi32, #tpu.memory_space<hbm>> -> memref<128xi32, #tpu.memory_space<hbm>>
        %dma_start3A_32 = tpu.memref_slice %arg3[%mul3A_26] : memref<323584xi32, #tpu.memory_space<hbm>> -> memref<128xi32, #tpu.memory_space<hbm>>
        tpu.enqueue_dma source(%dma_start3A_32 : memref<128xi32, #tpu.memory_space<hbm>>) target(%arg8 : memref<128xi32, #tpu.memory_space<vmem>>) target_semaphore(%run_scoped3A : memref<!tpu.dma_semaphore, #tpu.memory_space<semaphore_mem>>)
        %dma_wait3A_33 = tpu.memref_slice %arg3[%mul3A_26] : memref<323584xi32, #tpu.memory_space<hbm>> -> memref<128xi32, #tpu.memory_space<hbm>>
        %dma_wait3A_34 = tpu.memref_slice %arg3[%mul3A_26] : memref<323584xi32, #tpu.memory_space<hbm>> -> memref<128xi32, #tpu.memory_space<hbm>>
        tpu.wait_dma2 semaphore(%run_scoped3A : memref<!tpu.dma_semaphore, #tpu.memory_space<semaphore_mem>>) src(%dma_wait3A_34 : memref<128xi32, #tpu.memory_space<hbm>>) dst(%arg8 : memref<128xi32, #tpu.memory_space<vmem>>)
        tpu.yield
      }) : () -> ()
      "tpu.region"() ({
        %run_scoped3A = tpu.sem_alloc : memref<!tpu.dma_semaphore, #tpu.memory_space<semaphore_mem>>
        %dma_start3A_31 = tpu.memref_slice %arg4[%mul3A_26] : memref<323584xi32, #tpu.memory_space<hbm>> -> memref<128xi32, #tpu.memory_space<hbm>>
        %dma_start3A_32 = tpu.memref_slice %arg4[%mul3A_26] : memref<323584xi32, #tpu.memory_space<hbm>> -> memref<128xi32, #tpu.memory_space<hbm>>
        tpu.enqueue_dma source(%dma_start3A_32 : memref<128xi32, #tpu.memory_space<hbm>>) target(%arg9 : memref<128xi32, #tpu.memory_space<vmem>>) target_semaphore(%run_scoped3A : memref<!tpu.dma_semaphore, #tpu.memory_space<semaphore_mem>>)
        %dma_wait3A_33 = tpu.memref_slice %arg4[%mul3A_26] : memref<323584xi32, #tpu.memory_space<hbm>> -> memref<128xi32, #tpu.memory_space<hbm>>
        %dma_wait3A_34 = tpu.memref_slice %arg4[%mul3A_26] : memref<323584xi32, #tpu.memory_space<hbm>> -> memref<128xi32, #tpu.memory_space<hbm>>
        tpu.wait_dma2 semaphore(%run_scoped3A : memref<!tpu.dma_semaphore, #tpu.memory_space<semaphore_mem>>) src(%dma_wait3A_34 : memref<128xi32, #tpu.memory_space<hbm>>) dst(%arg9 : memref<128xi32, #tpu.memory_space<vmem>>)
        tpu.yield
      }) : () -> ()
      %dma_start3A = arith.constant 0 : i32
      %dma_start3A_27 = arith.constant 0 : i32
      %dma_start3A_28 = tpu.memref_slice %arg2[%dma_start3A, %dma_start3A_27] : memref<10240x128xf32, #tpu.memory_space<hbm>> -> memref<10240x128xf32, #tpu.memory_space<hbm>>
      tpu.enqueue_indirect_dma source(%dma_start3A_28 : memref<10240x128xf32, #tpu.memory_space<hbm>>) target(%arg10 : memref<128x128xf32, #tpu.memory_space<vmem>>) offsets(%arg8 : memref<128xi32, #tpu.memory_space<vmem>>) semaphore(%arg12 : memref<!tpu.dma_semaphore, #tpu.memory_space<semaphore_mem>>)
      %dma_wait3A = arith.constant 0 : i32
      %dma_wait3A_29 = arith.constant 0 : i32
      %dma_wait3A_30 = tpu.memref_slice %arg2[%dma_wait3A, %dma_wait3A_29] : memref<10240x128xf32, #tpu.memory_space<hbm>> -> memref<10240x128xf32, #tpu.memory_space<hbm>>
      tpu.wait_indirect_dma semaphore(%arg12 : memref<!tpu.dma_semaphore, #tpu.memory_space<semaphore_mem>>) src(%dma_wait3A_30 : memref<10240x128xf32, #tpu.memory_space<hbm>>) dst(%arg10 : memref<128x128xf32, #tpu.memory_space<vmem>>)
      "tpu.region"() ({
        %run_scoped3A = tpu.sem_alloc : memref<!tpu.dma_semaphore, #tpu.memory_space<semaphore_mem>>
        %dma_start3A_31 = arith.constant 0 : i32
        %dma_start3A_32 = arith.constant 0 : i32
        %dma_start3A_33 = tpu.memref_slice %arg11[%dma_start3A_31, %dma_start3A_32] : memref<10240x128xf32, #tpu.memory_space<vmem_shared>> -> memref<10240x128xf32, #tpu.memory_space<vmem_shared>>
        tpu.enqueue_indirect_dma source(%arg10 : memref<128x128xf32, #tpu.memory_space<vmem>>) target(%dma_start3A_33 : memref<10240x128xf32, #tpu.memory_space<vmem_shared>>) offsets(%arg9 : memref<128xi32, #tpu.memory_space<vmem>>) semaphore(%run_scoped3A : memref<!tpu.dma_semaphore, #tpu.memory_space<semaphore_mem>>) {add = true}
        %dma_wait3A_34 = arith.constant 0 : i32
        %dma_wait3A_35 = arith.constant 0 : i32
        %dma_wait3A_36 = tpu.memref_slice %arg11[%dma_wait3A_34, %dma_wait3A_35] : memref<10240x128xf32, #tpu.memory_space<vmem_shared>> -> memref<10240x128xf32, #tpu.memory_space<vmem_shared>>
        tpu.wait_indirect_dma semaphore(%run_scoped3A : memref<!tpu.dma_semaphore, #tpu.memory_space<semaphore_mem>>) src(%arg10 : memref<128x128xf32, #tpu.memory_space<vmem>>) dst(%dma_wait3A_36 : memref<10240x128xf32, #tpu.memory_space<vmem_shared>>)
        tpu.yield
      }) : () -> ()
    }
    %scan3A_8 = arith.constant 79 : i32
    %barrier3A_9 = arith.constant 0 : index
    tpu.barrier barrier_id(%barrier3A_9)
    %eq3A = arith.constant 0 : i32
    %eq3A_10 = arith.cmpi eq, %arg0, %eq3A : i32
    %convert_element_type3A = arith.extui %eq3A_10 : i1 to i32
    %cond3A = arith.constant 0 : i32
    %cond3A_11 = arith.cmpi ne, %convert_element_type3A, %cond3A : i32
    scf.if %cond3A_11 {
      %mul3A_17 = arith.constant 640 : i32
      %mul3A_18 = arith.muli %arg1, %mul3A_17 : i32
      %mul3A_19 = arith.constant 640 : i32
      %mul3A_20 = arith.muli %arg1, %mul3A_19 : i32
      "tpu.region"() ({
        %run_scoped3A = tpu.sem_alloc : memref<!tpu.dma_semaphore, #tpu.memory_space<semaphore_mem>>
        %dma_start3A = arith.constant 0 : i32
        %dma_start3A_21 = tpu.memref_slice %arg6[%mul3A_20, %dma_start3A] : memref<10240x128xf32, #tpu.memory_space<hbm>> -> memref<640x128xf32, #tpu.memory_space<hbm>>
        %dma_start3A_22 = arith.constant 0 : i32
        %dma_start3A_23 = tpu.memref_slice %arg11[%mul3A_18, %dma_start3A_22] : memref<10240x128xf32, #tpu.memory_space<vmem_shared>> -> memref<640x128xf32, #tpu.memory_space<vmem_shared>>
        tpu.enqueue_dma source(%dma_start3A_23 : memref<640x128xf32, #tpu.memory_space<vmem_shared>>) target(%dma_start3A_21 : memref<640x128xf32, #tpu.memory_space<hbm>>) target_semaphore(%run_scoped3A : memref<!tpu.dma_semaphore, #tpu.memory_space<semaphore_mem>>)
        %dma_wait3A = arith.constant 0 : i32
        %dma_wait3A_24 = tpu.memref_slice %arg6[%mul3A_20, %dma_wait3A] : memref<10240x128xf32, #tpu.memory_space<hbm>> -> memref<640x128xf32, #tpu.memory_space<hbm>>
        %dma_wait3A_25 = arith.constant 0 : i32
        %dma_wait3A_26 = tpu.memref_slice %arg11[%mul3A_18, %dma_wait3A_25] : memref<10240x128xf32, #tpu.memory_space<vmem_shared>> -> memref<640x128xf32, #tpu.memory_space<vmem_shared>>
        tpu.wait_dma2 semaphore(%run_scoped3A : memref<!tpu.dma_semaphore, #tpu.memory_space<semaphore_mem>>) src(%dma_wait3A_26 : memref<640x128xf32, #tpu.memory_space<vmem_shared>>) dst(%dma_wait3A_24 : memref<640x128xf32, #tpu.memory_space<hbm>>)
        tpu.yield
      }) : () -> ()
    } else {
    }
    %eq3A_12 = arith.constant 1 : i32
    %eq3A_13 = arith.cmpi eq, %arg0, %eq3A_12 : i32
    %convert_element_type3A_14 = arith.extui %eq3A_13 : i1 to i32
    %cond3A_15 = arith.constant 0 : i32
    %cond3A_16 = arith.cmpi ne, %convert_element_type3A_14, %cond3A_15 : i32
    scf.if %cond3A_16 {
      %mul3A_17 = arith.constant 640 : i32
      %mul3A_18 = arith.muli %arg1, %mul3A_17 : i32
      %mul3A_19 = arith.constant 640 : i32
      %mul3A_20 = arith.muli %arg1, %mul3A_19 : i32
      "tpu.region"() ({
        %run_scoped3A = tpu.sem_alloc : memref<!tpu.dma_semaphore, #tpu.memory_space<semaphore_mem>>
        %dma_start3A = arith.constant 0 : i32
        %dma_start3A_21 = tpu.memref_slice %arg7[%mul3A_20, %dma_start3A] : memref<10240x128xf32, #tpu.memory_space<hbm>> -> memref<640x128xf32, #tpu.memory_space<hbm>>
        %dma_start3A_22 = arith.constant 0 : i32
        %dma_start3A_23 = tpu.memref_slice %arg11[%mul3A_18, %dma_start3A_22] : memref<10240x128xf32, #tpu.memory_space<vmem_shared>> -> memref<640x128xf32, #tpu.memory_space<vmem_shared>>
        tpu.enqueue_dma source(%dma_start3A_23 : memref<640x128xf32, #tpu.memory_space<vmem_shared>>) target(%dma_start3A_21 : memref<640x128xf32, #tpu.memory_space<hbm>>) target_semaphore(%run_scoped3A : memref<!tpu.dma_semaphore, #tpu.memory_space<semaphore_mem>>)
        %dma_wait3A = arith.constant 0 : i32
        %dma_wait3A_24 = tpu.memref_slice %arg7[%mul3A_20, %dma_wait3A] : memref<10240x128xf32, #tpu.memory_space<hbm>> -> memref<640x128xf32, #tpu.memory_space<hbm>>
        %dma_wait3A_25 = arith.constant 0 : i32
        %dma_wait3A_26 = tpu.memref_slice %arg11[%mul3A_18, %dma_wait3A_25] : memref<10240x128xf32, #tpu.memory_space<vmem_shared>> -> memref<640x128xf32, #tpu.memory_space<vmem_shared>>
        tpu.wait_dma2 semaphore(%run_scoped3A : memref<!tpu.dma_semaphore, #tpu.memory_space<semaphore_mem>>) src(%dma_wait3A_26 : memref<640x128xf32, #tpu.memory_space<vmem_shared>>) dst(%dma_wait3A_24 : memref<640x128xf32, #tpu.memory_space<hbm>>)
        tpu.yield
      }) : () -> ()
    } else {
    }
    return
  }
}

#map = affine_map<(d0, d1) -> (0)>
#map1 = affine_map<(d0, d1) -> (0, 0)>
module attributes {stable_mosaic.version = 14 : i64} {
  func.func @sc_deg(%arg0: i32, %arg1: i32, %arg2: memref<323584xi32, #tpu.memory_space<hbm>>, %arg3: memref<10240x16xf32, #tpu.memory_space<hbm>>, %arg4: memref<10240x16xf32, #tpu.memory_space<hbm>>, %arg5: memref<10112xi32, #tpu.memory_space<vmem>>, %arg6: memref<10240xf32, #tpu.memory_space<vmem>>, %arg7: memref<640xf32, #tpu.memory_space<vmem>>, %arg8: memref<640x16xf32, #tpu.memory_space<vmem>>, %arg9: memref<16x10240xf32, #tpu.memory_space<vmem_shared>>) attributes {dimension_semantics = [#tpu.dimension_semantics<core_parallel>, #tpu.dimension_semantics<subcore_parallel>], iteration_bounds = array<i64: 2, 16>, scalar_prefetch = 0 : i64, scratch_operands = 5 : i64, tpu.core_type = #tpu.core_type<sc_vector_subcore>, window_params = [{transform_indices = #map}, {transform_indices = #map1}, {transform_indices = #map1}]} {
    %mul3A = arith.constant 16 : i32
    %mul3A_0 = arith.muli %arg0, %mul3A : i32
    %add3A = arith.addi %mul3A_0, %arg1 : i32
    %broadcast_in_dim3A = arith.constant 0.000000e+00 : f32
    %broadcast_in_dim3A_1 = vector.broadcast %broadcast_in_dim3A : f32 to vector<16xf32>
    %broadcast_in_dim3A_2 = arith.constant 1.000000e+00 : f32
    %broadcast_in_dim3A_3 = vector.broadcast %broadcast_in_dim3A_2 : f32 to vector<16xf32>
    %scan3A = arith.constant 0 : i32
    %scan3A_4 = arith.constant 640 : i32
    %scan3A_5 = arith.addi %scan3A, %scan3A_4 : i32
    %scan3A_6 = arith.constant 1 : i32
    scf.for %scan3A_149 = %scan3A to %scan3A_5 step %scan3A_6  : i32 {
      %mul3A_150 = arith.constant 1 : i32
      %mul3A_151 = arith.muli %scan3A_149, %mul3A_150 : i32
      %add3A_152 = arith.constant 0 : i32
      %add3A_153 = arith.addi %add3A_152, %mul3A_151 : i32
      %mul3A_154 = arith.constant 16 : i32
      %mul3A_155 = arith.muli %add3A_153, %mul3A_154 : i32
      %swap3A = arith.index_cast %mul3A_155 : i32 to index
      %swap3A_156 = tpu.vector_load %arg6[%swap3A] {strides = array<i32>} : memref<10240xf32, #tpu.memory_space<vmem>>, vector<16xf32>,
      tpu.vector_store %arg6[%swap3A], %broadcast_in_dim3A_1 {strides = array<i32>} : memref<10240xf32, #tpu.memory_space<vmem>>, vector<16xf32>,
    }
    %scan3A_7 = arith.constant 640 : i32
    %mul3A_8 = arith.constant 10112 : i32
    %mul3A_9 = arith.muli %add3A, %mul3A_8 : i32
    "tpu.region"() ({
      %run_scoped3A_149 = tpu.sem_alloc : memref<!tpu.dma_semaphore, #tpu.memory_space<semaphore_mem>>
      %dma_start3A = tpu.memref_slice %arg2[%mul3A_9] : memref<323584xi32, #tpu.memory_space<hbm>> -> memref<10112xi32, #tpu.memory_space<hbm>>
      %dma_start3A_150 = tpu.memref_slice %arg2[%mul3A_9] : memref<323584xi32, #tpu.memory_space<hbm>> -> memref<10112xi32, #tpu.memory_space<hbm>>
      tpu.enqueue_dma source(%dma_start3A_150 : memref<10112xi32, #tpu.memory_space<hbm>>) target(%arg5 : memref<10112xi32, #tpu.memory_space<vmem>>) target_semaphore(%run_scoped3A_149 : memref<!tpu.dma_semaphore, #tpu.memory_space<semaphore_mem>>)
      %dma_wait3A = tpu.memref_slice %arg2[%mul3A_9] : memref<323584xi32, #tpu.memory_space<hbm>> -> memref<10112xi32, #tpu.memory_space<hbm>>
      %dma_wait3A_151 = tpu.memref_slice %arg2[%mul3A_9] : memref<323584xi32, #tpu.memory_space<hbm>> -> memref<10112xi32, #tpu.memory_space<hbm>>
      tpu.wait_dma2 semaphore(%run_scoped3A_149 : memref<!tpu.dma_semaphore, #tpu.memory_space<semaphore_mem>>) src(%dma_wait3A_151 : memref<10112xi32, #tpu.memory_space<hbm>>) dst(%arg5 : memref<10112xi32, #tpu.memory_space<vmem>>)
      tpu.yield
    }) : () -> ()
    %scan3A_10 = arith.constant 0 : i32
    %scan3A_11 = arith.constant 632 : i32
    %scan3A_12 = arith.addi %scan3A_10, %scan3A_11 : i32
    %scan3A_13 = arith.constant 1 : i32
    scf.for %scan3A_149 = %scan3A_10 to %scan3A_12 step %scan3A_13  : i32 {
      %mul3A_150 = arith.constant 1 : i32
      %mul3A_151 = arith.muli %scan3A_149, %mul3A_150 : i32
      %add3A_152 = arith.constant 0 : i32
      %add3A_153 = arith.addi %add3A_152, %mul3A_151 : i32
      %mul3A_154 = arith.constant 16 : i32
      %mul3A_155 = arith.muli %add3A_153, %mul3A_154 : i32
      %get3A = arith.index_cast %mul3A_155 : i32 to index
      %get3A_156 = tpu.vector_load %arg5[%get3A] {strides = array<i32>} : memref<10112xi32, #tpu.memory_space<vmem>>, vector<16xi32>,
      tpu.vector_store_idx %arg6[%get3A_156], %broadcast_in_dim3A_3 {add = true} : memref<10240xf32, #tpu.memory_space<vmem>>[vector<16xi32>], vector<16xf32>,
    }
    %scan3A_14 = arith.constant 632 : i32
    "tpu.region"() ({
      %run_scoped3A_149 = tpu.sem_alloc : memref<!tpu.dma_semaphore, #tpu.memory_space<semaphore_mem>>
      %dma_start3A = arith.constant 0 : i32
      %dma_start3A_150 = tpu.memref_slice %arg9[%arg1, %dma_start3A] : memref<16x10240xf32, #tpu.memory_space<vmem_shared>> -> memref<1x10240xf32, #tpu.memory_space<vmem_shared>>
      %dma_start3A_151 = tpu.memref_squeeze %dma_start3A_150 : memref<1x10240xf32, #tpu.memory_space<vmem_shared>> -> memref<10240xf32, #tpu.memory_space<vmem_shared>>
      %dma_start3A_152 = arith.constant 0 : i32
      %dma_start3A_153 = tpu.memref_slice %arg9[%arg1, %dma_start3A_152] : memref<16x10240xf32, #tpu.memory_space<vmem_shared>> -> memref<1x10240xf32, #tpu.memory_space<vmem_shared>>
      %dma_start3A_154 = tpu.memref_squeeze %dma_start3A_153 : memref<1x10240xf32, #tpu.memory_space<vmem_shared>> -> memref<10240xf32, #tpu.memory_space<vmem_shared>>
      tpu.enqueue_dma source(%arg6 : memref<10240xf32, #tpu.memory_space<vmem>>) target(%dma_start3A_154 : memref<10240xf32, #tpu.memory_space<vmem_shared>>) target_semaphore(%run_scoped3A_149 : memref<!tpu.dma_semaphore, #tpu.memory_space<semaphore_mem>>)
      %dma_wait3A = arith.constant 0 : i32
      %dma_wait3A_155 = tpu.memref_slice %arg9[%arg1, %dma_wait3A] : memref<16x10240xf32, #tpu.memory_space<vmem_shared>> -> memref<1x10240xf32, #tpu.memory_space<vmem_shared>>
      %dma_wait3A_156 = tpu.memref_squeeze %dma_wait3A_155 : memref<1x10240xf32, #tpu.memory_space<vmem_shared>> -> memref<10240xf32, #tpu.memory_space<vmem_shared>>
      %dma_wait3A_157 = arith.constant 0 : i32
      %dma_wait3A_158 = tpu.memref_slice %arg9[%arg1, %dma_wait3A_157] : memref<16x10240xf32, #tpu.memory_space<vmem_shared>> -> memref<1x10240xf32, #tpu.memory_space<vmem_shared>>
      %dma_wait3A_159 = tpu.memref_squeeze %dma_wait3A_158 : memref<1x10240xf32, #tpu.memory_space<vmem_shared>> -> memref<10240xf32, #tpu.memory_space<vmem_shared>>
      tpu.wait_dma2 semaphore(%run_scoped3A_149 : memref<!tpu.dma_semaphore, #tpu.memory_space<semaphore_mem>>) src(%arg6 : memref<10240xf32, #tpu.memory_space<vmem>>) dst(%dma_wait3A_159 : memref<10240xf32, #tpu.memory_space<vmem_shared>>)
      tpu.yield
    }) : () -> ()
    %barrier3A = arith.constant 0 : index
    tpu.barrier barrier_id(%barrier3A)
    %mul3A_15 = arith.constant 640 : i32
    %mul3A_16 = arith.muli %arg1, %mul3A_15 : i32
    %run_scoped3A = arith.constant 0 : i32
    "tpu.region"() ({
      %run_scoped3A_149 = tpu.sem_alloc : memref<!tpu.dma_semaphore, #tpu.memory_space<semaphore_mem>>
      %dma_start3A = tpu.memref_slice %arg9[%run_scoped3A, %mul3A_16] : memref<16x10240xf32, #tpu.memory_space<vmem_shared>> -> memref<1x640xf32, #tpu.memory_space<vmem_shared>>
      %dma_start3A_150 = tpu.memref_squeeze %dma_start3A : memref<1x640xf32, #tpu.memory_space<vmem_shared>> -> memref<640xf32, #tpu.memory_space<vmem_shared>>
      %dma_start3A_151 = tpu.memref_slice %arg9[%run_scoped3A, %mul3A_16] : memref<16x10240xf32, #tpu.memory_space<vmem_shared>> -> memref<1x640xf32, #tpu.memory_space<vmem_shared>>
      %dma_start3A_152 = tpu.memref_squeeze %dma_start3A_151 : memref<1x640xf32, #tpu.memory_space<vmem_shared>> -> memref<640xf32, #tpu.memory_space<vmem_shared>>
      tpu.enqueue_dma source(%dma_start3A_152 : memref<640xf32, #tpu.memory_space<vmem_shared>>) target(%arg7 : memref<640xf32, #tpu.memory_space<vmem>>) target_semaphore(%run_scoped3A_149 : memref<!tpu.dma_semaphore, #tpu.memory_space<semaphore_mem>>)
      %dma_wait3A = tpu.memref_slice %arg9[%run_scoped3A, %mul3A_16] : memref<16x10240xf32, #tpu.memory_space<vmem_shared>> -> memref<1x640xf32, #tpu.memory_space<vmem_shared>>
      %dma_wait3A_153 = tpu.memref_squeeze %dma_wait3A : memref<1x640xf32, #tpu.memory_space<vmem_shared>> -> memref<640xf32, #tpu.memory_space<vmem_shared>>
      %dma_wait3A_154 = tpu.memref_slice %arg9[%run_scoped3A, %mul3A_16] : memref<16x10240xf32, #tpu.memory_space<vmem_shared>> -> memref<1x640xf32, #tpu.memory_space<vmem_shared>>
      %dma_wait3A_155 = tpu.memref_squeeze %dma_wait3A_154 : memref<1x640xf32, #tpu.memory_space<vmem_shared>> -> memref<640xf32, #tpu.memory_space<vmem_shared>>
      tpu.wait_dma2 semaphore(%run_scoped3A_149 : memref<!tpu.dma_semaphore, #tpu.memory_space<semaphore_mem>>) src(%dma_wait3A_155 : memref<640xf32, #tpu.memory_space<vmem_shared>>) dst(%arg7 : memref<640xf32, #tpu.memory_space<vmem>>)
      tpu.yield
    }) : () -> ()
    %mul3A_17 = arith.constant 640 : i32
    %mul3A_18 = arith.muli %arg1, %mul3A_17 : i32
    %run_scoped3A_19 = arith.constant 1 : i32
    "tpu.region"() ({
      %run_scoped3A_149 = tpu.sem_alloc : memref<!tpu.dma_semaphore, #tpu.memory_space<semaphore_mem>>
      %dma_start3A = arith.constant 0 : i32
      %dma_start3A_150 = tpu.memref_slice %arg6[%dma_start3A] : memref<10240xf32, #tpu.memory_space<vmem>> -> memref<640xf32, #tpu.memory_space<vmem>>
      %dma_start3A_151 = tpu.memref_slice %arg9[%run_scoped3A_19, %mul3A_18] : memref<16x10240xf32, #tpu.memory_space<vmem_shared>> -> memref<1x640xf32, #tpu.memory_space<vmem_shared>>
      %dma_start3A_152 = tpu.memref_squeeze %dma_start3A_151 : memref<1x640xf32, #tpu.memory_space<vmem_shared>> -> memref<640xf32, #tpu.memory_space<vmem_shared>>
      %dma_start3A_153 = arith.constant 0 : i32
      %dma_start3A_154 = tpu.memref_slice %arg6[%dma_start3A_153] : memref<10240xf32, #tpu.memory_space<vmem>> -> memref<640xf32, #tpu.memory_space<vmem>>
      %dma_start3A_155 = tpu.memref_slice %arg9[%run_scoped3A_19, %mul3A_18] : memref<16x10240xf32, #tpu.memory_space<vmem_shared>> -> memref<1x640xf32, #tpu.memory_space<vmem_shared>>
      %dma_start3A_156 = tpu.memref_squeeze %dma_start3A_155 : memref<1x640xf32, #tpu.memory_space<vmem_shared>> -> memref<640xf32, #tpu.memory_space<vmem_shared>>
      tpu.enqueue_dma source(%dma_start3A_156 : memref<640xf32, #tpu.memory_space<vmem_shared>>) target(%dma_start3A_154 : memref<640xf32, #tpu.memory_space<vmem>>) target_semaphore(%run_scoped3A_149 : memref<!tpu.dma_semaphore, #tpu.memory_space<semaphore_mem>>)
      %dma_wait3A = arith.constant 0 : i32
      %dma_wait3A_157 = tpu.memref_slice %arg6[%dma_wait3A] : memref<10240xf32, #tpu.memory_space<vmem>> -> memref<640xf32, #tpu.memory_space<vmem>>
      %dma_wait3A_158 = tpu.memref_slice %arg9[%run_scoped3A_19, %mul3A_18] : memref<16x10240xf32, #tpu.memory_space<vmem_shared>> -> memref<1x640xf32, #tpu.memory_space<vmem_shared>>
      %dma_wait3A_159 = tpu.memref_squeeze %dma_wait3A_158 : memref<1x640xf32, #tpu.memory_space<vmem_shared>> -> memref<640xf32, #tpu.memory_space<vmem_shared>>
      %dma_wait3A_160 = arith.constant 0 : i32
      %dma_wait3A_161 = tpu.memref_slice %arg6[%dma_wait3A_160] : memref<10240xf32, #tpu.memory_space<vmem>> -> memref<640xf32, #tpu.memory_space<vmem>>
      %dma_wait3A_162 = tpu.memref_slice %arg9[%run_scoped3A_19, %mul3A_18] : memref<16x10240xf32, #tpu.memory_space<vmem_shared>> -> memref<1x640xf32, #tpu.memory_space<vmem_shared>>
      %dma_wait3A_163 = tpu.memref_squeeze %dma_wait3A_162 : memref<1x640xf32, #tpu.memory_space<vmem_shared>> -> memref<640xf32, #tpu.memory_space<vmem_shared>>
      tpu.wait_dma2 semaphore(%run_scoped3A_149 : memref<!tpu.dma_semaphore, #tpu.memory_space<semaphore_mem>>) src(%dma_wait3A_163 : memref<640xf32, #tpu.memory_space<vmem_shared>>) dst(%dma_wait3A_161 : memref<640xf32, #tpu.memory_space<vmem>>)
      tpu.yield
    }) : () -> ()
    %scan3A_20 = arith.constant 0 : i32
    %scan3A_21 = arith.constant 40 : i32
    %scan3A_22 = arith.addi %scan3A_20, %scan3A_21 : i32
    %scan3A_23 = arith.constant 1 : i32
    scf.for %scan3A_149 = %scan3A_20 to %scan3A_22 step %scan3A_23  : i32 {
      %mul3A_150 = arith.constant 1 : i32
      %mul3A_151 = arith.muli %scan3A_149, %mul3A_150 : i32
      %add3A_152 = arith.constant 0 : i32
      %add3A_153 = arith.addi %add3A_152, %mul3A_151 : i32
      %mul3A_154 = arith.constant 16 : i32
      %mul3A_155 = arith.muli %add3A_153, %mul3A_154 : i32
      %get3A = arith.index_cast %mul3A_155 : i32 to index
      %get3A_156 = tpu.vector_load %arg7[%get3A] {strides = array<i32>} : memref<640xf32, #tpu.memory_space<vmem>>, vector<16xf32>,
      %get3A_157 = arith.index_cast %mul3A_155 : i32 to index
      %get3A_158 = tpu.vector_load %arg6[%get3A_157] {strides = array<i32>} : memref<10240xf32, #tpu.memory_space<vmem>>, vector<16xf32>,
      %add3A_159 = arith.addf %get3A_156, %get3A_158 : vector<16xf32>
      %swap3A = arith.index_cast %mul3A_155 : i32 to index
      %swap3A_160 = tpu.vector_load %arg7[%swap3A] {strides = array<i32>} : memref<640xf32, #tpu.memory_space<vmem>>, vector<16xf32>,
      tpu.vector_store %arg7[%swap3A], %add3A_159 {strides = array<i32>} : memref<640xf32, #tpu.memory_space<vmem>>, vector<16xf32>,
    }
    %scan3A_24 = arith.constant 40 : i32
    %mul3A_25 = arith.constant 640 : i32
    %mul3A_26 = arith.muli %arg1, %mul3A_25 : i32
    %run_scoped3A_27 = arith.constant 2 : i32
    "tpu.region"() ({
      %run_scoped3A_149 = tpu.sem_alloc : memref<!tpu.dma_semaphore, #tpu.memory_space<semaphore_mem>>
      %dma_start3A = arith.constant 0 : i32
      %dma_start3A_150 = tpu.memref_slice %arg6[%dma_start3A] : memref<10240xf32, #tpu.memory_space<vmem>> -> memref<640xf32, #tpu.memory_space<vmem>>
      %dma_start3A_151 = tpu.memref_slice %arg9[%run_scoped3A_27, %mul3A_26] : memref<16x10240xf32, #tpu.memory_space<vmem_shared>> -> memref<1x640xf32, #tpu.memory_space<vmem_shared>>
      %dma_start3A_152 = tpu.memref_squeeze %dma_start3A_151 : memref<1x640xf32, #tpu.memory_space<vmem_shared>> -> memref<640xf32, #tpu.memory_space<vmem_shared>>
      %dma_start3A_153 = arith.constant 0 : i32
      %dma_start3A_154 = tpu.memref_slice %arg6[%dma_start3A_153] : memref<10240xf32, #tpu.memory_space<vmem>> -> memref<640xf32, #tpu.memory_space<vmem>>
      %dma_start3A_155 = tpu.memref_slice %arg9[%run_scoped3A_27, %mul3A_26] : memref<16x10240xf32, #tpu.memory_space<vmem_shared>> -> memref<1x640xf32, #tpu.memory_space<vmem_shared>>
      %dma_start3A_156 = tpu.memref_squeeze %dma_start3A_155 : memref<1x640xf32, #tpu.memory_space<vmem_shared>> -> memref<640xf32, #tpu.memory_space<vmem_shared>>
      tpu.enqueue_dma source(%dma_start3A_156 : memref<640xf32, #tpu.memory_space<vmem_shared>>) target(%dma_start3A_154 : memref<640xf32, #tpu.memory_space<vmem>>) target_semaphore(%run_scoped3A_149 : memref<!tpu.dma_semaphore, #tpu.memory_space<semaphore_mem>>)
      %dma_wait3A = arith.constant 0 : i32
      %dma_wait3A_157 = tpu.memref_slice %arg6[%dma_wait3A] : memref<10240xf32, #tpu.memory_space<vmem>> -> memref<640xf32, #tpu.memory_space<vmem>>
      %dma_wait3A_158 = tpu.memref_slice %arg9[%run_scoped3A_27, %mul3A_26] : memref<16x10240xf32, #tpu.memory_space<vmem_shared>> -> memref<1x640xf32, #tpu.memory_space<vmem_shared>>
      %dma_wait3A_159 = tpu.memref_squeeze %dma_wait3A_158 : memref<1x640xf32, #tpu.memory_space<vmem_shared>> -> memref<640xf32, #tpu.memory_space<vmem_shared>>
      %dma_wait3A_160 = arith.constant 0 : i32
      %dma_wait3A_161 = tpu.memref_slice %arg6[%dma_wait3A_160] : memref<10240xf32, #tpu.memory_space<vmem>> -> memref<640xf32, #tpu.memory_space<vmem>>
      %dma_wait3A_162 = tpu.memref_slice %arg9[%run_scoped3A_27, %mul3A_26] : memref<16x10240xf32, #tpu.memory_space<vmem_shared>> -> memref<1x640xf32, #tpu.memory_space<vmem_shared>>
      %dma_wait3A_163 = tpu.memref_squeeze %dma_wait3A_162 : memref<1x640xf32, #tpu.memory_space<vmem_shared>> -> memref<640xf32, #tpu.memory_space<vmem_shared>>
      tpu.wait_dma2 semaphore(%run_scoped3A_149 : memref<!tpu.dma_semaphore, #tpu.memory_space<semaphore_mem>>) src(%dma_wait3A_163 : memref<640xf32, #tpu.memory_space<vmem_shared>>) dst(%dma_wait3A_161 : memref<640xf32, #tpu.memory_space<vmem>>)
      tpu.yield
    }) : () -> ()
    %scan3A_28 = arith.constant 0 : i32
    %scan3A_29 = arith.constant 40 : i32
    %scan3A_30 = arith.addi %scan3A_28, %scan3A_29 : i32
    %scan3A_31 = arith.constant 1 : i32
    scf.for %scan3A_149 = %scan3A_28 to %scan3A_30 step %scan3A_31  : i32 {
      %mul3A_150 = arith.constant 1 : i32
      %mul3A_151 = arith.muli %scan3A_149, %mul3A_150 : i32
      %add3A_152 = arith.constant 0 : i32
      %add3A_153 = arith.addi %add3A_152, %mul3A_151 : i32
      %mul3A_154 = arith.constant 16 : i32
      %mul3A_155 = arith.muli %add3A_153, %mul3A_154 : i32
      %get3A = arith.index_cast %mul3A_155 : i32 to index
      %get3A_156 = tpu.vector_load %arg7[%get3A] {strides = array<i32>} : memref<640xf32, #tpu.memory_space<vmem>>, vector<16xf32>,
      %get3A_157 = arith.index_cast %mul3A_155 : i32 to index
      %get3A_158 = tpu.vector_load %arg6[%get3A_157] {strides = array<i32>} : memref<10240xf32, #tpu.memory_space<vmem>>, vector<16xf32>,
      %add3A_159 = arith.addf %get3A_156, %get3A_158 : vector<16xf32>
      %swap3A = arith.index_cast %mul3A_155 : i32 to index
      %swap3A_160 = tpu.vector_load %arg7[%swap3A] {strides = array<i32>} : memref<640xf32, #tpu.memory_space<vmem>>, vector<16xf32>,
      tpu.vector_store %arg7[%swap3A], %add3A_159 {strides = array<i32>} : memref<640xf32, #tpu.memory_space<vmem>>, vector<16xf32>,
    }
    %scan3A_32 = arith.constant 40 : i32
    %mul3A_33 = arith.constant 640 : i32
    %mul3A_34 = arith.muli %arg1, %mul3A_33 : i32
    %run_scoped3A_35 = arith.constant 3 : i32
    "tpu.region"() ({
      %run_scoped3A_149 = tpu.sem_alloc : memref<!tpu.dma_semaphore, #tpu.memory_space<semaphore_mem>>
      %dma_start3A = arith.constant 0 : i32
      %dma_start3A_150 = tpu.memref_slice %arg6[%dma_start3A] : memref<10240xf32, #tpu.memory_space<vmem>> -> memref<640xf32, #tpu.memory_space<vmem>>
      %dma_start3A_151 = tpu.memref_slice %arg9[%run_scoped3A_35, %mul3A_34] : memref<16x10240xf32, #tpu.memory_space<vmem_shared>> -> memref<1x640xf32, #tpu.memory_space<vmem_shared>>
      %dma_start3A_152 = tpu.memref_squeeze %dma_start3A_151 : memref<1x640xf32, #tpu.memory_space<vmem_shared>> -> memref<640xf32, #tpu.memory_space<vmem_shared>>
      %dma_start3A_153 = arith.constant 0 : i32
      %dma_start3A_154 = tpu.memref_slice %arg6[%dma_start3A_153] : memref<10240xf32, #tpu.memory_space<vmem>> -> memref<640xf32, #tpu.memory_space<vmem>>
      %dma_start3A_155 = tpu.memref_slice %arg9[%run_scoped3A_35, %mul3A_34] : memref<16x10240xf32, #tpu.memory_space<vmem_shared>> -> memref<1x640xf32, #tpu.memory_space<vmem_shared>>
      %dma_start3A_156 = tpu.memref_squeeze %dma_start3A_155 : memref<1x640xf32, #tpu.memory_space<vmem_shared>> -> memref<640xf32, #tpu.memory_space<vmem_shared>>
      tpu.enqueue_dma source(%dma_start3A_156 : memref<640xf32, #tpu.memory_space<vmem_shared>>) target(%dma_start3A_154 : memref<640xf32, #tpu.memory_space<vmem>>) target_semaphore(%run_scoped3A_149 : memref<!tpu.dma_semaphore, #tpu.memory_space<semaphore_mem>>)
      %dma_wait3A = arith.constant 0 : i32
      %dma_wait3A_157 = tpu.memref_slice %arg6[%dma_wait3A] : memref<10240xf32, #tpu.memory_space<vmem>> -> memref<640xf32, #tpu.memory_space<vmem>>
      %dma_wait3A_158 = tpu.memref_slice %arg9[%run_scoped3A_35, %mul3A_34] : memref<16x10240xf32, #tpu.memory_space<vmem_shared>> -> memref<1x640xf32, #tpu.memory_space<vmem_shared>>
      %dma_wait3A_159 = tpu.memref_squeeze %dma_wait3A_158 : memref<1x640xf32, #tpu.memory_space<vmem_shared>> -> memref<640xf32, #tpu.memory_space<vmem_shared>>
      %dma_wait3A_160 = arith.constant 0 : i32
      %dma_wait3A_161 = tpu.memref_slice %arg6[%dma_wait3A_160] : memref<10240xf32, #tpu.memory_space<vmem>> -> memref<640xf32, #tpu.memory_space<vmem>>
      %dma_wait3A_162 = tpu.memref_slice %arg9[%run_scoped3A_35, %mul3A_34] : memref<16x10240xf32, #tpu.memory_space<vmem_shared>> -> memref<1x640xf32, #tpu.memory_space<vmem_shared>>
      %dma_wait3A_163 = tpu.memref_squeeze %dma_wait3A_162 : memref<1x640xf32, #tpu.memory_space<vmem_shared>> -> memref<640xf32, #tpu.memory_space<vmem_shared>>
      tpu.wait_dma2 semaphore(%run_scoped3A_149 : memref<!tpu.dma_semaphore, #tpu.memory_space<semaphore_mem>>) src(%dma_wait3A_163 : memref<640xf32, #tpu.memory_space<vmem_shared>>) dst(%dma_wait3A_161 : memref<640xf32, #tpu.memory_space<vmem>>)
      tpu.yield
    }) : () -> ()
    %scan3A_36 = arith.constant 0 : i32
    %scan3A_37 = arith.constant 40 : i32
    %scan3A_38 = arith.addi %scan3A_36, %scan3A_37 : i32
    %scan3A_39 = arith.constant 1 : i32
    scf.for %scan3A_149 = %scan3A_36 to %scan3A_38 step %scan3A_39  : i32 {
      %mul3A_150 = arith.constant 1 : i32
      %mul3A_151 = arith.muli %scan3A_149, %mul3A_150 : i32
      %add3A_152 = arith.constant 0 : i32
      %add3A_153 = arith.addi %add3A_152, %mul3A_151 : i32
      %mul3A_154 = arith.constant 16 : i32
      %mul3A_155 = arith.muli %add3A_153, %mul3A_154 : i32
      %get3A = arith.index_cast %mul3A_155 : i32 to index
      %get3A_156 = tpu.vector_load %arg7[%get3A] {strides = array<i32>} : memref<640xf32, #tpu.memory_space<vmem>>, vector<16xf32>,
      %get3A_157 = arith.index_cast %mul3A_155 : i32 to index
      %get3A_158 = tpu.vector_load %arg6[%get3A_157] {strides = array<i32>} : memref<10240xf32, #tpu.memory_space<vmem>>, vector<16xf32>,
      %add3A_159 = arith.addf %get3A_156, %get3A_158 : vector<16xf32>
      %swap3A = arith.index_cast %mul3A_155 : i32 to index
      %swap3A_160 = tpu.vector_load %arg7[%swap3A] {strides = array<i32>} : memref<640xf32, #tpu.memory_space<vmem>>, vector<16xf32>,
      tpu.vector_store %arg7[%swap3A], %add3A_159 {strides = array<i32>} : memref<640xf32, #tpu.memory_space<vmem>>, vector<16xf32>,
    }
    %scan3A_40 = arith.constant 40 : i32
    %mul3A_41 = arith.constant 640 : i32
    %mul3A_42 = arith.muli %arg1, %mul3A_41 : i32
    %run_scoped3A_43 = arith.constant 4 : i32
    "tpu.region"() ({
      %run_scoped3A_149 = tpu.sem_alloc : memref<!tpu.dma_semaphore, #tpu.memory_space<semaphore_mem>>
      %dma_start3A = arith.constant 0 : i32
      %dma_start3A_150 = tpu.memref_slice %arg6[%dma_start3A] : memref<10240xf32, #tpu.memory_space<vmem>> -> memref<640xf32, #tpu.memory_space<vmem>>
      %dma_start3A_151 = tpu.memref_slice %arg9[%run_scoped3A_43, %mul3A_42] : memref<16x10240xf32, #tpu.memory_space<vmem_shared>> -> memref<1x640xf32, #tpu.memory_space<vmem_shared>>
      %dma_start3A_152 = tpu.memref_squeeze %dma_start3A_151 : memref<1x640xf32, #tpu.memory_space<vmem_shared>> -> memref<640xf32, #tpu.memory_space<vmem_shared>>
      %dma_start3A_153 = arith.constant 0 : i32
      %dma_start3A_154 = tpu.memref_slice %arg6[%dma_start3A_153] : memref<10240xf32, #tpu.memory_space<vmem>> -> memref<640xf32, #tpu.memory_space<vmem>>
      %dma_start3A_155 = tpu.memref_slice %arg9[%run_scoped3A_43, %mul3A_42] : memref<16x10240xf32, #tpu.memory_space<vmem_shared>> -> memref<1x640xf32, #tpu.memory_space<vmem_shared>>
      %dma_start3A_156 = tpu.memref_squeeze %dma_start3A_155 : memref<1x640xf32, #tpu.memory_space<vmem_shared>> -> memref<640xf32, #tpu.memory_space<vmem_shared>>
      tpu.enqueue_dma source(%dma_start3A_156 : memref<640xf32, #tpu.memory_space<vmem_shared>>) target(%dma_start3A_154 : memref<640xf32, #tpu.memory_space<vmem>>) target_semaphore(%run_scoped3A_149 : memref<!tpu.dma_semaphore, #tpu.memory_space<semaphore_mem>>)
      %dma_wait3A = arith.constant 0 : i32
      %dma_wait3A_157 = tpu.memref_slice %arg6[%dma_wait3A] : memref<10240xf32, #tpu.memory_space<vmem>> -> memref<640xf32, #tpu.memory_space<vmem>>
      %dma_wait3A_158 = tpu.memref_slice %arg9[%run_scoped3A_43, %mul3A_42] : memref<16x10240xf32, #tpu.memory_space<vmem_shared>> -> memref<1x640xf32, #tpu.memory_space<vmem_shared>>
      %dma_wait3A_159 = tpu.memref_squeeze %dma_wait3A_158 : memref<1x640xf32, #tpu.memory_space<vmem_shared>> -> memref<640xf32, #tpu.memory_space<vmem_shared>>
      %dma_wait3A_160 = arith.constant 0 : i32
      %dma_wait3A_161 = tpu.memref_slice %arg6[%dma_wait3A_160] : memref<10240xf32, #tpu.memory_space<vmem>> -> memref<640xf32, #tpu.memory_space<vmem>>
      %dma_wait3A_162 = tpu.memref_slice %arg9[%run_scoped3A_43, %mul3A_42] : memref<16x10240xf32, #tpu.memory_space<vmem_shared>> -> memref<1x640xf32, #tpu.memory_space<vmem_shared>>
      %dma_wait3A_163 = tpu.memref_squeeze %dma_wait3A_162 : memref<1x640xf32, #tpu.memory_space<vmem_shared>> -> memref<640xf32, #tpu.memory_space<vmem_shared>>
      tpu.wait_dma2 semaphore(%run_scoped3A_149 : memref<!tpu.dma_semaphore, #tpu.memory_space<semaphore_mem>>) src(%dma_wait3A_163 : memref<640xf32, #tpu.memory_space<vmem_shared>>) dst(%dma_wait3A_161 : memref<640xf32, #tpu.memory_space<vmem>>)
      tpu.yield
    }) : () -> ()
    %scan3A_44 = arith.constant 0 : i32
    %scan3A_45 = arith.constant 40 : i32
    %scan3A_46 = arith.addi %scan3A_44, %scan3A_45 : i32
    %scan3A_47 = arith.constant 1 : i32
    scf.for %scan3A_149 = %scan3A_44 to %scan3A_46 step %scan3A_47  : i32 {
      %mul3A_150 = arith.constant 1 : i32
      %mul3A_151 = arith.muli %scan3A_149, %mul3A_150 : i32
      %add3A_152 = arith.constant 0 : i32
      %add3A_153 = arith.addi %add3A_152, %mul3A_151 : i32
      %mul3A_154 = arith.constant 16 : i32
      %mul3A_155 = arith.muli %add3A_153, %mul3A_154 : i32
      %get3A = arith.index_cast %mul3A_155 : i32 to index
      %get3A_156 = tpu.vector_load %arg7[%get3A] {strides = array<i32>} : memref<640xf32, #tpu.memory_space<vmem>>, vector<16xf32>,
      %get3A_157 = arith.index_cast %mul3A_155 : i32 to index
      %get3A_158 = tpu.vector_load %arg6[%get3A_157] {strides = array<i32>} : memref<10240xf32, #tpu.memory_space<vmem>>, vector<16xf32>,
      %add3A_159 = arith.addf %get3A_156, %get3A_158 : vector<16xf32>
      %swap3A = arith.index_cast %mul3A_155 : i32 to index
      %swap3A_160 = tpu.vector_load %arg7[%swap3A] {strides = array<i32>} : memref<640xf32, #tpu.memory_space<vmem>>, vector<16xf32>,
      tpu.vector_store %arg7[%swap3A], %add3A_159 {strides = array<i32>} : memref<640xf32, #tpu.memory_space<vmem>>, vector<16xf32>,
    }
    %scan3A_48 = arith.constant 40 : i32
    %mul3A_49 = arith.constant 640 : i32
    %mul3A_50 = arith.muli %arg1, %mul3A_49 : i32
    %run_scoped3A_51 = arith.constant 5 : i32
    "tpu.region"() ({
      %run_scoped3A_149 = tpu.sem_alloc : memref<!tpu.dma_semaphore, #tpu.memory_space<semaphore_mem>>
      %dma_start3A = arith.constant 0 : i32
      %dma_start3A_150 = tpu.memref_slice %arg6[%dma_start3A] : memref<10240xf32, #tpu.memory_space<vmem>> -> memref<640xf32, #tpu.memory_space<vmem>>
      %dma_start3A_151 = tpu.memref_slice %arg9[%run_scoped3A_51, %mul3A_50] : memref<16x10240xf32, #tpu.memory_space<vmem_shared>> -> memref<1x640xf32, #tpu.memory_space<vmem_shared>>
      %dma_start3A_152 = tpu.memref_squeeze %dma_start3A_151 : memref<1x640xf32, #tpu.memory_space<vmem_shared>> -> memref<640xf32, #tpu.memory_space<vmem_shared>>
      %dma_start3A_153 = arith.constant 0 : i32
      %dma_start3A_154 = tpu.memref_slice %arg6[%dma_start3A_153] : memref<10240xf32, #tpu.memory_space<vmem>> -> memref<640xf32, #tpu.memory_space<vmem>>
      %dma_start3A_155 = tpu.memref_slice %arg9[%run_scoped3A_51, %mul3A_50] : memref<16x10240xf32, #tpu.memory_space<vmem_shared>> -> memref<1x640xf32, #tpu.memory_space<vmem_shared>>
      %dma_start3A_156 = tpu.memref_squeeze %dma_start3A_155 : memref<1x640xf32, #tpu.memory_space<vmem_shared>> -> memref<640xf32, #tpu.memory_space<vmem_shared>>
      tpu.enqueue_dma source(%dma_start3A_156 : memref<640xf32, #tpu.memory_space<vmem_shared>>) target(%dma_start3A_154 : memref<640xf32, #tpu.memory_space<vmem>>) target_semaphore(%run_scoped3A_149 : memref<!tpu.dma_semaphore, #tpu.memory_space<semaphore_mem>>)
      %dma_wait3A = arith.constant 0 : i32
      %dma_wait3A_157 = tpu.memref_slice %arg6[%dma_wait3A] : memref<10240xf32, #tpu.memory_space<vmem>> -> memref<640xf32, #tpu.memory_space<vmem>>
      %dma_wait3A_158 = tpu.memref_slice %arg9[%run_scoped3A_51, %mul3A_50] : memref<16x10240xf32, #tpu.memory_space<vmem_shared>> -> memref<1x640xf32, #tpu.memory_space<vmem_shared>>
      %dma_wait3A_159 = tpu.memref_squeeze %dma_wait3A_158 : memref<1x640xf32, #tpu.memory_space<vmem_shared>> -> memref<640xf32, #tpu.memory_space<vmem_shared>>
      %dma_wait3A_160 = arith.constant 0 : i32
      %dma_wait3A_161 = tpu.memref_slice %arg6[%dma_wait3A_160] : memref<10240xf32, #tpu.memory_space<vmem>> -> memref<640xf32, #tpu.memory_space<vmem>>
      %dma_wait3A_162 = tpu.memref_slice %arg9[%run_scoped3A_51, %mul3A_50] : memref<16x10240xf32, #tpu.memory_space<vmem_shared>> -> memref<1x640xf32, #tpu.memory_space<vmem_shared>>
      %dma_wait3A_163 = tpu.memref_squeeze %dma_wait3A_162 : memref<1x640xf32, #tpu.memory_space<vmem_shared>> -> memref<640xf32, #tpu.memory_space<vmem_shared>>
      tpu.wait_dma2 semaphore(%run_scoped3A_149 : memref<!tpu.dma_semaphore, #tpu.memory_space<semaphore_mem>>) src(%dma_wait3A_163 : memref<640xf32, #tpu.memory_space<vmem_shared>>) dst(%dma_wait3A_161 : memref<640xf32, #tpu.memory_space<vmem>>)
      tpu.yield
    }) : () -> ()
    %scan3A_52 = arith.constant 0 : i32
    %scan3A_53 = arith.constant 40 : i32
    %scan3A_54 = arith.addi %scan3A_52, %scan3A_53 : i32
    %scan3A_55 = arith.constant 1 : i32
    scf.for %scan3A_149 = %scan3A_52 to %scan3A_54 step %scan3A_55  : i32 {
      %mul3A_150 = arith.constant 1 : i32
      %mul3A_151 = arith.muli %scan3A_149, %mul3A_150 : i32
      %add3A_152 = arith.constant 0 : i32
      %add3A_153 = arith.addi %add3A_152, %mul3A_151 : i32
      %mul3A_154 = arith.constant 16 : i32
      %mul3A_155 = arith.muli %add3A_153, %mul3A_154 : i32
      %get3A = arith.index_cast %mul3A_155 : i32 to index
      %get3A_156 = tpu.vector_load %arg7[%get3A] {strides = array<i32>} : memref<640xf32, #tpu.memory_space<vmem>>, vector<16xf32>,
      %get3A_157 = arith.index_cast %mul3A_155 : i32 to index
      %get3A_158 = tpu.vector_load %arg6[%get3A_157] {strides = array<i32>} : memref<10240xf32, #tpu.memory_space<vmem>>, vector<16xf32>,
      %add3A_159 = arith.addf %get3A_156, %get3A_158 : vector<16xf32>
      %swap3A = arith.index_cast %mul3A_155 : i32 to index
      %swap3A_160 = tpu.vector_load %arg7[%swap3A] {strides = array<i32>} : memref<640xf32, #tpu.memory_space<vmem>>, vector<16xf32>,
      tpu.vector_store %arg7[%swap3A], %add3A_159 {strides = array<i32>} : memref<640xf32, #tpu.memory_space<vmem>>, vector<16xf32>,
    }
    %scan3A_56 = arith.constant 40 : i32
    %mul3A_57 = arith.constant 640 : i32
    %mul3A_58 = arith.muli %arg1, %mul3A_57 : i32
    %run_scoped3A_59 = arith.constant 6 : i32
    "tpu.region"() ({
      %run_scoped3A_149 = tpu.sem_alloc : memref<!tpu.dma_semaphore, #tpu.memory_space<semaphore_mem>>
      %dma_start3A = arith.constant 0 : i32
      %dma_start3A_150 = tpu.memref_slice %arg6[%dma_start3A] : memref<10240xf32, #tpu.memory_space<vmem>> -> memref<640xf32, #tpu.memory_space<vmem>>
      %dma_start3A_151 = tpu.memref_slice %arg9[%run_scoped3A_59, %mul3A_58] : memref<16x10240xf32, #tpu.memory_space<vmem_shared>> -> memref<1x640xf32, #tpu.memory_space<vmem_shared>>
      %dma_start3A_152 = tpu.memref_squeeze %dma_start3A_151 : memref<1x640xf32, #tpu.memory_space<vmem_shared>> -> memref<640xf32, #tpu.memory_space<vmem_shared>>
      %dma_start3A_153 = arith.constant 0 : i32
      %dma_start3A_154 = tpu.memref_slice %arg6[%dma_start3A_153] : memref<10240xf32, #tpu.memory_space<vmem>> -> memref<640xf32, #tpu.memory_space<vmem>>
      %dma_start3A_155 = tpu.memref_slice %arg9[%run_scoped3A_59, %mul3A_58] : memref<16x10240xf32, #tpu.memory_space<vmem_shared>> -> memref<1x640xf32, #tpu.memory_space<vmem_shared>>
      %dma_start3A_156 = tpu.memref_squeeze %dma_start3A_155 : memref<1x640xf32, #tpu.memory_space<vmem_shared>> -> memref<640xf32, #tpu.memory_space<vmem_shared>>
      tpu.enqueue_dma source(%dma_start3A_156 : memref<640xf32, #tpu.memory_space<vmem_shared>>) target(%dma_start3A_154 : memref<640xf32, #tpu.memory_space<vmem>>) target_semaphore(%run_scoped3A_149 : memref<!tpu.dma_semaphore, #tpu.memory_space<semaphore_mem>>)
      %dma_wait3A = arith.constant 0 : i32
      %dma_wait3A_157 = tpu.memref_slice %arg6[%dma_wait3A] : memref<10240xf32, #tpu.memory_space<vmem>> -> memref<640xf32, #tpu.memory_space<vmem>>
      %dma_wait3A_158 = tpu.memref_slice %arg9[%run_scoped3A_59, %mul3A_58] : memref<16x10240xf32, #tpu.memory_space<vmem_shared>> -> memref<1x640xf32, #tpu.memory_space<vmem_shared>>
      %dma_wait3A_159 = tpu.memref_squeeze %dma_wait3A_158 : memref<1x640xf32, #tpu.memory_space<vmem_shared>> -> memref<640xf32, #tpu.memory_space<vmem_shared>>
      %dma_wait3A_160 = arith.constant 0 : i32
      %dma_wait3A_161 = tpu.memref_slice %arg6[%dma_wait3A_160] : memref<10240xf32, #tpu.memory_space<vmem>> -> memref<640xf32, #tpu.memory_space<vmem>>
      %dma_wait3A_162 = tpu.memref_slice %arg9[%run_scoped3A_59, %mul3A_58] : memref<16x10240xf32, #tpu.memory_space<vmem_shared>> -> memref<1x640xf32, #tpu.memory_space<vmem_shared>>
      %dma_wait3A_163 = tpu.memref_squeeze %dma_wait3A_162 : memref<1x640xf32, #tpu.memory_space<vmem_shared>> -> memref<640xf32, #tpu.memory_space<vmem_shared>>
      tpu.wait_dma2 semaphore(%run_scoped3A_149 : memref<!tpu.dma_semaphore, #tpu.memory_space<semaphore_mem>>) src(%dma_wait3A_163 : memref<640xf32, #tpu.memory_space<vmem_shared>>) dst(%dma_wait3A_161 : memref<640xf32, #tpu.memory_space<vmem>>)
      tpu.yield
    }) : () -> ()
    %scan3A_60 = arith.constant 0 : i32
    %scan3A_61 = arith.constant 40 : i32
    %scan3A_62 = arith.addi %scan3A_60, %scan3A_61 : i32
    %scan3A_63 = arith.constant 1 : i32
    scf.for %scan3A_149 = %scan3A_60 to %scan3A_62 step %scan3A_63  : i32 {
      %mul3A_150 = arith.constant 1 : i32
      %mul3A_151 = arith.muli %scan3A_149, %mul3A_150 : i32
      %add3A_152 = arith.constant 0 : i32
      %add3A_153 = arith.addi %add3A_152, %mul3A_151 : i32
      %mul3A_154 = arith.constant 16 : i32
      %mul3A_155 = arith.muli %add3A_153, %mul3A_154 : i32
      %get3A = arith.index_cast %mul3A_155 : i32 to index
      %get3A_156 = tpu.vector_load %arg7[%get3A] {strides = array<i32>} : memref<640xf32, #tpu.memory_space<vmem>>, vector<16xf32>,
      %get3A_157 = arith.index_cast %mul3A_155 : i32 to index
      %get3A_158 = tpu.vector_load %arg6[%get3A_157] {strides = array<i32>} : memref<10240xf32, #tpu.memory_space<vmem>>, vector<16xf32>,
      %add3A_159 = arith.addf %get3A_156, %get3A_158 : vector<16xf32>
      %swap3A = arith.index_cast %mul3A_155 : i32 to index
      %swap3A_160 = tpu.vector_load %arg7[%swap3A] {strides = array<i32>} : memref<640xf32, #tpu.memory_space<vmem>>, vector<16xf32>,
      tpu.vector_store %arg7[%swap3A], %add3A_159 {strides = array<i32>} : memref<640xf32, #tpu.memory_space<vmem>>, vector<16xf32>,
    }
    %scan3A_64 = arith.constant 40 : i32
    %mul3A_65 = arith.constant 640 : i32
    %mul3A_66 = arith.muli %arg1, %mul3A_65 : i32
    %run_scoped3A_67 = arith.constant 7 : i32
    "tpu.region"() ({
      %run_scoped3A_149 = tpu.sem_alloc : memref<!tpu.dma_semaphore, #tpu.memory_space<semaphore_mem>>
      %dma_start3A = arith.constant 0 : i32
      %dma_start3A_150 = tpu.memref_slice %arg6[%dma_start3A] : memref<10240xf32, #tpu.memory_space<vmem>> -> memref<640xf32, #tpu.memory_space<vmem>>
      %dma_start3A_151 = tpu.memref_slice %arg9[%run_scoped3A_67, %mul3A_66] : memref<16x10240xf32, #tpu.memory_space<vmem_shared>> -> memref<1x640xf32, #tpu.memory_space<vmem_shared>>
      %dma_start3A_152 = tpu.memref_squeeze %dma_start3A_151 : memref<1x640xf32, #tpu.memory_space<vmem_shared>> -> memref<640xf32, #tpu.memory_space<vmem_shared>>
      %dma_start3A_153 = arith.constant 0 : i32
      %dma_start3A_154 = tpu.memref_slice %arg6[%dma_start3A_153] : memref<10240xf32, #tpu.memory_space<vmem>> -> memref<640xf32, #tpu.memory_space<vmem>>
      %dma_start3A_155 = tpu.memref_slice %arg9[%run_scoped3A_67, %mul3A_66] : memref<16x10240xf32, #tpu.memory_space<vmem_shared>> -> memref<1x640xf32, #tpu.memory_space<vmem_shared>>
      %dma_start3A_156 = tpu.memref_squeeze %dma_start3A_155 : memref<1x640xf32, #tpu.memory_space<vmem_shared>> -> memref<640xf32, #tpu.memory_space<vmem_shared>>
      tpu.enqueue_dma source(%dma_start3A_156 : memref<640xf32, #tpu.memory_space<vmem_shared>>) target(%dma_start3A_154 : memref<640xf32, #tpu.memory_space<vmem>>) target_semaphore(%run_scoped3A_149 : memref<!tpu.dma_semaphore, #tpu.memory_space<semaphore_mem>>)
      %dma_wait3A = arith.constant 0 : i32
      %dma_wait3A_157 = tpu.memref_slice %arg6[%dma_wait3A] : memref<10240xf32, #tpu.memory_space<vmem>> -> memref<640xf32, #tpu.memory_space<vmem>>
      %dma_wait3A_158 = tpu.memref_slice %arg9[%run_scoped3A_67, %mul3A_66] : memref<16x10240xf32, #tpu.memory_space<vmem_shared>> -> memref<1x640xf32, #tpu.memory_space<vmem_shared>>
      %dma_wait3A_159 = tpu.memref_squeeze %dma_wait3A_158 : memref<1x640xf32, #tpu.memory_space<vmem_shared>> -> memref<640xf32, #tpu.memory_space<vmem_shared>>
      %dma_wait3A_160 = arith.constant 0 : i32
      %dma_wait3A_161 = tpu.memref_slice %arg6[%dma_wait3A_160] : memref<10240xf32, #tpu.memory_space<vmem>> -> memref<640xf32, #tpu.memory_space<vmem>>
      %dma_wait3A_162 = tpu.memref_slice %arg9[%run_scoped3A_67, %mul3A_66] : memref<16x10240xf32, #tpu.memory_space<vmem_shared>> -> memref<1x640xf32, #tpu.memory_space<vmem_shared>>
      %dma_wait3A_163 = tpu.memref_squeeze %dma_wait3A_162 : memref<1x640xf32, #tpu.memory_space<vmem_shared>> -> memref<640xf32, #tpu.memory_space<vmem_shared>>
      tpu.wait_dma2 semaphore(%run_scoped3A_149 : memref<!tpu.dma_semaphore, #tpu.memory_space<semaphore_mem>>) src(%dma_wait3A_163 : memref<640xf32, #tpu.memory_space<vmem_shared>>) dst(%dma_wait3A_161 : memref<640xf32, #tpu.memory_space<vmem>>)
      tpu.yield
    }) : () -> ()
    %scan3A_68 = arith.constant 0 : i32
    %scan3A_69 = arith.constant 40 : i32
    %scan3A_70 = arith.addi %scan3A_68, %scan3A_69 : i32
    %scan3A_71 = arith.constant 1 : i32
    scf.for %scan3A_149 = %scan3A_68 to %scan3A_70 step %scan3A_71  : i32 {
      %mul3A_150 = arith.constant 1 : i32
      %mul3A_151 = arith.muli %scan3A_149, %mul3A_150 : i32
      %add3A_152 = arith.constant 0 : i32
      %add3A_153 = arith.addi %add3A_152, %mul3A_151 : i32
      %mul3A_154 = arith.constant 16 : i32
      %mul3A_155 = arith.muli %add3A_153, %mul3A_154 : i32
      %get3A = arith.index_cast %mul3A_155 : i32 to index
      %get3A_156 = tpu.vector_load %arg7[%get3A] {strides = array<i32>} : memref<640xf32, #tpu.memory_space<vmem>>, vector<16xf32>,
      %get3A_157 = arith.index_cast %mul3A_155 : i32 to index
      %get3A_158 = tpu.vector_load %arg6[%get3A_157] {strides = array<i32>} : memref<10240xf32, #tpu.memory_space<vmem>>, vector<16xf32>,
      %add3A_159 = arith.addf %get3A_156, %get3A_158 : vector<16xf32>
      %swap3A = arith.index_cast %mul3A_155 : i32 to index
      %swap3A_160 = tpu.vector_load %arg7[%swap3A] {strides = array<i32>} : memref<640xf32, #tpu.memory_space<vmem>>, vector<16xf32>,
      tpu.vector_store %arg7[%swap3A], %add3A_159 {strides = array<i32>} : memref<640xf32, #tpu.memory_space<vmem>>, vector<16xf32>,
    }
    %scan3A_72 = arith.constant 40 : i32
    %mul3A_73 = arith.constant 640 : i32
    %mul3A_74 = arith.muli %arg1, %mul3A_73 : i32
    %run_scoped3A_75 = arith.constant 8 : i32
    "tpu.region"() ({
      %run_scoped3A_149 = tpu.sem_alloc : memref<!tpu.dma_semaphore, #tpu.memory_space<semaphore_mem>>
      %dma_start3A = arith.constant 0 : i32
      %dma_start3A_150 = tpu.memref_slice %arg6[%dma_start3A] : memref<10240xf32, #tpu.memory_space<vmem>> -> memref<640xf32, #tpu.memory_space<vmem>>
      %dma_start3A_151 = tpu.memref_slice %arg9[%run_scoped3A_75, %mul3A_74] : memref<16x10240xf32, #tpu.memory_space<vmem_shared>> -> memref<1x640xf32, #tpu.memory_space<vmem_shared>>
      %dma_start3A_152 = tpu.memref_squeeze %dma_start3A_151 : memref<1x640xf32, #tpu.memory_space<vmem_shared>> -> memref<640xf32, #tpu.memory_space<vmem_shared>>
      %dma_start3A_153 = arith.constant 0 : i32
      %dma_start3A_154 = tpu.memref_slice %arg6[%dma_start3A_153] : memref<10240xf32, #tpu.memory_space<vmem>> -> memref<640xf32, #tpu.memory_space<vmem>>
      %dma_start3A_155 = tpu.memref_slice %arg9[%run_scoped3A_75, %mul3A_74] : memref<16x10240xf32, #tpu.memory_space<vmem_shared>> -> memref<1x640xf32, #tpu.memory_space<vmem_shared>>
      %dma_start3A_156 = tpu.memref_squeeze %dma_start3A_155 : memref<1x640xf32, #tpu.memory_space<vmem_shared>> -> memref<640xf32, #tpu.memory_space<vmem_shared>>
      tpu.enqueue_dma source(%dma_start3A_156 : memref<640xf32, #tpu.memory_space<vmem_shared>>) target(%dma_start3A_154 : memref<640xf32, #tpu.memory_space<vmem>>) target_semaphore(%run_scoped3A_149 : memref<!tpu.dma_semaphore, #tpu.memory_space<semaphore_mem>>)
      %dma_wait3A = arith.constant 0 : i32
      %dma_wait3A_157 = tpu.memref_slice %arg6[%dma_wait3A] : memref<10240xf32, #tpu.memory_space<vmem>> -> memref<640xf32, #tpu.memory_space<vmem>>
      %dma_wait3A_158 = tpu.memref_slice %arg9[%run_scoped3A_75, %mul3A_74] : memref<16x10240xf32, #tpu.memory_space<vmem_shared>> -> memref<1x640xf32, #tpu.memory_space<vmem_shared>>
      %dma_wait3A_159 = tpu.memref_squeeze %dma_wait3A_158 : memref<1x640xf32, #tpu.memory_space<vmem_shared>> -> memref<640xf32, #tpu.memory_space<vmem_shared>>
      %dma_wait3A_160 = arith.constant 0 : i32
      %dma_wait3A_161 = tpu.memref_slice %arg6[%dma_wait3A_160] : memref<10240xf32, #tpu.memory_space<vmem>> -> memref<640xf32, #tpu.memory_space<vmem>>
      %dma_wait3A_162 = tpu.memref_slice %arg9[%run_scoped3A_75, %mul3A_74] : memref<16x10240xf32, #tpu.memory_space<vmem_shared>> -> memref<1x640xf32, #tpu.memory_space<vmem_shared>>
      %dma_wait3A_163 = tpu.memref_squeeze %dma_wait3A_162 : memref<1x640xf32, #tpu.memory_space<vmem_shared>> -> memref<640xf32, #tpu.memory_space<vmem_shared>>
      tpu.wait_dma2 semaphore(%run_scoped3A_149 : memref<!tpu.dma_semaphore, #tpu.memory_space<semaphore_mem>>) src(%dma_wait3A_163 : memref<640xf32, #tpu.memory_space<vmem_shared>>) dst(%dma_wait3A_161 : memref<640xf32, #tpu.memory_space<vmem>>)
      tpu.yield
    }) : () -> ()
    %scan3A_76 = arith.constant 0 : i32
    %scan3A_77 = arith.constant 40 : i32
    %scan3A_78 = arith.addi %scan3A_76, %scan3A_77 : i32
    %scan3A_79 = arith.constant 1 : i32
    scf.for %scan3A_149 = %scan3A_76 to %scan3A_78 step %scan3A_79  : i32 {
      %mul3A_150 = arith.constant 1 : i32
      %mul3A_151 = arith.muli %scan3A_149, %mul3A_150 : i32
      %add3A_152 = arith.constant 0 : i32
      %add3A_153 = arith.addi %add3A_152, %mul3A_151 : i32
      %mul3A_154 = arith.constant 16 : i32
      %mul3A_155 = arith.muli %add3A_153, %mul3A_154 : i32
      %get3A = arith.index_cast %mul3A_155 : i32 to index
      %get3A_156 = tpu.vector_load %arg7[%get3A] {strides = array<i32>} : memref<640xf32, #tpu.memory_space<vmem>>, vector<16xf32>,
      %get3A_157 = arith.index_cast %mul3A_155 : i32 to index
      %get3A_158 = tpu.vector_load %arg6[%get3A_157] {strides = array<i32>} : memref<10240xf32, #tpu.memory_space<vmem>>, vector<16xf32>,
      %add3A_159 = arith.addf %get3A_156, %get3A_158 : vector<16xf32>
      %swap3A = arith.index_cast %mul3A_155 : i32 to index
      %swap3A_160 = tpu.vector_load %arg7[%swap3A] {strides = array<i32>} : memref<640xf32, #tpu.memory_space<vmem>>, vector<16xf32>,
      tpu.vector_store %arg7[%swap3A], %add3A_159 {strides = array<i32>} : memref<640xf32, #tpu.memory_space<vmem>>, vector<16xf32>,
    }
    %scan3A_80 = arith.constant 40 : i32
    %mul3A_81 = arith.constant 640 : i32
    %mul3A_82 = arith.muli %arg1, %mul3A_81 : i32
    %run_scoped3A_83 = arith.constant 9 : i32
    "tpu.region"() ({
      %run_scoped3A_149 = tpu.sem_alloc : memref<!tpu.dma_semaphore, #tpu.memory_space<semaphore_mem>>
      %dma_start3A = arith.constant 0 : i32
      %dma_start3A_150 = tpu.memref_slice %arg6[%dma_start3A] : memref<10240xf32, #tpu.memory_space<vmem>> -> memref<640xf32, #tpu.memory_space<vmem>>
      %dma_start3A_151 = tpu.memref_slice %arg9[%run_scoped3A_83, %mul3A_82] : memref<16x10240xf32, #tpu.memory_space<vmem_shared>> -> memref<1x640xf32, #tpu.memory_space<vmem_shared>>
      %dma_start3A_152 = tpu.memref_squeeze %dma_start3A_151 : memref<1x640xf32, #tpu.memory_space<vmem_shared>> -> memref<640xf32, #tpu.memory_space<vmem_shared>>
      %dma_start3A_153 = arith.constant 0 : i32
      %dma_start3A_154 = tpu.memref_slice %arg6[%dma_start3A_153] : memref<10240xf32, #tpu.memory_space<vmem>> -> memref<640xf32, #tpu.memory_space<vmem>>
      %dma_start3A_155 = tpu.memref_slice %arg9[%run_scoped3A_83, %mul3A_82] : memref<16x10240xf32, #tpu.memory_space<vmem_shared>> -> memref<1x640xf32, #tpu.memory_space<vmem_shared>>
      %dma_start3A_156 = tpu.memref_squeeze %dma_start3A_155 : memref<1x640xf32, #tpu.memory_space<vmem_shared>> -> memref<640xf32, #tpu.memory_space<vmem_shared>>
      tpu.enqueue_dma source(%dma_start3A_156 : memref<640xf32, #tpu.memory_space<vmem_shared>>) target(%dma_start3A_154 : memref<640xf32, #tpu.memory_space<vmem>>) target_semaphore(%run_scoped3A_149 : memref<!tpu.dma_semaphore, #tpu.memory_space<semaphore_mem>>)
      %dma_wait3A = arith.constant 0 : i32
      %dma_wait3A_157 = tpu.memref_slice %arg6[%dma_wait3A] : memref<10240xf32, #tpu.memory_space<vmem>> -> memref<640xf32, #tpu.memory_space<vmem>>
      %dma_wait3A_158 = tpu.memref_slice %arg9[%run_scoped3A_83, %mul3A_82] : memref<16x10240xf32, #tpu.memory_space<vmem_shared>> -> memref<1x640xf32, #tpu.memory_space<vmem_shared>>
      %dma_wait3A_159 = tpu.memref_squeeze %dma_wait3A_158 : memref<1x640xf32, #tpu.memory_space<vmem_shared>> -> memref<640xf32, #tpu.memory_space<vmem_shared>>
      %dma_wait3A_160 = arith.constant 0 : i32
      %dma_wait3A_161 = tpu.memref_slice %arg6[%dma_wait3A_160] : memref<10240xf32, #tpu.memory_space<vmem>> -> memref<640xf32, #tpu.memory_space<vmem>>
      %dma_wait3A_162 = tpu.memref_slice %arg9[%run_scoped3A_83, %mul3A_82] : memref<16x10240xf32, #tpu.memory_space<vmem_shared>> -> memref<1x640xf32, #tpu.memory_space<vmem_shared>>
      %dma_wait3A_163 = tpu.memref_squeeze %dma_wait3A_162 : memref<1x640xf32, #tpu.memory_space<vmem_shared>> -> memref<640xf32, #tpu.memory_space<vmem_shared>>
      tpu.wait_dma2 semaphore(%run_scoped3A_149 : memref<!tpu.dma_semaphore, #tpu.memory_space<semaphore_mem>>) src(%dma_wait3A_163 : memref<640xf32, #tpu.memory_space<vmem_shared>>) dst(%dma_wait3A_161 : memref<640xf32, #tpu.memory_space<vmem>>)
      tpu.yield
    }) : () -> ()
    %scan3A_84 = arith.constant 0 : i32
    %scan3A_85 = arith.constant 40 : i32
    %scan3A_86 = arith.addi %scan3A_84, %scan3A_85 : i32
    %scan3A_87 = arith.constant 1 : i32
    scf.for %scan3A_149 = %scan3A_84 to %scan3A_86 step %scan3A_87  : i32 {
      %mul3A_150 = arith.constant 1 : i32
      %mul3A_151 = arith.muli %scan3A_149, %mul3A_150 : i32
      %add3A_152 = arith.constant 0 : i32
      %add3A_153 = arith.addi %add3A_152, %mul3A_151 : i32
      %mul3A_154 = arith.constant 16 : i32
      %mul3A_155 = arith.muli %add3A_153, %mul3A_154 : i32
      %get3A = arith.index_cast %mul3A_155 : i32 to index
      %get3A_156 = tpu.vector_load %arg7[%get3A] {strides = array<i32>} : memref<640xf32, #tpu.memory_space<vmem>>, vector<16xf32>,
      %get3A_157 = arith.index_cast %mul3A_155 : i32 to index
      %get3A_158 = tpu.vector_load %arg6[%get3A_157] {strides = array<i32>} : memref<10240xf32, #tpu.memory_space<vmem>>, vector<16xf32>,
      %add3A_159 = arith.addf %get3A_156, %get3A_158 : vector<16xf32>
      %swap3A = arith.index_cast %mul3A_155 : i32 to index
      %swap3A_160 = tpu.vector_load %arg7[%swap3A] {strides = array<i32>} : memref<640xf32, #tpu.memory_space<vmem>>, vector<16xf32>,
      tpu.vector_store %arg7[%swap3A], %add3A_159 {strides = array<i32>} : memref<640xf32, #tpu.memory_space<vmem>>, vector<16xf32>,
    }
    %scan3A_88 = arith.constant 40 : i32
    %mul3A_89 = arith.constant 640 : i32
    %mul3A_90 = arith.muli %arg1, %mul3A_89 : i32
    %run_scoped3A_91 = arith.constant 10 : i32
    "tpu.region"() ({
      %run_scoped3A_149 = tpu.sem_alloc : memref<!tpu.dma_semaphore, #tpu.memory_space<semaphore_mem>>
      %dma_start3A = arith.constant 0 : i32
      %dma_start3A_150 = tpu.memref_slice %arg6[%dma_start3A] : memref<10240xf32, #tpu.memory_space<vmem>> -> memref<640xf32, #tpu.memory_space<vmem>>
      %dma_start3A_151 = tpu.memref_slice %arg9[%run_scoped3A_91, %mul3A_90] : memref<16x10240xf32, #tpu.memory_space<vmem_shared>> -> memref<1x640xf32, #tpu.memory_space<vmem_shared>>
      %dma_start3A_152 = tpu.memref_squeeze %dma_start3A_151 : memref<1x640xf32, #tpu.memory_space<vmem_shared>> -> memref<640xf32, #tpu.memory_space<vmem_shared>>
      %dma_start3A_153 = arith.constant 0 : i32
      %dma_start3A_154 = tpu.memref_slice %arg6[%dma_start3A_153] : memref<10240xf32, #tpu.memory_space<vmem>> -> memref<640xf32, #tpu.memory_space<vmem>>
      %dma_start3A_155 = tpu.memref_slice %arg9[%run_scoped3A_91, %mul3A_90] : memref<16x10240xf32, #tpu.memory_space<vmem_shared>> -> memref<1x640xf32, #tpu.memory_space<vmem_shared>>
      %dma_start3A_156 = tpu.memref_squeeze %dma_start3A_155 : memref<1x640xf32, #tpu.memory_space<vmem_shared>> -> memref<640xf32, #tpu.memory_space<vmem_shared>>
      tpu.enqueue_dma source(%dma_start3A_156 : memref<640xf32, #tpu.memory_space<vmem_shared>>) target(%dma_start3A_154 : memref<640xf32, #tpu.memory_space<vmem>>) target_semaphore(%run_scoped3A_149 : memref<!tpu.dma_semaphore, #tpu.memory_space<semaphore_mem>>)
      %dma_wait3A = arith.constant 0 : i32
      %dma_wait3A_157 = tpu.memref_slice %arg6[%dma_wait3A] : memref<10240xf32, #tpu.memory_space<vmem>> -> memref<640xf32, #tpu.memory_space<vmem>>
      %dma_wait3A_158 = tpu.memref_slice %arg9[%run_scoped3A_91, %mul3A_90] : memref<16x10240xf32, #tpu.memory_space<vmem_shared>> -> memref<1x640xf32, #tpu.memory_space<vmem_shared>>
      %dma_wait3A_159 = tpu.memref_squeeze %dma_wait3A_158 : memref<1x640xf32, #tpu.memory_space<vmem_shared>> -> memref<640xf32, #tpu.memory_space<vmem_shared>>
      %dma_wait3A_160 = arith.constant 0 : i32
      %dma_wait3A_161 = tpu.memref_slice %arg6[%dma_wait3A_160] : memref<10240xf32, #tpu.memory_space<vmem>> -> memref<640xf32, #tpu.memory_space<vmem>>
      %dma_wait3A_162 = tpu.memref_slice %arg9[%run_scoped3A_91, %mul3A_90] : memref<16x10240xf32, #tpu.memory_space<vmem_shared>> -> memref<1x640xf32, #tpu.memory_space<vmem_shared>>
      %dma_wait3A_163 = tpu.memref_squeeze %dma_wait3A_162 : memref<1x640xf32, #tpu.memory_space<vmem_shared>> -> memref<640xf32, #tpu.memory_space<vmem_shared>>
      tpu.wait_dma2 semaphore(%run_scoped3A_149 : memref<!tpu.dma_semaphore, #tpu.memory_space<semaphore_mem>>) src(%dma_wait3A_163 : memref<640xf32, #tpu.memory_space<vmem_shared>>) dst(%dma_wait3A_161 : memref<640xf32, #tpu.memory_space<vmem>>)
      tpu.yield
    }) : () -> ()
    %scan3A_92 = arith.constant 0 : i32
    %scan3A_93 = arith.constant 40 : i32
    %scan3A_94 = arith.addi %scan3A_92, %scan3A_93 : i32
    %scan3A_95 = arith.constant 1 : i32
    scf.for %scan3A_149 = %scan3A_92 to %scan3A_94 step %scan3A_95  : i32 {
      %mul3A_150 = arith.constant 1 : i32
      %mul3A_151 = arith.muli %scan3A_149, %mul3A_150 : i32
      %add3A_152 = arith.constant 0 : i32
      %add3A_153 = arith.addi %add3A_152, %mul3A_151 : i32
      %mul3A_154 = arith.constant 16 : i32
      %mul3A_155 = arith.muli %add3A_153, %mul3A_154 : i32
      %get3A = arith.index_cast %mul3A_155 : i32 to index
      %get3A_156 = tpu.vector_load %arg7[%get3A] {strides = array<i32>} : memref<640xf32, #tpu.memory_space<vmem>>, vector<16xf32>,
      %get3A_157 = arith.index_cast %mul3A_155 : i32 to index
      %get3A_158 = tpu.vector_load %arg6[%get3A_157] {strides = array<i32>} : memref<10240xf32, #tpu.memory_space<vmem>>, vector<16xf32>,
      %add3A_159 = arith.addf %get3A_156, %get3A_158 : vector<16xf32>
      %swap3A = arith.index_cast %mul3A_155 : i32 to index
      %swap3A_160 = tpu.vector_load %arg7[%swap3A] {strides = array<i32>} : memref<640xf32, #tpu.memory_space<vmem>>, vector<16xf32>,
      tpu.vector_store %arg7[%swap3A], %add3A_159 {strides = array<i32>} : memref<640xf32, #tpu.memory_space<vmem>>, vector<16xf32>,
    }
    %scan3A_96 = arith.constant 40 : i32
    %mul3A_97 = arith.constant 640 : i32
    %mul3A_98 = arith.muli %arg1, %mul3A_97 : i32
    %run_scoped3A_99 = arith.constant 11 : i32
    "tpu.region"() ({
      %run_scoped3A_149 = tpu.sem_alloc : memref<!tpu.dma_semaphore, #tpu.memory_space<semaphore_mem>>
      %dma_start3A = arith.constant 0 : i32
      %dma_start3A_150 = tpu.memref_slice %arg6[%dma_start3A] : memref<10240xf32, #tpu.memory_space<vmem>> -> memref<640xf32, #tpu.memory_space<vmem>>
      %dma_start3A_151 = tpu.memref_slice %arg9[%run_scoped3A_99, %mul3A_98] : memref<16x10240xf32, #tpu.memory_space<vmem_shared>> -> memref<1x640xf32, #tpu.memory_space<vmem_shared>>
      %dma_start3A_152 = tpu.memref_squeeze %dma_start3A_151 : memref<1x640xf32, #tpu.memory_space<vmem_shared>> -> memref<640xf32, #tpu.memory_space<vmem_shared>>
      %dma_start3A_153 = arith.constant 0 : i32
      %dma_start3A_154 = tpu.memref_slice %arg6[%dma_start3A_153] : memref<10240xf32, #tpu.memory_space<vmem>> -> memref<640xf32, #tpu.memory_space<vmem>>
      %dma_start3A_155 = tpu.memref_slice %arg9[%run_scoped3A_99, %mul3A_98] : memref<16x10240xf32, #tpu.memory_space<vmem_shared>> -> memref<1x640xf32, #tpu.memory_space<vmem_shared>>
      %dma_start3A_156 = tpu.memref_squeeze %dma_start3A_155 : memref<1x640xf32, #tpu.memory_space<vmem_shared>> -> memref<640xf32, #tpu.memory_space<vmem_shared>>
      tpu.enqueue_dma source(%dma_start3A_156 : memref<640xf32, #tpu.memory_space<vmem_shared>>) target(%dma_start3A_154 : memref<640xf32, #tpu.memory_space<vmem>>) target_semaphore(%run_scoped3A_149 : memref<!tpu.dma_semaphore, #tpu.memory_space<semaphore_mem>>)
      %dma_wait3A = arith.constant 0 : i32
      %dma_wait3A_157 = tpu.memref_slice %arg6[%dma_wait3A] : memref<10240xf32, #tpu.memory_space<vmem>> -> memref<640xf32, #tpu.memory_space<vmem>>
      %dma_wait3A_158 = tpu.memref_slice %arg9[%run_scoped3A_99, %mul3A_98] : memref<16x10240xf32, #tpu.memory_space<vmem_shared>> -> memref<1x640xf32, #tpu.memory_space<vmem_shared>>
      %dma_wait3A_159 = tpu.memref_squeeze %dma_wait3A_158 : memref<1x640xf32, #tpu.memory_space<vmem_shared>> -> memref<640xf32, #tpu.memory_space<vmem_shared>>
      %dma_wait3A_160 = arith.constant 0 : i32
      %dma_wait3A_161 = tpu.memref_slice %arg6[%dma_wait3A_160] : memref<10240xf32, #tpu.memory_space<vmem>> -> memref<640xf32, #tpu.memory_space<vmem>>
      %dma_wait3A_162 = tpu.memref_slice %arg9[%run_scoped3A_99, %mul3A_98] : memref<16x10240xf32, #tpu.memory_space<vmem_shared>> -> memref<1x640xf32, #tpu.memory_space<vmem_shared>>
      %dma_wait3A_163 = tpu.memref_squeeze %dma_wait3A_162 : memref<1x640xf32, #tpu.memory_space<vmem_shared>> -> memref<640xf32, #tpu.memory_space<vmem_shared>>
      tpu.wait_dma2 semaphore(%run_scoped3A_149 : memref<!tpu.dma_semaphore, #tpu.memory_space<semaphore_mem>>) src(%dma_wait3A_163 : memref<640xf32, #tpu.memory_space<vmem_shared>>) dst(%dma_wait3A_161 : memref<640xf32, #tpu.memory_space<vmem>>)
      tpu.yield
    }) : () -> ()
    %scan3A_100 = arith.constant 0 : i32
    %scan3A_101 = arith.constant 40 : i32
    %scan3A_102 = arith.addi %scan3A_100, %scan3A_101 : i32
    %scan3A_103 = arith.constant 1 : i32
    scf.for %scan3A_149 = %scan3A_100 to %scan3A_102 step %scan3A_103  : i32 {
      %mul3A_150 = arith.constant 1 : i32
      %mul3A_151 = arith.muli %scan3A_149, %mul3A_150 : i32
      %add3A_152 = arith.constant 0 : i32
      %add3A_153 = arith.addi %add3A_152, %mul3A_151 : i32
      %mul3A_154 = arith.constant 16 : i32
      %mul3A_155 = arith.muli %add3A_153, %mul3A_154 : i32
      %get3A = arith.index_cast %mul3A_155 : i32 to index
      %get3A_156 = tpu.vector_load %arg7[%get3A] {strides = array<i32>} : memref<640xf32, #tpu.memory_space<vmem>>, vector<16xf32>,
      %get3A_157 = arith.index_cast %mul3A_155 : i32 to index
      %get3A_158 = tpu.vector_load %arg6[%get3A_157] {strides = array<i32>} : memref<10240xf32, #tpu.memory_space<vmem>>, vector<16xf32>,
      %add3A_159 = arith.addf %get3A_156, %get3A_158 : vector<16xf32>
      %swap3A = arith.index_cast %mul3A_155 : i32 to index
      %swap3A_160 = tpu.vector_load %arg7[%swap3A] {strides = array<i32>} : memref<640xf32, #tpu.memory_space<vmem>>, vector<16xf32>,
      tpu.vector_store %arg7[%swap3A], %add3A_159 {strides = array<i32>} : memref<640xf32, #tpu.memory_space<vmem>>, vector<16xf32>,
    }
    %scan3A_104 = arith.constant 40 : i32
    %mul3A_105 = arith.constant 640 : i32
    %mul3A_106 = arith.muli %arg1, %mul3A_105 : i32
    %run_scoped3A_107 = arith.constant 12 : i32
    "tpu.region"() ({
      %run_scoped3A_149 = tpu.sem_alloc : memref<!tpu.dma_semaphore, #tpu.memory_space<semaphore_mem>>
      %dma_start3A = arith.constant 0 : i32
      %dma_start3A_150 = tpu.memref_slice %arg6[%dma_start3A] : memref<10240xf32, #tpu.memory_space<vmem>> -> memref<640xf32, #tpu.memory_space<vmem>>
      %dma_start3A_151 = tpu.memref_slice %arg9[%run_scoped3A_107, %mul3A_106] : memref<16x10240xf32, #tpu.memory_space<vmem_shared>> -> memref<1x640xf32, #tpu.memory_space<vmem_shared>>
      %dma_start3A_152 = tpu.memref_squeeze %dma_start3A_151 : memref<1x640xf32, #tpu.memory_space<vmem_shared>> -> memref<640xf32, #tpu.memory_space<vmem_shared>>
      %dma_start3A_153 = arith.constant 0 : i32
      %dma_start3A_154 = tpu.memref_slice %arg6[%dma_start3A_153] : memref<10240xf32, #tpu.memory_space<vmem>> -> memref<640xf32, #tpu.memory_space<vmem>>
      %dma_start3A_155 = tpu.memref_slice %arg9[%run_scoped3A_107, %mul3A_106] : memref<16x10240xf32, #tpu.memory_space<vmem_shared>> -> memref<1x640xf32, #tpu.memory_space<vmem_shared>>
      %dma_start3A_156 = tpu.memref_squeeze %dma_start3A_155 : memref<1x640xf32, #tpu.memory_space<vmem_shared>> -> memref<640xf32, #tpu.memory_space<vmem_shared>>
      tpu.enqueue_dma source(%dma_start3A_156 : memref<640xf32, #tpu.memory_space<vmem_shared>>) target(%dma_start3A_154 : memref<640xf32, #tpu.memory_space<vmem>>) target_semaphore(%run_scoped3A_149 : memref<!tpu.dma_semaphore, #tpu.memory_space<semaphore_mem>>)
      %dma_wait3A = arith.constant 0 : i32
      %dma_wait3A_157 = tpu.memref_slice %arg6[%dma_wait3A] : memref<10240xf32, #tpu.memory_space<vmem>> -> memref<640xf32, #tpu.memory_space<vmem>>
      %dma_wait3A_158 = tpu.memref_slice %arg9[%run_scoped3A_107, %mul3A_106] : memref<16x10240xf32, #tpu.memory_space<vmem_shared>> -> memref<1x640xf32, #tpu.memory_space<vmem_shared>>
      %dma_wait3A_159 = tpu.memref_squeeze %dma_wait3A_158 : memref<1x640xf32, #tpu.memory_space<vmem_shared>> -> memref<640xf32, #tpu.memory_space<vmem_shared>>
      %dma_wait3A_160 = arith.constant 0 : i32
      %dma_wait3A_161 = tpu.memref_slice %arg6[%dma_wait3A_160] : memref<10240xf32, #tpu.memory_space<vmem>> -> memref<640xf32, #tpu.memory_space<vmem>>
      %dma_wait3A_162 = tpu.memref_slice %arg9[%run_scoped3A_107, %mul3A_106] : memref<16x10240xf32, #tpu.memory_space<vmem_shared>> -> memref<1x640xf32, #tpu.memory_space<vmem_shared>>
      %dma_wait3A_163 = tpu.memref_squeeze %dma_wait3A_162 : memref<1x640xf32, #tpu.memory_space<vmem_shared>> -> memref<640xf32, #tpu.memory_space<vmem_shared>>
      tpu.wait_dma2 semaphore(%run_scoped3A_149 : memref<!tpu.dma_semaphore, #tpu.memory_space<semaphore_mem>>) src(%dma_wait3A_163 : memref<640xf32, #tpu.memory_space<vmem_shared>>) dst(%dma_wait3A_161 : memref<640xf32, #tpu.memory_space<vmem>>)
      tpu.yield
    }) : () -> ()
    %scan3A_108 = arith.constant 0 : i32
    %scan3A_109 = arith.constant 40 : i32
    %scan3A_110 = arith.addi %scan3A_108, %scan3A_109 : i32
    %scan3A_111 = arith.constant 1 : i32
    scf.for %scan3A_149 = %scan3A_108 to %scan3A_110 step %scan3A_111  : i32 {
      %mul3A_150 = arith.constant 1 : i32
      %mul3A_151 = arith.muli %scan3A_149, %mul3A_150 : i32
      %add3A_152 = arith.constant 0 : i32
      %add3A_153 = arith.addi %add3A_152, %mul3A_151 : i32
      %mul3A_154 = arith.constant 16 : i32
      %mul3A_155 = arith.muli %add3A_153, %mul3A_154 : i32
      %get3A = arith.index_cast %mul3A_155 : i32 to index
      %get3A_156 = tpu.vector_load %arg7[%get3A] {strides = array<i32>} : memref<640xf32, #tpu.memory_space<vmem>>, vector<16xf32>,
      %get3A_157 = arith.index_cast %mul3A_155 : i32 to index
      %get3A_158 = tpu.vector_load %arg6[%get3A_157] {strides = array<i32>} : memref<10240xf32, #tpu.memory_space<vmem>>, vector<16xf32>,
      %add3A_159 = arith.addf %get3A_156, %get3A_158 : vector<16xf32>
      %swap3A = arith.index_cast %mul3A_155 : i32 to index
      %swap3A_160 = tpu.vector_load %arg7[%swap3A] {strides = array<i32>} : memref<640xf32, #tpu.memory_space<vmem>>, vector<16xf32>,
      tpu.vector_store %arg7[%swap3A], %add3A_159 {strides = array<i32>} : memref<640xf32, #tpu.memory_space<vmem>>, vector<16xf32>,
    }
    %scan3A_112 = arith.constant 40 : i32
    %mul3A_113 = arith.constant 640 : i32
    %mul3A_114 = arith.muli %arg1, %mul3A_113 : i32
    %run_scoped3A_115 = arith.constant 13 : i32
    "tpu.region"() ({
      %run_scoped3A_149 = tpu.sem_alloc : memref<!tpu.dma_semaphore, #tpu.memory_space<semaphore_mem>>
      %dma_start3A = arith.constant 0 : i32
      %dma_start3A_150 = tpu.memref_slice %arg6[%dma_start3A] : memref<10240xf32, #tpu.memory_space<vmem>> -> memref<640xf32, #tpu.memory_space<vmem>>
      %dma_start3A_151 = tpu.memref_slice %arg9[%run_scoped3A_115, %mul3A_114] : memref<16x10240xf32, #tpu.memory_space<vmem_shared>> -> memref<1x640xf32, #tpu.memory_space<vmem_shared>>
      %dma_start3A_152 = tpu.memref_squeeze %dma_start3A_151 : memref<1x640xf32, #tpu.memory_space<vmem_shared>> -> memref<640xf32, #tpu.memory_space<vmem_shared>>
      %dma_start3A_153 = arith.constant 0 : i32
      %dma_start3A_154 = tpu.memref_slice %arg6[%dma_start3A_153] : memref<10240xf32, #tpu.memory_space<vmem>> -> memref<640xf32, #tpu.memory_space<vmem>>
      %dma_start3A_155 = tpu.memref_slice %arg9[%run_scoped3A_115, %mul3A_114] : memref<16x10240xf32, #tpu.memory_space<vmem_shared>> -> memref<1x640xf32, #tpu.memory_space<vmem_shared>>
      %dma_start3A_156 = tpu.memref_squeeze %dma_start3A_155 : memref<1x640xf32, #tpu.memory_space<vmem_shared>> -> memref<640xf32, #tpu.memory_space<vmem_shared>>
      tpu.enqueue_dma source(%dma_start3A_156 : memref<640xf32, #tpu.memory_space<vmem_shared>>) target(%dma_start3A_154 : memref<640xf32, #tpu.memory_space<vmem>>) target_semaphore(%run_scoped3A_149 : memref<!tpu.dma_semaphore, #tpu.memory_space<semaphore_mem>>)
      %dma_wait3A = arith.constant 0 : i32
      %dma_wait3A_157 = tpu.memref_slice %arg6[%dma_wait3A] : memref<10240xf32, #tpu.memory_space<vmem>> -> memref<640xf32, #tpu.memory_space<vmem>>
      %dma_wait3A_158 = tpu.memref_slice %arg9[%run_scoped3A_115, %mul3A_114] : memref<16x10240xf32, #tpu.memory_space<vmem_shared>> -> memref<1x640xf32, #tpu.memory_space<vmem_shared>>
      %dma_wait3A_159 = tpu.memref_squeeze %dma_wait3A_158 : memref<1x640xf32, #tpu.memory_space<vmem_shared>> -> memref<640xf32, #tpu.memory_space<vmem_shared>>
      %dma_wait3A_160 = arith.constant 0 : i32
      %dma_wait3A_161 = tpu.memref_slice %arg6[%dma_wait3A_160] : memref<10240xf32, #tpu.memory_space<vmem>> -> memref<640xf32, #tpu.memory_space<vmem>>
      %dma_wait3A_162 = tpu.memref_slice %arg9[%run_scoped3A_115, %mul3A_114] : memref<16x10240xf32, #tpu.memory_space<vmem_shared>> -> memref<1x640xf32, #tpu.memory_space<vmem_shared>>
      %dma_wait3A_163 = tpu.memref_squeeze %dma_wait3A_162 : memref<1x640xf32, #tpu.memory_space<vmem_shared>> -> memref<640xf32, #tpu.memory_space<vmem_shared>>
      tpu.wait_dma2 semaphore(%run_scoped3A_149 : memref<!tpu.dma_semaphore, #tpu.memory_space<semaphore_mem>>) src(%dma_wait3A_163 : memref<640xf32, #tpu.memory_space<vmem_shared>>) dst(%dma_wait3A_161 : memref<640xf32, #tpu.memory_space<vmem>>)
      tpu.yield
    }) : () -> ()
    %scan3A_116 = arith.constant 0 : i32
    %scan3A_117 = arith.constant 40 : i32
    %scan3A_118 = arith.addi %scan3A_116, %scan3A_117 : i32
    %scan3A_119 = arith.constant 1 : i32
    scf.for %scan3A_149 = %scan3A_116 to %scan3A_118 step %scan3A_119  : i32 {
      %mul3A_150 = arith.constant 1 : i32
      %mul3A_151 = arith.muli %scan3A_149, %mul3A_150 : i32
      %add3A_152 = arith.constant 0 : i32
      %add3A_153 = arith.addi %add3A_152, %mul3A_151 : i32
      %mul3A_154 = arith.constant 16 : i32
      %mul3A_155 = arith.muli %add3A_153, %mul3A_154 : i32
      %get3A = arith.index_cast %mul3A_155 : i32 to index
      %get3A_156 = tpu.vector_load %arg7[%get3A] {strides = array<i32>} : memref<640xf32, #tpu.memory_space<vmem>>, vector<16xf32>,
      %get3A_157 = arith.index_cast %mul3A_155 : i32 to index
      %get3A_158 = tpu.vector_load %arg6[%get3A_157] {strides = array<i32>} : memref<10240xf32, #tpu.memory_space<vmem>>, vector<16xf32>,
      %add3A_159 = arith.addf %get3A_156, %get3A_158 : vector<16xf32>
      %swap3A = arith.index_cast %mul3A_155 : i32 to index
      %swap3A_160 = tpu.vector_load %arg7[%swap3A] {strides = array<i32>} : memref<640xf32, #tpu.memory_space<vmem>>, vector<16xf32>,
      tpu.vector_store %arg7[%swap3A], %add3A_159 {strides = array<i32>} : memref<640xf32, #tpu.memory_space<vmem>>, vector<16xf32>,
    }
    %scan3A_120 = arith.constant 40 : i32
    %mul3A_121 = arith.constant 640 : i32
    %mul3A_122 = arith.muli %arg1, %mul3A_121 : i32
    %run_scoped3A_123 = arith.constant 14 : i32
    "tpu.region"() ({
      %run_scoped3A_149 = tpu.sem_alloc : memref<!tpu.dma_semaphore, #tpu.memory_space<semaphore_mem>>
      %dma_start3A = arith.constant 0 : i32
      %dma_start3A_150 = tpu.memref_slice %arg6[%dma_start3A] : memref<10240xf32, #tpu.memory_space<vmem>> -> memref<640xf32, #tpu.memory_space<vmem>>
      %dma_start3A_151 = tpu.memref_slice %arg9[%run_scoped3A_123, %mul3A_122] : memref<16x10240xf32, #tpu.memory_space<vmem_shared>> -> memref<1x640xf32, #tpu.memory_space<vmem_shared>>
      %dma_start3A_152 = tpu.memref_squeeze %dma_start3A_151 : memref<1x640xf32, #tpu.memory_space<vmem_shared>> -> memref<640xf32, #tpu.memory_space<vmem_shared>>
      %dma_start3A_153 = arith.constant 0 : i32
      %dma_start3A_154 = tpu.memref_slice %arg6[%dma_start3A_153] : memref<10240xf32, #tpu.memory_space<vmem>> -> memref<640xf32, #tpu.memory_space<vmem>>
      %dma_start3A_155 = tpu.memref_slice %arg9[%run_scoped3A_123, %mul3A_122] : memref<16x10240xf32, #tpu.memory_space<vmem_shared>> -> memref<1x640xf32, #tpu.memory_space<vmem_shared>>
      %dma_start3A_156 = tpu.memref_squeeze %dma_start3A_155 : memref<1x640xf32, #tpu.memory_space<vmem_shared>> -> memref<640xf32, #tpu.memory_space<vmem_shared>>
      tpu.enqueue_dma source(%dma_start3A_156 : memref<640xf32, #tpu.memory_space<vmem_shared>>) target(%dma_start3A_154 : memref<640xf32, #tpu.memory_space<vmem>>) target_semaphore(%run_scoped3A_149 : memref<!tpu.dma_semaphore, #tpu.memory_space<semaphore_mem>>)
      %dma_wait3A = arith.constant 0 : i32
      %dma_wait3A_157 = tpu.memref_slice %arg6[%dma_wait3A] : memref<10240xf32, #tpu.memory_space<vmem>> -> memref<640xf32, #tpu.memory_space<vmem>>
      %dma_wait3A_158 = tpu.memref_slice %arg9[%run_scoped3A_123, %mul3A_122] : memref<16x10240xf32, #tpu.memory_space<vmem_shared>> -> memref<1x640xf32, #tpu.memory_space<vmem_shared>>
      %dma_wait3A_159 = tpu.memref_squeeze %dma_wait3A_158 : memref<1x640xf32, #tpu.memory_space<vmem_shared>> -> memref<640xf32, #tpu.memory_space<vmem_shared>>
      %dma_wait3A_160 = arith.constant 0 : i32
      %dma_wait3A_161 = tpu.memref_slice %arg6[%dma_wait3A_160] : memref<10240xf32, #tpu.memory_space<vmem>> -> memref<640xf32, #tpu.memory_space<vmem>>
      %dma_wait3A_162 = tpu.memref_slice %arg9[%run_scoped3A_123, %mul3A_122] : memref<16x10240xf32, #tpu.memory_space<vmem_shared>> -> memref<1x640xf32, #tpu.memory_space<vmem_shared>>
      %dma_wait3A_163 = tpu.memref_squeeze %dma_wait3A_162 : memref<1x640xf32, #tpu.memory_space<vmem_shared>> -> memref<640xf32, #tpu.memory_space<vmem_shared>>
      tpu.wait_dma2 semaphore(%run_scoped3A_149 : memref<!tpu.dma_semaphore, #tpu.memory_space<semaphore_mem>>) src(%dma_wait3A_163 : memref<640xf32, #tpu.memory_space<vmem_shared>>) dst(%dma_wait3A_161 : memref<640xf32, #tpu.memory_space<vmem>>)
      tpu.yield
    }) : () -> ()
    %scan3A_124 = arith.constant 0 : i32
    %scan3A_125 = arith.constant 40 : i32
    %scan3A_126 = arith.addi %scan3A_124, %scan3A_125 : i32
    %scan3A_127 = arith.constant 1 : i32
    scf.for %scan3A_149 = %scan3A_124 to %scan3A_126 step %scan3A_127  : i32 {
      %mul3A_150 = arith.constant 1 : i32
      %mul3A_151 = arith.muli %scan3A_149, %mul3A_150 : i32
      %add3A_152 = arith.constant 0 : i32
      %add3A_153 = arith.addi %add3A_152, %mul3A_151 : i32
      %mul3A_154 = arith.constant 16 : i32
      %mul3A_155 = arith.muli %add3A_153, %mul3A_154 : i32
      %get3A = arith.index_cast %mul3A_155 : i32 to index
      %get3A_156 = tpu.vector_load %arg7[%get3A] {strides = array<i32>} : memref<640xf32, #tpu.memory_space<vmem>>, vector<16xf32>,
      %get3A_157 = arith.index_cast %mul3A_155 : i32 to index
      %get3A_158 = tpu.vector_load %arg6[%get3A_157] {strides = array<i32>} : memref<10240xf32, #tpu.memory_space<vmem>>, vector<16xf32>,
      %add3A_159 = arith.addf %get3A_156, %get3A_158 : vector<16xf32>
      %swap3A = arith.index_cast %mul3A_155 : i32 to index
      %swap3A_160 = tpu.vector_load %arg7[%swap3A] {strides = array<i32>} : memref<640xf32, #tpu.memory_space<vmem>>, vector<16xf32>,
      tpu.vector_store %arg7[%swap3A], %add3A_159 {strides = array<i32>} : memref<640xf32, #tpu.memory_space<vmem>>, vector<16xf32>,
    }
    %scan3A_128 = arith.constant 40 : i32
    %mul3A_129 = arith.constant 640 : i32
    %mul3A_130 = arith.muli %arg1, %mul3A_129 : i32
    %run_scoped3A_131 = arith.constant 15 : i32
    "tpu.region"() ({
      %run_scoped3A_149 = tpu.sem_alloc : memref<!tpu.dma_semaphore, #tpu.memory_space<semaphore_mem>>
      %dma_start3A = arith.constant 0 : i32
      %dma_start3A_150 = tpu.memref_slice %arg6[%dma_start3A] : memref<10240xf32, #tpu.memory_space<vmem>> -> memref<640xf32, #tpu.memory_space<vmem>>
      %dma_start3A_151 = tpu.memref_slice %arg9[%run_scoped3A_131, %mul3A_130] : memref<16x10240xf32, #tpu.memory_space<vmem_shared>> -> memref<1x640xf32, #tpu.memory_space<vmem_shared>>
      %dma_start3A_152 = tpu.memref_squeeze %dma_start3A_151 : memref<1x640xf32, #tpu.memory_space<vmem_shared>> -> memref<640xf32, #tpu.memory_space<vmem_shared>>
      %dma_start3A_153 = arith.constant 0 : i32
      %dma_start3A_154 = tpu.memref_slice %arg6[%dma_start3A_153] : memref<10240xf32, #tpu.memory_space<vmem>> -> memref<640xf32, #tpu.memory_space<vmem>>
      %dma_start3A_155 = tpu.memref_slice %arg9[%run_scoped3A_131, %mul3A_130] : memref<16x10240xf32, #tpu.memory_space<vmem_shared>> -> memref<1x640xf32, #tpu.memory_space<vmem_shared>>
      %dma_start3A_156 = tpu.memref_squeeze %dma_start3A_155 : memref<1x640xf32, #tpu.memory_space<vmem_shared>> -> memref<640xf32, #tpu.memory_space<vmem_shared>>
      tpu.enqueue_dma source(%dma_start3A_156 : memref<640xf32, #tpu.memory_space<vmem_shared>>) target(%dma_start3A_154 : memref<640xf32, #tpu.memory_space<vmem>>) target_semaphore(%run_scoped3A_149 : memref<!tpu.dma_semaphore, #tpu.memory_space<semaphore_mem>>)
      %dma_wait3A = arith.constant 0 : i32
      %dma_wait3A_157 = tpu.memref_slice %arg6[%dma_wait3A] : memref<10240xf32, #tpu.memory_space<vmem>> -> memref<640xf32, #tpu.memory_space<vmem>>
      %dma_wait3A_158 = tpu.memref_slice %arg9[%run_scoped3A_131, %mul3A_130] : memref<16x10240xf32, #tpu.memory_space<vmem_shared>> -> memref<1x640xf32, #tpu.memory_space<vmem_shared>>
      %dma_wait3A_159 = tpu.memref_squeeze %dma_wait3A_158 : memref<1x640xf32, #tpu.memory_space<vmem_shared>> -> memref<640xf32, #tpu.memory_space<vmem_shared>>
      %dma_wait3A_160 = arith.constant 0 : i32
      %dma_wait3A_161 = tpu.memref_slice %arg6[%dma_wait3A_160] : memref<10240xf32, #tpu.memory_space<vmem>> -> memref<640xf32, #tpu.memory_space<vmem>>
      %dma_wait3A_162 = tpu.memref_slice %arg9[%run_scoped3A_131, %mul3A_130] : memref<16x10240xf32, #tpu.memory_space<vmem_shared>> -> memref<1x640xf32, #tpu.memory_space<vmem_shared>>
      %dma_wait3A_163 = tpu.memref_squeeze %dma_wait3A_162 : memref<1x640xf32, #tpu.memory_space<vmem_shared>> -> memref<640xf32, #tpu.memory_space<vmem_shared>>
      tpu.wait_dma2 semaphore(%run_scoped3A_149 : memref<!tpu.dma_semaphore, #tpu.memory_space<semaphore_mem>>) src(%dma_wait3A_163 : memref<640xf32, #tpu.memory_space<vmem_shared>>) dst(%dma_wait3A_161 : memref<640xf32, #tpu.memory_space<vmem>>)
      tpu.yield
    }) : () -> ()
    %scan3A_132 = arith.constant 0 : i32
    %scan3A_133 = arith.constant 40 : i32
    %scan3A_134 = arith.addi %scan3A_132, %scan3A_133 : i32
    %scan3A_135 = arith.constant 1 : i32
    scf.for %scan3A_149 = %scan3A_132 to %scan3A_134 step %scan3A_135  : i32 {
      %mul3A_150 = arith.constant 1 : i32
      %mul3A_151 = arith.muli %scan3A_149, %mul3A_150 : i32
      %add3A_152 = arith.constant 0 : i32
      %add3A_153 = arith.addi %add3A_152, %mul3A_151 : i32
      %mul3A_154 = arith.constant 16 : i32
      %mul3A_155 = arith.muli %add3A_153, %mul3A_154 : i32
      %get3A = arith.index_cast %mul3A_155 : i32 to index
      %get3A_156 = tpu.vector_load %arg7[%get3A] {strides = array<i32>} : memref<640xf32, #tpu.memory_space<vmem>>, vector<16xf32>,
      %get3A_157 = arith.index_cast %mul3A_155 : i32 to index
      %get3A_158 = tpu.vector_load %arg6[%get3A_157] {strides = array<i32>} : memref<10240xf32, #tpu.memory_space<vmem>>, vector<16xf32>,
      %add3A_159 = arith.addf %get3A_156, %get3A_158 : vector<16xf32>
      %swap3A = arith.index_cast %mul3A_155 : i32 to index
      %swap3A_160 = tpu.vector_load %arg7[%swap3A] {strides = array<i32>} : memref<640xf32, #tpu.memory_space<vmem>>, vector<16xf32>,
      tpu.vector_store %arg7[%swap3A], %add3A_159 {strides = array<i32>} : memref<640xf32, #tpu.memory_space<vmem>>, vector<16xf32>,
    }
    %scan3A_136 = arith.constant 40 : i32
    %scan3A_137 = arith.constant 0 : i32
    %scan3A_138 = arith.constant 40 : i32
    %scan3A_139 = arith.addi %scan3A_137, %scan3A_138 : i32
    %scan3A_140 = arith.constant 1 : i32
    scf.for %scan3A_149 = %scan3A_137 to %scan3A_139 step %scan3A_140  : i32 {
      %mul3A_150 = arith.constant 1 : i32
      %mul3A_151 = arith.muli %scan3A_149, %mul3A_150 : i32
      %add3A_152 = arith.constant 0 : i32
      %add3A_153 = arith.addi %add3A_152, %mul3A_151 : i32
      %mul3A_154 = arith.constant 16 : i32
      %mul3A_155 = arith.muli %add3A_153, %mul3A_154 : i32
      %add3A_156 = arith.constant 0 : i32
      %add3A_157 = arith.addi %mul3A_155, %add3A_156 : i32
      %broadcast_in_dim3A_158 = vector.broadcast %add3A_157 : i32 to vector<16xi32>
      %gather3A = tpu.vector_load_idx %arg7[%broadcast_in_dim3A_158] : memref<640xf32, #tpu.memory_space<vmem>>[vector<16xi32>], vector<16xf32>,
      %swap3A = arith.index_cast %add3A_157 : i32 to index
      %swap3A_159 = arith.constant 0 : index
      %swap3A_160 = tpu.vector_load %arg8[%swap3A, %swap3A_159] {strides = array<i32>} : memref<640x16xf32, #tpu.memory_space<vmem>>, vector<16xf32>,
      tpu.vector_store %arg8[%swap3A, %swap3A_159], %gather3A {strides = array<i32>} : memref<640x16xf32, #tpu.memory_space<vmem>>, vector<16xf32>,
      %mul3A_161 = arith.constant 16 : i32
      %mul3A_162 = arith.muli %add3A_153, %mul3A_161 : i32
      %add3A_163 = arith.constant 1 : i32
      %add3A_164 = arith.addi %mul3A_162, %add3A_163 : i32
      %broadcast_in_dim3A_165 = vector.broadcast %add3A_164 : i32 to vector<16xi32>
      %gather3A_166 = tpu.vector_load_idx %arg7[%broadcast_in_dim3A_165] : memref<640xf32, #tpu.memory_space<vmem>>[vector<16xi32>], vector<16xf32>,
      %swap3A_167 = arith.index_cast %add3A_164 : i32 to index
      %swap3A_168 = arith.constant 0 : index
      %swap3A_169 = tpu.vector_load %arg8[%swap3A_167, %swap3A_168] {strides = array<i32>} : memref<640x16xf32, #tpu.memory_space<vmem>>, vector<16xf32>,
      tpu.vector_store %arg8[%swap3A_167, %swap3A_168], %gather3A_166 {strides = array<i32>} : memref<640x16xf32, #tpu.memory_space<vmem>>, vector<16xf32>,
      %mul3A_170 = arith.constant 16 : i32
      %mul3A_171 = arith.muli %add3A_153, %mul3A_170 : i32
      %add3A_172 = arith.constant 2 : i32
      %add3A_173 = arith.addi %mul3A_171, %add3A_172 : i32
      %broadcast_in_dim3A_174 = vector.broadcast %add3A_173 : i32 to vector<16xi32>
      %gather3A_175 = tpu.vector_load_idx %arg7[%broadcast_in_dim3A_174] : memref<640xf32, #tpu.memory_space<vmem>>[vector<16xi32>], vector<16xf32>,
      %swap3A_176 = arith.index_cast %add3A_173 : i32 to index
      %swap3A_177 = arith.constant 0 : index
      %swap3A_178 = tpu.vector_load %arg8[%swap3A_176, %swap3A_177] {strides = array<i32>} : memref<640x16xf32, #tpu.memory_space<vmem>>, vector<16xf32>,
      tpu.vector_store %arg8[%swap3A_176, %swap3A_177], %gather3A_175 {strides = array<i32>} : memref<640x16xf32, #tpu.memory_space<vmem>>, vector<16xf32>,
      %mul3A_179 = arith.constant 16 : i32
      %mul3A_180 = arith.muli %add3A_153, %mul3A_179 : i32
      %add3A_181 = arith.constant 3 : i32
      %add3A_182 = arith.addi %mul3A_180, %add3A_181 : i32
      %broadcast_in_dim3A_183 = vector.broadcast %add3A_182 : i32 to vector<16xi32>
      %gather3A_184 = tpu.vector_load_idx %arg7[%broadcast_in_dim3A_183] : memref<640xf32, #tpu.memory_space<vmem>>[vector<16xi32>], vector<16xf32>,
      %swap3A_185 = arith.index_cast %add3A_182 : i32 to index
      %swap3A_186 = arith.constant 0 : index
      %swap3A_187 = tpu.vector_load %arg8[%swap3A_185, %swap3A_186] {strides = array<i32>} : memref<640x16xf32, #tpu.memory_space<vmem>>, vector<16xf32>,
      tpu.vector_store %arg8[%swap3A_185, %swap3A_186], %gather3A_184 {strides = array<i32>} : memref<640x16xf32, #tpu.memory_space<vmem>>, vector<16xf32>,
      %mul3A_188 = arith.constant 16 : i32
      %mul3A_189 = arith.muli %add3A_153, %mul3A_188 : i32
      %add3A_190 = arith.constant 4 : i32
      %add3A_191 = arith.addi %mul3A_189, %add3A_190 : i32
      %broadcast_in_dim3A_192 = vector.broadcast %add3A_191 : i32 to vector<16xi32>
      %gather3A_193 = tpu.vector_load_idx %arg7[%broadcast_in_dim3A_192] : memref<640xf32, #tpu.memory_space<vmem>>[vector<16xi32>], vector<16xf32>,
      %swap3A_194 = arith.index_cast %add3A_191 : i32 to index
      %swap3A_195 = arith.constant 0 : index
      %swap3A_196 = tpu.vector_load %arg8[%swap3A_194, %swap3A_195] {strides = array<i32>} : memref<640x16xf32, #tpu.memory_space<vmem>>, vector<16xf32>,
      tpu.vector_store %arg8[%swap3A_194, %swap3A_195], %gather3A_193 {strides = array<i32>} : memref<640x16xf32, #tpu.memory_space<vmem>>, vector<16xf32>,
      %mul3A_197 = arith.constant 16 : i32
      %mul3A_198 = arith.muli %add3A_153, %mul3A_197 : i32
      %add3A_199 = arith.constant 5 : i32
      %add3A_200 = arith.addi %mul3A_198, %add3A_199 : i32
      %broadcast_in_dim3A_201 = vector.broadcast %add3A_200 : i32 to vector<16xi32>
      %gather3A_202 = tpu.vector_load_idx %arg7[%broadcast_in_dim3A_201] : memref<640xf32, #tpu.memory_space<vmem>>[vector<16xi32>], vector<16xf32>,
      %swap3A_203 = arith.index_cast %add3A_200 : i32 to index
      %swap3A_204 = arith.constant 0 : index
      %swap3A_205 = tpu.vector_load %arg8[%swap3A_203, %swap3A_204] {strides = array<i32>} : memref<640x16xf32, #tpu.memory_space<vmem>>, vector<16xf32>,
      tpu.vector_store %arg8[%swap3A_203, %swap3A_204], %gather3A_202 {strides = array<i32>} : memref<640x16xf32, #tpu.memory_space<vmem>>, vector<16xf32>,
      %mul3A_206 = arith.constant 16 : i32
      %mul3A_207 = arith.muli %add3A_153, %mul3A_206 : i32
      %add3A_208 = arith.constant 6 : i32
      %add3A_209 = arith.addi %mul3A_207, %add3A_208 : i32
      %broadcast_in_dim3A_210 = vector.broadcast %add3A_209 : i32 to vector<16xi32>
      %gather3A_211 = tpu.vector_load_idx %arg7[%broadcast_in_dim3A_210] : memref<640xf32, #tpu.memory_space<vmem>>[vector<16xi32>], vector<16xf32>,
      %swap3A_212 = arith.index_cast %add3A_209 : i32 to index
      %swap3A_213 = arith.constant 0 : index
      %swap3A_214 = tpu.vector_load %arg8[%swap3A_212, %swap3A_213] {strides = array<i32>} : memref<640x16xf32, #tpu.memory_space<vmem>>, vector<16xf32>,
      tpu.vector_store %arg8[%swap3A_212, %swap3A_213], %gather3A_211 {strides = array<i32>} : memref<640x16xf32, #tpu.memory_space<vmem>>, vector<16xf32>,
      %mul3A_215 = arith.constant 16 : i32
      %mul3A_216 = arith.muli %add3A_153, %mul3A_215 : i32
      %add3A_217 = arith.constant 7 : i32
      %add3A_218 = arith.addi %mul3A_216, %add3A_217 : i32
      %broadcast_in_dim3A_219 = vector.broadcast %add3A_218 : i32 to vector<16xi32>
      %gather3A_220 = tpu.vector_load_idx %arg7[%broadcast_in_dim3A_219] : memref<640xf32, #tpu.memory_space<vmem>>[vector<16xi32>], vector<16xf32>,
      %swap3A_221 = arith.index_cast %add3A_218 : i32 to index
      %swap3A_222 = arith.constant 0 : index
      %swap3A_223 = tpu.vector_load %arg8[%swap3A_221, %swap3A_222] {strides = array<i32>} : memref<640x16xf32, #tpu.memory_space<vmem>>, vector<16xf32>,
      tpu.vector_store %arg8[%swap3A_221, %swap3A_222], %gather3A_220 {strides = array<i32>} : memref<640x16xf32, #tpu.memory_space<vmem>>, vector<16xf32>,
      %mul3A_224 = arith.constant 16 : i32
      %mul3A_225 = arith.muli %add3A_153, %mul3A_224 : i32
      %add3A_226 = arith.constant 8 : i32
      %add3A_227 = arith.addi %mul3A_225, %add3A_226 : i32
      %broadcast_in_dim3A_228 = vector.broadcast %add3A_227 : i32 to vector<16xi32>
      %gather3A_229 = tpu.vector_load_idx %arg7[%broadcast_in_dim3A_228] : memref<640xf32, #tpu.memory_space<vmem>>[vector<16xi32>], vector<16xf32>,
      %swap3A_230 = arith.index_cast %add3A_227 : i32 to index
      %swap3A_231 = arith.constant 0 : index
      %swap3A_232 = tpu.vector_load %arg8[%swap3A_230, %swap3A_231] {strides = array<i32>} : memref<640x16xf32, #tpu.memory_space<vmem>>, vector<16xf32>,
      tpu.vector_store %arg8[%swap3A_230, %swap3A_231], %gather3A_229 {strides = array<i32>} : memref<640x16xf32, #tpu.memory_space<vmem>>, vector<16xf32>,
      %mul3A_233 = arith.constant 16 : i32
      %mul3A_234 = arith.muli %add3A_153, %mul3A_233 : i32
      %add3A_235 = arith.constant 9 : i32
      %add3A_236 = arith.addi %mul3A_234, %add3A_235 : i32
      %broadcast_in_dim3A_237 = vector.broadcast %add3A_236 : i32 to vector<16xi32>
      %gather3A_238 = tpu.vector_load_idx %arg7[%broadcast_in_dim3A_237] : memref<640xf32, #tpu.memory_space<vmem>>[vector<16xi32>], vector<16xf32>,
      %swap3A_239 = arith.index_cast %add3A_236 : i32 to index
      %swap3A_240 = arith.constant 0 : index
      %swap3A_241 = tpu.vector_load %arg8[%swap3A_239, %swap3A_240] {strides = array<i32>} : memref<640x16xf32, #tpu.memory_space<vmem>>, vector<16xf32>,
      tpu.vector_store %arg8[%swap3A_239, %swap3A_240], %gather3A_238 {strides = array<i32>} : memref<640x16xf32, #tpu.memory_space<vmem>>, vector<16xf32>,
      %mul3A_242 = arith.constant 16 : i32
      %mul3A_243 = arith.muli %add3A_153, %mul3A_242 : i32
      %add3A_244 = arith.constant 10 : i32
      %add3A_245 = arith.addi %mul3A_243, %add3A_244 : i32
      %broadcast_in_dim3A_246 = vector.broadcast %add3A_245 : i32 to vector<16xi32>
      %gather3A_247 = tpu.vector_load_idx %arg7[%broadcast_in_dim3A_246] : memref<640xf32, #tpu.memory_space<vmem>>[vector<16xi32>], vector<16xf32>,
      %swap3A_248 = arith.index_cast %add3A_245 : i32 to index
      %swap3A_249 = arith.constant 0 : index
      %swap3A_250 = tpu.vector_load %arg8[%swap3A_248, %swap3A_249] {strides = array<i32>} : memref<640x16xf32, #tpu.memory_space<vmem>>, vector<16xf32>,
      tpu.vector_store %arg8[%swap3A_248, %swap3A_249], %gather3A_247 {strides = array<i32>} : memref<640x16xf32, #tpu.memory_space<vmem>>, vector<16xf32>,
      %mul3A_251 = arith.constant 16 : i32
      %mul3A_252 = arith.muli %add3A_153, %mul3A_251 : i32
      %add3A_253 = arith.constant 11 : i32
      %add3A_254 = arith.addi %mul3A_252, %add3A_253 : i32
      %broadcast_in_dim3A_255 = vector.broadcast %add3A_254 : i32 to vector<16xi32>
      %gather3A_256 = tpu.vector_load_idx %arg7[%broadcast_in_dim3A_255] : memref<640xf32, #tpu.memory_space<vmem>>[vector<16xi32>], vector<16xf32>,
      %swap3A_257 = arith.index_cast %add3A_254 : i32 to index
      %swap3A_258 = arith.constant 0 : index
      %swap3A_259 = tpu.vector_load %arg8[%swap3A_257, %swap3A_258] {strides = array<i32>} : memref<640x16xf32, #tpu.memory_space<vmem>>, vector<16xf32>,
      tpu.vector_store %arg8[%swap3A_257, %swap3A_258], %gather3A_256 {strides = array<i32>} : memref<640x16xf32, #tpu.memory_space<vmem>>, vector<16xf32>,
      %mul3A_260 = arith.constant 16 : i32
      %mul3A_261 = arith.muli %add3A_153, %mul3A_260 : i32
      %add3A_262 = arith.constant 12 : i32
      %add3A_263 = arith.addi %mul3A_261, %add3A_262 : i32
      %broadcast_in_dim3A_264 = vector.broadcast %add3A_263 : i32 to vector<16xi32>
      %gather3A_265 = tpu.vector_load_idx %arg7[%broadcast_in_dim3A_264] : memref<640xf32, #tpu.memory_space<vmem>>[vector<16xi32>], vector<16xf32>,
      %swap3A_266 = arith.index_cast %add3A_263 : i32 to index
      %swap3A_267 = arith.constant 0 : index
      %swap3A_268 = tpu.vector_load %arg8[%swap3A_266, %swap3A_267] {strides = array<i32>} : memref<640x16xf32, #tpu.memory_space<vmem>>, vector<16xf32>,
      tpu.vector_store %arg8[%swap3A_266, %swap3A_267], %gather3A_265 {strides = array<i32>} : memref<640x16xf32, #tpu.memory_space<vmem>>, vector<16xf32>,
      %mul3A_269 = arith.constant 16 : i32
      %mul3A_270 = arith.muli %add3A_153, %mul3A_269 : i32
      %add3A_271 = arith.constant 13 : i32
      %add3A_272 = arith.addi %mul3A_270, %add3A_271 : i32
      %broadcast_in_dim3A_273 = vector.broadcast %add3A_272 : i32 to vector<16xi32>
      %gather3A_274 = tpu.vector_load_idx %arg7[%broadcast_in_dim3A_273] : memref<640xf32, #tpu.memory_space<vmem>>[vector<16xi32>], vector<16xf32>,
      %swap3A_275 = arith.index_cast %add3A_272 : i32 to index
      %swap3A_276 = arith.constant 0 : index
      %swap3A_277 = tpu.vector_load %arg8[%swap3A_275, %swap3A_276] {strides = array<i32>} : memref<640x16xf32, #tpu.memory_space<vmem>>, vector<16xf32>,
      tpu.vector_store %arg8[%swap3A_275, %swap3A_276], %gather3A_274 {strides = array<i32>} : memref<640x16xf32, #tpu.memory_space<vmem>>, vector<16xf32>,
      %mul3A_278 = arith.constant 16 : i32
      %mul3A_279 = arith.muli %add3A_153, %mul3A_278 : i32
      %add3A_280 = arith.constant 14 : i32
      %add3A_281 = arith.addi %mul3A_279, %add3A_280 : i32
      %broadcast_in_dim3A_282 = vector.broadcast %add3A_281 : i32 to vector<16xi32>
      %gather3A_283 = tpu.vector_load_idx %arg7[%broadcast_in_dim3A_282] : memref<640xf32, #tpu.memory_space<vmem>>[vector<16xi32>], vector<16xf32>,
      %swap3A_284 = arith.index_cast %add3A_281 : i32 to index
      %swap3A_285 = arith.constant 0 : index
      %swap3A_286 = tpu.vector_load %arg8[%swap3A_284, %swap3A_285] {strides = array<i32>} : memref<640x16xf32, #tpu.memory_space<vmem>>, vector<16xf32>,
      tpu.vector_store %arg8[%swap3A_284, %swap3A_285], %gather3A_283 {strides = array<i32>} : memref<640x16xf32, #tpu.memory_space<vmem>>, vector<16xf32>,
      %mul3A_287 = arith.constant 16 : i32
      %mul3A_288 = arith.muli %add3A_153, %mul3A_287 : i32
      %add3A_289 = arith.constant 15 : i32
      %add3A_290 = arith.addi %mul3A_288, %add3A_289 : i32
      %broadcast_in_dim3A_291 = vector.broadcast %add3A_290 : i32 to vector<16xi32>
      %gather3A_292 = tpu.vector_load_idx %arg7[%broadcast_in_dim3A_291] : memref<640xf32, #tpu.memory_space<vmem>>[vector<16xi32>], vector<16xf32>,
      %swap3A_293 = arith.index_cast %add3A_290 : i32 to index
      %swap3A_294 = arith.constant 0 : index
      %swap3A_295 = tpu.vector_load %arg8[%swap3A_293, %swap3A_294] {strides = array<i32>} : memref<640x16xf32, #tpu.memory_space<vmem>>, vector<16xf32>,
      tpu.vector_store %arg8[%swap3A_293, %swap3A_294], %gather3A_292 {strides = array<i32>} : memref<640x16xf32, #tpu.memory_space<vmem>>, vector<16xf32>,
    }
    %scan3A_141 = arith.constant 40 : i32
    %eq3A = arith.constant 0 : i32
    %eq3A_142 = arith.cmpi eq, %arg0, %eq3A : i32
    %convert_element_type3A = arith.extui %eq3A_142 : i1 to i32
    %cond3A = arith.constant 0 : i32
    %cond3A_143 = arith.cmpi ne, %convert_element_type3A, %cond3A : i32
    scf.if %cond3A_143 {
      %mul3A_149 = arith.constant 640 : i32
      %mul3A_150 = arith.muli %arg1, %mul3A_149 : i32
      "tpu.region"() ({
        %run_scoped3A_151 = tpu.sem_alloc : memref<!tpu.dma_semaphore, #tpu.memory_space<semaphore_mem>>
        %dma_start3A = arith.constant 0 : i32
        %dma_start3A_152 = tpu.memref_slice %arg3[%mul3A_150, %dma_start3A] : memref<10240x16xf32, #tpu.memory_space<hbm>> -> memref<640x16xf32, #tpu.memory_space<hbm>>
        %dma_start3A_153 = arith.constant 0 : i32
        %dma_start3A_154 = tpu.memref_slice %arg3[%mul3A_150, %dma_start3A_153] : memref<10240x16xf32, #tpu.memory_space<hbm>> -> memref<640x16xf32, #tpu.memory_space<hbm>>
        tpu.enqueue_dma source(%arg8 : memref<640x16xf32, #tpu.memory_space<vmem>>) target(%dma_start3A_154 : memref<640x16xf32, #tpu.memory_space<hbm>>) target_semaphore(%run_scoped3A_151 : memref<!tpu.dma_semaphore, #tpu.memory_space<semaphore_mem>>)
        %dma_wait3A = arith.constant 0 : i32
        %dma_wait3A_155 = tpu.memref_slice %arg3[%mul3A_150, %dma_wait3A] : memref<10240x16xf32, #tpu.memory_space<hbm>> -> memref<640x16xf32, #tpu.memory_space<hbm>>
        %dma_wait3A_156 = arith.constant 0 : i32
        %dma_wait3A_157 = tpu.memref_slice %arg3[%mul3A_150, %dma_wait3A_156] : memref<10240x16xf32, #tpu.memory_space<hbm>> -> memref<640x16xf32, #tpu.memory_space<hbm>>
        tpu.wait_dma2 semaphore(%run_scoped3A_151 : memref<!tpu.dma_semaphore, #tpu.memory_space<semaphore_mem>>) src(%arg8 : memref<640x16xf32, #tpu.memory_space<vmem>>) dst(%dma_wait3A_157 : memref<640x16xf32, #tpu.memory_space<hbm>>)
        tpu.yield
      }) : () -> ()
    } else {
    }
    %eq3A_144 = arith.constant 1 : i32
    %eq3A_145 = arith.cmpi eq, %arg0, %eq3A_144 : i32
    %convert_element_type3A_146 = arith.extui %eq3A_145 : i1 to i32
    %cond3A_147 = arith.constant 0 : i32
    %cond3A_148 = arith.cmpi ne, %convert_element_type3A_146, %cond3A_147 : i32
    scf.if %cond3A_148 {
      %mul3A_149 = arith.constant 640 : i32
      %mul3A_150 = arith.muli %arg1, %mul3A_149 : i32
      "tpu.region"() ({
        %run_scoped3A_151 = tpu.sem_alloc : memref<!tpu.dma_semaphore, #tpu.memory_space<semaphore_mem>>
        %dma_start3A = arith.constant 0 : i32
        %dma_start3A_152 = tpu.memref_slice %arg4[%mul3A_150, %dma_start3A] : memref<10240x16xf32, #tpu.memory_space<hbm>> -> memref<640x16xf32, #tpu.memory_space<hbm>>
        %dma_start3A_153 = arith.constant 0 : i32
        %dma_start3A_154 = tpu.memref_slice %arg4[%mul3A_150, %dma_start3A_153] : memref<10240x16xf32, #tpu.memory_space<hbm>> -> memref<640x16xf32, #tpu.memory_space<hbm>>
        tpu.enqueue_dma source(%arg8 : memref<640x16xf32, #tpu.memory_space<vmem>>) target(%dma_start3A_154 : memref<640x16xf32, #tpu.memory_space<hbm>>) target_semaphore(%run_scoped3A_151 : memref<!tpu.dma_semaphore, #tpu.memory_space<semaphore_mem>>)
        %dma_wait3A = arith.constant 0 : i32
        %dma_wait3A_155 = tpu.memref_slice %arg4[%mul3A_150, %dma_wait3A] : memref<10240x16xf32, #tpu.memory_space<hbm>> -> memref<640x16xf32, #tpu.memory_space<hbm>>
        %dma_wait3A_156 = arith.constant 0 : i32
        %dma_wait3A_157 = tpu.memref_slice %arg4[%mul3A_150, %dma_wait3A_156] : memref<10240x16xf32, #tpu.memory_space<hbm>> -> memref<640x16xf32, #tpu.memory_space<hbm>>
        tpu.wait_dma2 semaphore(%run_scoped3A_151 : memref<!tpu.dma_semaphore, #tpu.memory_space<semaphore_mem>>) src(%arg8 : memref<640x16xf32, #tpu.memory_space<vmem>>) dst(%dma_wait3A_157 : memref<640x16xf32, #tpu.memory_space<hbm>>)
        tpu.yield
      }) : () -> ()
    } else {
    }
    return
  }
}

#map = affine_map<(d0, d1) -> (0, 0)>
#map1 = affine_map<(d0, d1) -> (0)>
module attributes {stable_mosaic.version = 14 : i64} {
  func.func @sc_agg(%arg0: i32, %arg1: i32, %arg2: memref<10240x128xf32, #tpu.memory_space<hbm>>, %arg3: memref<323584xi32, #tpu.memory_space<hbm>>, %arg4: memref<323584xi32, #tpu.memory_space<hbm>>, %arg5: memref<10240x128xf32, #tpu.memory_space<hbm>>, %arg6: memref<10240x128xf32, #tpu.memory_space<hbm>>, %arg7: memref<10240x128xf32, #tpu.memory_space<hbm>>, %arg8: memref<128xi32, #tpu.memory_space<vmem>>, %arg9: memref<128xi32, #tpu.memory_space<vmem>>, %arg10: memref<128x128xf32, #tpu.memory_space<vmem>>, %arg11: memref<10240x128xf32, #tpu.memory_space<vmem_shared>>, %arg12: memref<!tpu.dma_semaphore, #tpu.memory_space<semaphore_mem>>) attributes {dimension_semantics = [#tpu.dimension_semantics<core_parallel>, #tpu.dimension_semantics<subcore_parallel>], iteration_bounds = array<i64: 2, 16>, scalar_prefetch = 0 : i64, scratch_operands = 5 : i64, tpu.core_type = #tpu.core_type<sc_vector_subcore>, window_params = [{transform_indices = #map}, {transform_indices = #map1}, {transform_indices = #map1}, {transform_indices = #map}, {transform_indices = #map}, {transform_indices = #map}]} {
    %mul3A = arith.constant 16 : i32
    %mul3A_0 = arith.muli %arg0, %mul3A : i32
    %add3A = arith.addi %mul3A_0, %arg1 : i32
    %mul3A_1 = arith.constant 640 : i32
    %mul3A_2 = arith.muli %arg1, %mul3A_1 : i32
    %mul3A_3 = arith.constant 640 : i32
    %mul3A_4 = arith.muli %arg1, %mul3A_3 : i32
    "tpu.region"() ({
      %run_scoped3A = tpu.sem_alloc : memref<!tpu.dma_semaphore, #tpu.memory_space<semaphore_mem>>
      %dma_start3A = arith.constant 0 : i32
      %dma_start3A_17 = tpu.memref_slice %arg11[%mul3A_4, %dma_start3A] : memref<10240x128xf32, #tpu.memory_space<vmem_shared>> -> memref<640x128xf32, #tpu.memory_space<vmem_shared>>
      %dma_start3A_18 = arith.constant 0 : i32
      %dma_start3A_19 = tpu.memref_slice %arg5[%mul3A_2, %dma_start3A_18] : memref<10240x128xf32, #tpu.memory_space<hbm>> -> memref<640x128xf32, #tpu.memory_space<hbm>>
      tpu.enqueue_dma source(%dma_start3A_19 : memref<640x128xf32, #tpu.memory_space<hbm>>) target(%dma_start3A_17 : memref<640x128xf32, #tpu.memory_space<vmem_shared>>) target_semaphore(%run_scoped3A : memref<!tpu.dma_semaphore, #tpu.memory_space<semaphore_mem>>)
      %dma_wait3A = arith.constant 0 : i32
      %dma_wait3A_20 = tpu.memref_slice %arg11[%mul3A_4, %dma_wait3A] : memref<10240x128xf32, #tpu.memory_space<vmem_shared>> -> memref<640x128xf32, #tpu.memory_space<vmem_shared>>
      %dma_wait3A_21 = arith.constant 0 : i32
      %dma_wait3A_22 = tpu.memref_slice %arg5[%mul3A_2, %dma_wait3A_21] : memref<10240x128xf32, #tpu.memory_space<hbm>> -> memref<640x128xf32, #tpu.memory_space<hbm>>
      tpu.wait_dma2 semaphore(%run_scoped3A : memref<!tpu.dma_semaphore, #tpu.memory_space<semaphore_mem>>) src(%dma_wait3A_22 : memref<640x128xf32, #tpu.memory_space<hbm>>) dst(%dma_wait3A_20 : memref<640x128xf32, #tpu.memory_space<vmem_shared>>)
      tpu.yield
    }) : () -> ()
    %barrier3A = arith.constant 0 : index
    tpu.barrier barrier_id(%barrier3A)
    %scan3A = arith.constant 0 : i32
    %scan3A_5 = arith.constant 79 : i32
    %scan3A_6 = arith.addi %scan3A, %scan3A_5 : i32
    %scan3A_7 = arith.constant 1 : i32
    scf.for %scan3A_17 = %scan3A to %scan3A_6 step %scan3A_7  : i32 {
      %mul3A_18 = arith.constant 1 : i32
      %mul3A_19 = arith.muli %scan3A_17, %mul3A_18 : i32
      %add3A_20 = arith.constant 0 : i32
      %add3A_21 = arith.addi %add3A_20, %mul3A_19 : i32
      %mul3A_22 = arith.constant 79 : i32
      %mul3A_23 = arith.muli %add3A, %mul3A_22 : i32
      %add3A_24 = arith.addi %mul3A_23, %add3A_21 : i32
      %mul3A_25 = arith.constant 128 : i32
      %mul3A_26 = arith.muli %add3A_24, %mul3A_25 : i32
      "tpu.region"() ({
        %run_scoped3A = tpu.sem_alloc : memref<!tpu.dma_semaphore, #tpu.memory_space<semaphore_mem>>
        %dma_start3A_31 = tpu.memref_slice %arg3[%mul3A_26] : memref<323584xi32, #tpu.memory_space<hbm>> -> memref<128xi32, #tpu.memory_space<hbm>>
        %dma_start3A_32 = tpu.memref_slice %arg3[%mul3A_26] : memref<323584xi32, #tpu.memory_space<hbm>> -> memref<128xi32, #tpu.memory_space<hbm>>
        tpu.enqueue_dma source(%dma_start3A_32 : memref<128xi32, #tpu.memory_space<hbm>>) target(%arg8 : memref<128xi32, #tpu.memory_space<vmem>>) target_semaphore(%run_scoped3A : memref<!tpu.dma_semaphore, #tpu.memory_space<semaphore_mem>>)
        %dma_wait3A_33 = tpu.memref_slice %arg3[%mul3A_26] : memref<323584xi32, #tpu.memory_space<hbm>> -> memref<128xi32, #tpu.memory_space<hbm>>
        %dma_wait3A_34 = tpu.memref_slice %arg3[%mul3A_26] : memref<323584xi32, #tpu.memory_space<hbm>> -> memref<128xi32, #tpu.memory_space<hbm>>
        tpu.wait_dma2 semaphore(%run_scoped3A : memref<!tpu.dma_semaphore, #tpu.memory_space<semaphore_mem>>) src(%dma_wait3A_34 : memref<128xi32, #tpu.memory_space<hbm>>) dst(%arg8 : memref<128xi32, #tpu.memory_space<vmem>>)
        tpu.yield
      }) : () -> ()
      "tpu.region"() ({
        %run_scoped3A = tpu.sem_alloc : memref<!tpu.dma_semaphore, #tpu.memory_space<semaphore_mem>>
        %dma_start3A_31 = tpu.memref_slice %arg4[%mul3A_26] : memref<323584xi32, #tpu.memory_space<hbm>> -> memref<128xi32, #tpu.memory_space<hbm>>
        %dma_start3A_32 = tpu.memref_slice %arg4[%mul3A_26] : memref<323584xi32, #tpu.memory_space<hbm>> -> memref<128xi32, #tpu.memory_space<hbm>>
        tpu.enqueue_dma source(%dma_start3A_32 : memref<128xi32, #tpu.memory_space<hbm>>) target(%arg9 : memref<128xi32, #tpu.memory_space<vmem>>) target_semaphore(%run_scoped3A : memref<!tpu.dma_semaphore, #tpu.memory_space<semaphore_mem>>)
        %dma_wait3A_33 = tpu.memref_slice %arg4[%mul3A_26] : memref<323584xi32, #tpu.memory_space<hbm>> -> memref<128xi32, #tpu.memory_space<hbm>>
        %dma_wait3A_34 = tpu.memref_slice %arg4[%mul3A_26] : memref<323584xi32, #tpu.memory_space<hbm>> -> memref<128xi32, #tpu.memory_space<hbm>>
        tpu.wait_dma2 semaphore(%run_scoped3A : memref<!tpu.dma_semaphore, #tpu.memory_space<semaphore_mem>>) src(%dma_wait3A_34 : memref<128xi32, #tpu.memory_space<hbm>>) dst(%arg9 : memref<128xi32, #tpu.memory_space<vmem>>)
        tpu.yield
      }) : () -> ()
      %dma_start3A = arith.constant 0 : i32
      %dma_start3A_27 = arith.constant 0 : i32
      %dma_start3A_28 = tpu.memref_slice %arg2[%dma_start3A, %dma_start3A_27] : memref<10240x128xf32, #tpu.memory_space<hbm>> -> memref<10240x128xf32, #tpu.memory_space<hbm>>
      tpu.enqueue_indirect_dma source(%dma_start3A_28 : memref<10240x128xf32, #tpu.memory_space<hbm>>) target(%arg10 : memref<128x128xf32, #tpu.memory_space<vmem>>) offsets(%arg8 : memref<128xi32, #tpu.memory_space<vmem>>) semaphore(%arg12 : memref<!tpu.dma_semaphore, #tpu.memory_space<semaphore_mem>>)
      %dma_wait3A = arith.constant 0 : i32
      %dma_wait3A_29 = arith.constant 0 : i32
      %dma_wait3A_30 = tpu.memref_slice %arg2[%dma_wait3A, %dma_wait3A_29] : memref<10240x128xf32, #tpu.memory_space<hbm>> -> memref<10240x128xf32, #tpu.memory_space<hbm>>
      tpu.wait_indirect_dma semaphore(%arg12 : memref<!tpu.dma_semaphore, #tpu.memory_space<semaphore_mem>>) src(%dma_wait3A_30 : memref<10240x128xf32, #tpu.memory_space<hbm>>) dst(%arg10 : memref<128x128xf32, #tpu.memory_space<vmem>>)
      "tpu.region"() ({
        %run_scoped3A = tpu.sem_alloc : memref<!tpu.dma_semaphore, #tpu.memory_space<semaphore_mem>>
        %dma_start3A_31 = arith.constant 0 : i32
        %dma_start3A_32 = arith.constant 0 : i32
        %dma_start3A_33 = tpu.memref_slice %arg11[%dma_start3A_31, %dma_start3A_32] : memref<10240x128xf32, #tpu.memory_space<vmem_shared>> -> memref<10240x128xf32, #tpu.memory_space<vmem_shared>>
        tpu.enqueue_indirect_dma source(%arg10 : memref<128x128xf32, #tpu.memory_space<vmem>>) target(%dma_start3A_33 : memref<10240x128xf32, #tpu.memory_space<vmem_shared>>) offsets(%arg9 : memref<128xi32, #tpu.memory_space<vmem>>) semaphore(%run_scoped3A : memref<!tpu.dma_semaphore, #tpu.memory_space<semaphore_mem>>) {add = true}
        %dma_wait3A_34 = arith.constant 0 : i32
        %dma_wait3A_35 = arith.constant 0 : i32
        %dma_wait3A_36 = tpu.memref_slice %arg11[%dma_wait3A_34, %dma_wait3A_35] : memref<10240x128xf32, #tpu.memory_space<vmem_shared>> -> memref<10240x128xf32, #tpu.memory_space<vmem_shared>>
        tpu.wait_indirect_dma semaphore(%run_scoped3A : memref<!tpu.dma_semaphore, #tpu.memory_space<semaphore_mem>>) src(%arg10 : memref<128x128xf32, #tpu.memory_space<vmem>>) dst(%dma_wait3A_36 : memref<10240x128xf32, #tpu.memory_space<vmem_shared>>)
        tpu.yield
      }) : () -> ()
    }
    %scan3A_8 = arith.constant 79 : i32
    %barrier3A_9 = arith.constant 0 : index
    tpu.barrier barrier_id(%barrier3A_9)
    %eq3A = arith.constant 0 : i32
    %eq3A_10 = arith.cmpi eq, %arg0, %eq3A : i32
    %convert_element_type3A = arith.extui %eq3A_10 : i1 to i32
    %cond3A = arith.constant 0 : i32
    %cond3A_11 = arith.cmpi ne, %convert_element_type3A, %cond3A : i32
    scf.if %cond3A_11 {
      %mul3A_17 = arith.constant 640 : i32
      %mul3A_18 = arith.muli %arg1, %mul3A_17 : i32
      %mul3A_19 = arith.constant 640 : i32
      %mul3A_20 = arith.muli %arg1, %mul3A_19 : i32
      "tpu.region"() ({
        %run_scoped3A = tpu.sem_alloc : memref<!tpu.dma_semaphore, #tpu.memory_space<semaphore_mem>>
        %dma_start3A = arith.constant 0 : i32
        %dma_start3A_21 = tpu.memref_slice %arg6[%mul3A_20, %dma_start3A] : memref<10240x128xf32, #tpu.memory_space<hbm>> -> memref<640x128xf32, #tpu.memory_space<hbm>>
        %dma_start3A_22 = arith.constant 0 : i32
        %dma_start3A_23 = tpu.memref_slice %arg11[%mul3A_18, %dma_start3A_22] : memref<10240x128xf32, #tpu.memory_space<vmem_shared>> -> memref<640x128xf32, #tpu.memory_space<vmem_shared>>
        tpu.enqueue_dma source(%dma_start3A_23 : memref<640x128xf32, #tpu.memory_space<vmem_shared>>) target(%dma_start3A_21 : memref<640x128xf32, #tpu.memory_space<hbm>>) target_semaphore(%run_scoped3A : memref<!tpu.dma_semaphore, #tpu.memory_space<semaphore_mem>>)
        %dma_wait3A = arith.constant 0 : i32
        %dma_wait3A_24 = tpu.memref_slice %arg6[%mul3A_20, %dma_wait3A] : memref<10240x128xf32, #tpu.memory_space<hbm>> -> memref<640x128xf32, #tpu.memory_space<hbm>>
        %dma_wait3A_25 = arith.constant 0 : i32
        %dma_wait3A_26 = tpu.memref_slice %arg11[%mul3A_18, %dma_wait3A_25] : memref<10240x128xf32, #tpu.memory_space<vmem_shared>> -> memref<640x128xf32, #tpu.memory_space<vmem_shared>>
        tpu.wait_dma2 semaphore(%run_scoped3A : memref<!tpu.dma_semaphore, #tpu.memory_space<semaphore_mem>>) src(%dma_wait3A_26 : memref<640x128xf32, #tpu.memory_space<vmem_shared>>) dst(%dma_wait3A_24 : memref<640x128xf32, #tpu.memory_space<hbm>>)
        tpu.yield
      }) : () -> ()
    } else {
    }
    %eq3A_12 = arith.constant 1 : i32
    %eq3A_13 = arith.cmpi eq, %arg0, %eq3A_12 : i32
    %convert_element_type3A_14 = arith.extui %eq3A_13 : i1 to i32
    %cond3A_15 = arith.constant 0 : i32
    %cond3A_16 = arith.cmpi ne, %convert_element_type3A_14, %cond3A_15 : i32
    scf.if %cond3A_16 {
      %mul3A_17 = arith.constant 640 : i32
      %mul3A_18 = arith.muli %arg1, %mul3A_17 : i32
      %mul3A_19 = arith.constant 640 : i32
      %mul3A_20 = arith.muli %arg1, %mul3A_19 : i32
      "tpu.region"() ({
        %run_scoped3A = tpu.sem_alloc : memref<!tpu.dma_semaphore, #tpu.memory_space<semaphore_mem>>
        %dma_start3A = arith.constant 0 : i32
        %dma_start3A_21 = tpu.memref_slice %arg7[%mul3A_20, %dma_start3A] : memref<10240x128xf32, #tpu.memory_space<hbm>> -> memref<640x128xf32, #tpu.memory_space<hbm>>
        %dma_start3A_22 = arith.constant 0 : i32
        %dma_start3A_23 = tpu.memref_slice %arg11[%mul3A_18, %dma_start3A_22] : memref<10240x128xf32, #tpu.memory_space<vmem_shared>> -> memref<640x128xf32, #tpu.memory_space<vmem_shared>>
        tpu.enqueue_dma source(%dma_start3A_23 : memref<640x128xf32, #tpu.memory_space<vmem_shared>>) target(%dma_start3A_21 : memref<640x128xf32, #tpu.memory_space<hbm>>) target_semaphore(%run_scoped3A : memref<!tpu.dma_semaphore, #tpu.memory_space<semaphore_mem>>)
        %dma_wait3A = arith.constant 0 : i32
        %dma_wait3A_24 = tpu.memref_slice %arg7[%mul3A_20, %dma_wait3A] : memref<10240x128xf32, #tpu.memory_space<hbm>> -> memref<640x128xf32, #tpu.memory_space<hbm>>
        %dma_wait3A_25 = arith.constant 0 : i32
        %dma_wait3A_26 = tpu.memref_slice %arg11[%mul3A_18, %dma_wait3A_25] : memref<10240x128xf32, #tpu.memory_space<vmem_shared>> -> memref<640x128xf32, #tpu.memory_space<vmem_shared>>
        tpu.wait_dma2 semaphore(%run_scoped3A : memref<!tpu.dma_semaphore, #tpu.memory_space<semaphore_mem>>) src(%dma_wait3A_26 : memref<640x128xf32, #tpu.memory_space<vmem_shared>>) dst(%dma_wait3A_24 : memref<640x128xf32, #tpu.memory_space<hbm>>)
        tpu.yield
      }) : () -> ()
    } else {
    }
    return
  }
}

module attributes {stable_mosaic.version = 14 : i64} {
  func.func @body(%arg0: i32, %arg1: memref<512x128xf32, #tpu.memory_space<vmem>>, %arg2: memref<128x128xf32, #tpu.memory_space<vmem>>, %arg3: memref<512x16xf32, #tpu.memory_space<vmem>>, %arg4: memref<512x16xf32, #tpu.memory_space<vmem>>, %arg5: memref<512x128xf32, #tpu.memory_space<vmem>>) attributes {dimension_semantics = [#tpu.dimension_semantics<arbitrary>], iteration_bounds = array<i64: 20>, scalar_prefetch = 0 : i64, scratch_operands = 0 : i64, tpu.core_type = #tpu.core_type<tc>, window_params = [{transform_indices = @transform_0, window_bounds = array<i64: 512, 128>}, {pipeline_mode = #tpu.pipeline_mode<synchronous>, transform_indices = @transform_1, window_bounds = array<i64: 128, 128>}, {transform_indices = @transform_2, window_bounds = array<i64: 512, 16>}, {transform_indices = @transform_3, window_bounds = array<i64: 512, 16>}, {transform_indices = @transform_4, window_bounds = array<i64: 512, 128>}]} {
    %get3A = arith.constant 0 : index
    %get3A_0 = arith.constant 0 : index
    %get3A_1 = vector.load %arg3[%get3A, %get3A_0] : memref<512x16xf32, #tpu.memory_space<vmem>>, vector<512x1xf32>
    %get3A_2 = arith.constant 0 : index
    %get3A_3 = arith.constant 0 : index
    %get3A_4 = vector.load %arg4[%get3A_2, %get3A_3] : memref<512x16xf32, #tpu.memory_space<vmem>>, vector<512x1xf32>
    %add3A = arith.addf %get3A_1, %get3A_4 : vector<512x1xf32>
    %add3A_5 = arith.constant 1.000000e+00 : f32
    %add3A_6 = vector.broadcast %add3A_5 : f32 to vector<512x1xf32>
    %add3A_7 = arith.addf %add3A, %add3A_6 : vector<512x1xf32>
    %rsqrt3A = math.rsqrt %add3A_7 : vector<512x1xf32>
    %get3A_8 = arith.constant 0 : index
    %get3A_9 = arith.constant 0 : index
    %get3A_10 = vector.load %arg1[%get3A_8, %get3A_9] : memref<512x128xf32, #tpu.memory_space<vmem>>, vector<512x128xf32>
    %get3A_11 = arith.constant 0 : index
    %get3A_12 = arith.constant 0 : index
    %get3A_13 = vector.load %arg2[%get3A_11, %get3A_12] : memref<128x128xf32, #tpu.memory_space<vmem>>, vector<128x128xf32>
    %dot_general3A = arith.constant dense<0.000000e+00> : vector<512x128xf32>
    %dot_general3A_14 = tpu.matmul %get3A_10, %get3A_13, %dot_general3A {dimension_numbers = #tpu.dot_dimension_numbers<[1], [0], [0], [1], [0, 0, 1, 1], [], []>, precision = #tpu.contract_precision<fp32>, transpose_lhs_hint = false} : vector<512x128xf32>, vector<128x128xf32>, vector<512x128xf32> -> vector<512x128xf32>
    %mul3A = vector.broadcast %rsqrt3A : vector<512x1xf32> to vector<512x128xf32>
    %mul3A_15 = arith.mulf %dot_general3A_14, %mul3A : vector<512x128xf32>
    %swap3A = arith.constant 0 : index
    %swap3A_16 = arith.constant 0 : index
    %swap3A_17 = vector.load %arg5[%swap3A, %swap3A_16] : memref<512x128xf32, #tpu.memory_space<vmem>>, vector<512x128xf32>
    tpu.vector_store %arg5[%swap3A, %swap3A_16], %mul3A_15 {strides = array<i32>} : memref<512x128xf32, #tpu.memory_space<vmem>>, vector<512x128xf32>,
    return
  }
  func.func @transform_0(%arg0: i32) -> (i32, i32) {
    %c0_i32 = arith.constant 0 : i32
    %c0_i32_0 = arith.constant 0 : i32
    return %arg0, %c0_i32 : i32, i32
  }
  func.func @transform_1(%arg0: i32) -> (i32, i32) {
    %c0_i32 = arith.constant 0 : i32
    %c0_i32_0 = arith.constant 0 : i32
    %c0_i32_1 = arith.constant 0 : i32
    return %c0_i32, %c0_i32_0 : i32, i32
  }
  func.func @transform_2(%arg0: i32) -> (i32, i32) {
    %c0_i32 = arith.constant 0 : i32
    %c0_i32_0 = arith.constant 0 : i32
    return %arg0, %c0_i32 : i32, i32
  }
  func.func @transform_3(%arg0: i32) -> (i32, i32) {
    %c0_i32 = arith.constant 0 : i32
    %c0_i32_0 = arith.constant 0 : i32
    return %arg0, %c0_i32 : i32, i32
  }
  func.func @transform_4(%arg0: i32) -> (i32, i32) {
    %c0_i32 = arith.constant 0 : i32
    %c0_i32_0 = arith.constant 0 : i32
    return %arg0, %c0_i32 : i32, i32
  }
}

module attributes {stable_mosaic.version = 14 : i64} {
  func.func @body(%arg0: i32, %arg1: memref<512x128xf32, #tpu.memory_space<vmem>>, %arg2: memref<512x128xf32, #tpu.memory_space<vmem>>, %arg3: memref<512x128xf32, #tpu.memory_space<vmem>>, %arg4: memref<512x16xf32, #tpu.memory_space<vmem>>, %arg5: memref<512x16xf32, #tpu.memory_space<vmem>>, %arg6: memref<1x128xf32, #tpu.memory_space<vmem>>, %arg7: memref<128x128xf32, #tpu.memory_space<vmem>>, %arg8: memref<512x128xf32, #tpu.memory_space<vmem>>) attributes {dimension_semantics = [#tpu.dimension_semantics<arbitrary>], iteration_bounds = array<i64: 20>, scalar_prefetch = 0 : i64, scratch_operands = 0 : i64, tpu.core_type = #tpu.core_type<tc>, window_params = [{transform_indices = @transform_0, window_bounds = array<i64: 512, 128>}, {transform_indices = @transform_1, window_bounds = array<i64: 512, 128>}, {transform_indices = @transform_2, window_bounds = array<i64: 512, 128>}, {transform_indices = @transform_3, window_bounds = array<i64: 512, 16>}, {transform_indices = @transform_4, window_bounds = array<i64: 512, 16>}, {pipeline_mode = #tpu.pipeline_mode<synchronous>, transform_indices = @transform_5, window_bounds = array<i64: 1, 128>}, {pipeline_mode = #tpu.pipeline_mode<synchronous>, transform_indices = @transform_6, window_bounds = array<i64: 128, 128>}, {transform_indices = @transform_7, window_bounds = array<i64: 512, 128>}]} {
    %get3A = arith.constant 0 : index
    %get3A_0 = arith.constant 0 : index
    %get3A_1 = vector.load %arg4[%get3A, %get3A_0] : memref<512x16xf32, #tpu.memory_space<vmem>>, vector<512x1xf32>
    %get3A_2 = arith.constant 0 : index
    %get3A_3 = arith.constant 0 : index
    %get3A_4 = vector.load %arg5[%get3A_2, %get3A_3] : memref<512x16xf32, #tpu.memory_space<vmem>>, vector<512x1xf32>
    %add3A = arith.addf %get3A_1, %get3A_4 : vector<512x1xf32>
    %add3A_5 = arith.constant 1.000000e+00 : f32
    %add3A_6 = vector.broadcast %add3A_5 : f32 to vector<512x1xf32>
    %add3A_7 = arith.addf %add3A, %add3A_6 : vector<512x1xf32>
    %rsqrt3A = math.rsqrt %add3A_7 : vector<512x1xf32>
    %get3A_8 = arith.constant 0 : index
    %get3A_9 = arith.constant 0 : index
    %get3A_10 = vector.load %arg1[%get3A_8, %get3A_9] : memref<512x128xf32, #tpu.memory_space<vmem>>, vector<512x128xf32>
    %get3A_11 = arith.constant 0 : index
    %get3A_12 = arith.constant 0 : index
    %get3A_13 = vector.load %arg2[%get3A_11, %get3A_12] : memref<512x128xf32, #tpu.memory_space<vmem>>, vector<512x128xf32>
    %add3A_14 = arith.addf %get3A_10, %get3A_13 : vector<512x128xf32>
    %get3A_15 = arith.constant 0 : index
    %get3A_16 = arith.constant 0 : index
    %get3A_17 = vector.load %arg3[%get3A_15, %get3A_16] : memref<512x128xf32, #tpu.memory_space<vmem>>, vector<512x128xf32>
    %add3A_18 = arith.addf %add3A_14, %get3A_17 : vector<512x128xf32>
    %mul3A = vector.broadcast %rsqrt3A : vector<512x1xf32> to vector<512x128xf32>
    %mul3A_19 = arith.mulf %mul3A, %add3A_18 : vector<512x128xf32>
    %get3A_20 = arith.constant 0 : index
    %get3A_21 = arith.constant 0 : index
    %get3A_22 = vector.load %arg6[%get3A_20, %get3A_21] : memref<1x128xf32, #tpu.memory_space<vmem>>, vector<1x128xf32>
    %add3A_23 = vector.broadcast %get3A_22 : vector<1x128xf32> to vector<512x128xf32>
    %add3A_24 = arith.addf %mul3A_19, %add3A_23 : vector<512x128xf32>
    %tanh3A = math.tanh %add3A_24 : vector<512x128xf32>
    %get3A_25 = arith.constant 0 : index
    %get3A_26 = arith.constant 0 : index
    %get3A_27 = vector.load %arg7[%get3A_25, %get3A_26] : memref<128x128xf32, #tpu.memory_space<vmem>>, vector<128x128xf32>
    %dot_general3A = arith.constant dense<0.000000e+00> : vector<512x128xf32>
    %dot_general3A_28 = tpu.matmul %tanh3A, %get3A_27, %dot_general3A {dimension_numbers = #tpu.dot_dimension_numbers<[1], [0], [0], [1], [0, 0, 1, 1], [], []>, precision = #tpu.contract_precision<fp32>, transpose_lhs_hint = false} : vector<512x128xf32>, vector<128x128xf32>, vector<512x128xf32> -> vector<512x128xf32>
    %mul3A_29 = vector.broadcast %rsqrt3A : vector<512x1xf32> to vector<512x128xf32>
    %mul3A_30 = arith.mulf %dot_general3A_28, %mul3A_29 : vector<512x128xf32>
    %swap3A = arith.constant 0 : index
    %swap3A_31 = arith.constant 0 : index
    %swap3A_32 = vector.load %arg8[%swap3A, %swap3A_31] : memref<512x128xf32, #tpu.memory_space<vmem>>, vector<512x128xf32>
    tpu.vector_store %arg8[%swap3A, %swap3A_31], %mul3A_30 {strides = array<i32>} : memref<512x128xf32, #tpu.memory_space<vmem>>, vector<512x128xf32>,
    return
  }
  func.func @transform_0(%arg0: i32) -> (i32, i32) {
    %c0_i32 = arith.constant 0 : i32
    %c0_i32_0 = arith.constant 0 : i32
    return %arg0, %c0_i32 : i32, i32
  }
  func.func @transform_1(%arg0: i32) -> (i32, i32) {
    %c0_i32 = arith.constant 0 : i32
    %c0_i32_0 = arith.constant 0 : i32
    return %arg0, %c0_i32 : i32, i32
  }
  func.func @transform_2(%arg0: i32) -> (i32, i32) {
    %c0_i32 = arith.constant 0 : i32
    %c0_i32_0 = arith.constant 0 : i32
    return %arg0, %c0_i32 : i32, i32
  }
  func.func @transform_3(%arg0: i32) -> (i32, i32) {
    %c0_i32 = arith.constant 0 : i32
    %c0_i32_0 = arith.constant 0 : i32
    return %arg0, %c0_i32 : i32, i32
  }
  func.func @transform_4(%arg0: i32) -> (i32, i32) {
    %c0_i32 = arith.constant 0 : i32
    %c0_i32_0 = arith.constant 0 : i32
    return %arg0, %c0_i32 : i32, i32
  }
  func.func @transform_5(%arg0: i32) -> (i32, i32) {
    %c0_i32 = arith.constant 0 : i32
    %c0_i32_0 = arith.constant 0 : i32
    %c0_i32_1 = arith.constant 0 : i32
    return %c0_i32, %c0_i32_0 : i32, i32
  }
  func.func @transform_6(%arg0: i32) -> (i32, i32) {
    %c0_i32 = arith.constant 0 : i32
    %c0_i32_0 = arith.constant 0 : i32
    %c0_i32_1 = arith.constant 0 : i32
    return %c0_i32, %c0_i32_0 : i32, i32
  }
  func.func @transform_7(%arg0: i32) -> (i32, i32) {
    %c0_i32 = arith.constant 0 : i32
    %c0_i32_0 = arith.constant 0 : i32
    return %arg0, %c0_i32 : i32, i32
  }
}

module attributes {stable_mosaic.version = 14 : i64} {
  func.func @body(%arg0: i32, %arg1: memref<512x128xf32, #tpu.memory_space<vmem>>, %arg2: memref<512x128xf32, #tpu.memory_space<vmem>>, %arg3: memref<512x128xf32, #tpu.memory_space<vmem>>, %arg4: memref<512x16xf32, #tpu.memory_space<vmem>>, %arg5: memref<512x16xf32, #tpu.memory_space<vmem>>, %arg6: memref<1x128xf32, #tpu.memory_space<vmem>>, %arg7: memref<128x128xf32, #tpu.memory_space<vmem>>, %arg8: memref<1x128xf32, #tpu.memory_space<vmem>>, %arg9: memref<512x128xf32, #tpu.memory_space<vmem>>, %arg10: memref<512x128xf32, #tpu.memory_space<vmem>>) attributes {dimension_semantics = [#tpu.dimension_semantics<arbitrary>], iteration_bounds = array<i64: 20>, scalar_prefetch = 0 : i64, scratch_operands = 0 : i64, tpu.core_type = #tpu.core_type<tc>, window_params = [{transform_indices = @transform_0, window_bounds = array<i64: 512, 128>}, {transform_indices = @transform_1, window_bounds = array<i64: 512, 128>}, {transform_indices = @transform_2, window_bounds = array<i64: 512, 128>}, {transform_indices = @transform_3, window_bounds = array<i64: 512, 16>}, {transform_indices = @transform_4, window_bounds = array<i64: 512, 16>}, {pipeline_mode = #tpu.pipeline_mode<synchronous>, transform_indices = @transform_5, window_bounds = array<i64: 1, 128>}, {pipeline_mode = #tpu.pipeline_mode<synchronous>, transform_indices = @transform_6, window_bounds = array<i64: 128, 128>}, {pipeline_mode = #tpu.pipeline_mode<synchronous>, transform_indices = @transform_7, window_bounds = array<i64: 1, 128>}, {transform_indices = @transform_8, window_bounds = array<i64: 512, 128>}, {transform_indices = @transform_9, window_bounds = array<i64: 512, 128>}]} {
    %get3A = arith.constant 0 : index
    %get3A_0 = arith.constant 0 : index
    %get3A_1 = vector.load %arg4[%get3A, %get3A_0] : memref<512x16xf32, #tpu.memory_space<vmem>>, vector<512x1xf32>
    %get3A_2 = arith.constant 0 : index
    %get3A_3 = arith.constant 0 : index
    %get3A_4 = vector.load %arg5[%get3A_2, %get3A_3] : memref<512x16xf32, #tpu.memory_space<vmem>>, vector<512x1xf32>
    %add3A = arith.addf %get3A_1, %get3A_4 : vector<512x1xf32>
    %add3A_5 = arith.constant 1.000000e+00 : f32
    %add3A_6 = vector.broadcast %add3A_5 : f32 to vector<512x1xf32>
    %add3A_7 = arith.addf %add3A, %add3A_6 : vector<512x1xf32>
    %rsqrt3A = math.rsqrt %add3A_7 : vector<512x1xf32>
    %get3A_8 = arith.constant 0 : index
    %get3A_9 = arith.constant 0 : index
    %get3A_10 = vector.load %arg1[%get3A_8, %get3A_9] : memref<512x128xf32, #tpu.memory_space<vmem>>, vector<512x128xf32>
    %get3A_11 = arith.constant 0 : index
    %get3A_12 = arith.constant 0 : index
    %get3A_13 = vector.load %arg2[%get3A_11, %get3A_12] : memref<512x128xf32, #tpu.memory_space<vmem>>, vector<512x128xf32>
    %add3A_14 = arith.addf %get3A_10, %get3A_13 : vector<512x128xf32>
    %get3A_15 = arith.constant 0 : index
    %get3A_16 = arith.constant 0 : index
    %get3A_17 = vector.load %arg3[%get3A_15, %get3A_16] : memref<512x128xf32, #tpu.memory_space<vmem>>, vector<512x128xf32>
    %add3A_18 = arith.addf %add3A_14, %get3A_17 : vector<512x128xf32>
    %mul3A = vector.broadcast %rsqrt3A : vector<512x1xf32> to vector<512x128xf32>
    %mul3A_19 = arith.mulf %mul3A, %add3A_18 : vector<512x128xf32>
    %get3A_20 = arith.constant 0 : index
    %get3A_21 = arith.constant 0 : index
    %get3A_22 = vector.load %arg6[%get3A_20, %get3A_21] : memref<1x128xf32, #tpu.memory_space<vmem>>, vector<1x128xf32>
    %add3A_23 = vector.broadcast %get3A_22 : vector<1x128xf32> to vector<512x128xf32>
    %add3A_24 = arith.addf %mul3A_19, %add3A_23 : vector<512x128xf32>
    %tanh3A = math.tanh %add3A_24 : vector<512x128xf32>
    %swap3A = arith.constant 0 : index
    %swap3A_25 = arith.constant 0 : index
    %swap3A_26 = vector.load %arg9[%swap3A, %swap3A_25] : memref<512x128xf32, #tpu.memory_space<vmem>>, vector<512x128xf32>
    tpu.vector_store %arg9[%swap3A, %swap3A_25], %tanh3A {strides = array<i32>} : memref<512x128xf32, #tpu.memory_space<vmem>>, vector<512x128xf32>,
    %get3A_27 = arith.constant 0 : index
    %get3A_28 = arith.constant 0 : index
    %get3A_29 = vector.load %arg7[%get3A_27, %get3A_28] : memref<128x128xf32, #tpu.memory_space<vmem>>, vector<128x128xf32>
    %dot_general3A = arith.constant dense<0.000000e+00> : vector<512x128xf32>
    %dot_general3A_30 = tpu.matmul %tanh3A, %get3A_29, %dot_general3A {dimension_numbers = #tpu.dot_dimension_numbers<[1], [0], [0], [1], [0, 0, 1, 1], [], []>, precision = #tpu.contract_precision<fp32>, transpose_lhs_hint = false} : vector<512x128xf32>, vector<128x128xf32>, vector<512x128xf32> -> vector<512x128xf32>
    %get3A_31 = arith.constant 0 : index
    %get3A_32 = arith.constant 0 : index
    %get3A_33 = vector.load %arg8[%get3A_31, %get3A_32] : memref<1x128xf32, #tpu.memory_space<vmem>>, vector<1x128xf32>
    %add3A_34 = vector.broadcast %get3A_33 : vector<1x128xf32> to vector<512x128xf32>
    %add3A_35 = arith.addf %dot_general3A_30, %add3A_34 : vector<512x128xf32>
    %swap3A_36 = arith.constant 0 : index
    %swap3A_37 = arith.constant 0 : index
    %swap3A_38 = vector.load %arg10[%swap3A_36, %swap3A_37] : memref<512x128xf32, #tpu.memory_space<vmem>>, vector<512x128xf32>
    tpu.vector_store %arg10[%swap3A_36, %swap3A_37], %add3A_35 {strides = array<i32>} : memref<512x128xf32, #tpu.memory_space<vmem>>, vector<512x128xf32>,
    return
  }
  func.func @transform_0(%arg0: i32) -> (i32, i32) {
    %c0_i32 = arith.constant 0 : i32
    %c0_i32_0 = arith.constant 0 : i32
    return %arg0, %c0_i32 : i32, i32
  }
  func.func @transform_1(%arg0: i32) -> (i32, i32) {
    %c0_i32 = arith.constant 0 : i32
    %c0_i32_0 = arith.constant 0 : i32
    return %arg0, %c0_i32 : i32, i32
  }
  func.func @transform_2(%arg0: i32) -> (i32, i32) {
    %c0_i32 = arith.constant 0 : i32
    %c0_i32_0 = arith.constant 0 : i32
    return %arg0, %c0_i32 : i32, i32
  }
  func.func @transform_3(%arg0: i32) -> (i32, i32) {
    %c0_i32 = arith.constant 0 : i32
    %c0_i32_0 = arith.constant 0 : i32
    return %arg0, %c0_i32 : i32, i32
  }
  func.func @transform_4(%arg0: i32) -> (i32, i32) {
    %c0_i32 = arith.constant 0 : i32
    %c0_i32_0 = arith.constant 0 : i32
    return %arg0, %c0_i32 : i32, i32
  }
  func.func @transform_5(%arg0: i32) -> (i32, i32) {
    %c0_i32 = arith.constant 0 : i32
    %c0_i32_0 = arith.constant 0 : i32
    %c0_i32_1 = arith.constant 0 : i32
    return %c0_i32, %c0_i32_0 : i32, i32
  }
  func.func @transform_6(%arg0: i32) -> (i32, i32) {
    %c0_i32 = arith.constant 0 : i32
    %c0_i32_0 = arith.constant 0 : i32
    %c0_i32_1 = arith.constant 0 : i32
    return %c0_i32, %c0_i32_0 : i32, i32
  }
  func.func @transform_7(%arg0: i32) -> (i32, i32) {
    %c0_i32 = arith.constant 0 : i32
    %c0_i32_0 = arith.constant 0 : i32
    %c0_i32_1 = arith.constant 0 : i32
    return %c0_i32, %c0_i32_0 : i32, i32
  }
  func.func @transform_8(%arg0: i32) -> (i32, i32) {
    %c0_i32 = arith.constant 0 : i32
    %c0_i32_0 = arith.constant 0 : i32
    return %arg0, %c0_i32 : i32, i32
  }
  func.func @transform_9(%arg0: i32) -> (i32, i32) {
    %c0_i32 = arith.constant 0 : i32
    %c0_i32_0 = arith.constant 0 : i32
    return %arg0, %c0_i32 : i32, i32
  }
}

</mosaic_0001>

<sc_bundles>
// kernel: kernel.11.cloned.1.call-start
scs
__scs_entry_jumppad:
0x0: {  	(pc) =	sbr.rel $0x88, $3  }
0x1: {  	(tag) =	ssettag $0x0;
	lr =	simm.s32 $0x1  }
0x2: {  	[smem:$0x3F99] =	sst lr;
	_ =	strace $0xD0000000  }
0x3: {  	_ = 	snop  }
0x4: {  	_ = 	snop  }
0x5: {  	_ = 	snop  }
0x6: {  	_ = 	snop  }
0x7: {  	_ = 	snop  }
__scs_overlays_trampoline_lowered:
0x8: {  	[smem:$0x3FA8] =	sst s0  }
0x9: {  	[smem:$0x3FA9] =	sst s1  }
0xa: {  	[smem:$0x3FAA] =	sst s2  }
0xb: {  	[smem:$0x3FAB] =	sst s3  }
0xc: {  	[smem:$0x3FAC] =	sst s4  }
0xd: {  	[smem:$0x3FAD] =	sst s5  }
0xe: {  	[smem:$0x3FAE] =	sst s6  }
0xf: {  	[smem:$0x3FAF] =	sst s7  }
0x10: {  	[smem:$0x3FB0] =	sst s8  }
0x11: {  	[smem:$0x3FB1] =	sst s9;
	s0 =	simm.s32 @!p0 $0x0  }
0x12: {  	s1 =	sld [smem:$0x3F97];
	s0 =	simm.s32 @p0 $0x1  }
0x13: {  	[smem:$0x3FB2] =	sst s0;
	s0 =	simm.s32 @!p1 $0x0  }
0x14: {  	s2 =	sld [smem:$0x3F96];
	s0 =	simm.s32 @p1 $0x1  }
0x15: {  	[smem:$0x3FB3] =	sst s0;
	s0 =	simm.s32 @!p2 $0x0  }
0x16: {  	s3 =	sld [smem:$0x3FDB];
	s0 =	simm.s32 @p2 $0x1  }
0x17: {  	s4 =	simm.s32 $0x1BF5;
	[smem:$0x3FB5] =	sst s0  }
0x18: {  	s0 =	sld [smem:$0x3F98];
	_ =	swait.ge [sflag:s4], $0x0  }
0x19: {  	s7 =	sld [smem:$0x3F99]  }
0x1a: {  	s8 =	sadd.s32 $0xFFFFE003, lr  }
0x1b: {  	s9 =	sadd.s32 $0xFFFFFEF7, lr;
	s5 =	simm.s32 $0xFFFFFFFF;
	p2 =	slt.u32 s8, $0xFFFFF086  }
0x1c: {  	p1 =	slt.u32 s9, $0xF7A;
	s5 =	simm.s32 @!p2 $0x0  }
0x1d: {  	s5 =	simm.s32 @p1 $0x1;
	p0 =	seq.s32 s7, s2  }
0x1e: {  	s7 =	smul.u32 @!p0 $0xF7A, s2;
	p2 =	seq.s32 @!p0 s5, $0x0  }
0x1f: {  	s9 =	smul.u32 $0xF7A, s1;
	s8 =	simm.s32 @!p0 $0x1BF5;
	p2 =	por !p2, p0  }
0x20: {  	[sflag:s8] =	ssyncset.s32 @!p0 $0xFFFFF086;
	s6 =	sadd.s32 @!p0 s3, s7;
	s7 =	simm.s32 @!p0 $0x108  }
0x21: {  	s3 =	sadd.s32 s3, s9;
	s6 =	sadd.s32 @!p0 $0x88, s6;
	s7 =	simm.s32 @p2 $0x1082  }
0x22: {  	[simem:s7], [sflag:s8] =	dma.local @!p0 [hbm:s6], $0xF7A  }
0x23: {  	s9 =	sor.u32 $0xD0000000, s2;
	s6 =	simm.s32 $0x108;
	_ =	swait.ge @!p0 [sflag:s8], $0x0  }
0x24: {  	s3 =	sadd.s32 $0x88, s3;
	s6 =	simm.s32 @!p1 $0x1082;
	[sflag:s4] =	ssyncset.s32 $0xFFFFF086  }
0x25: {  	[simem:s6], [sflag:s4] =	dma.local [hbm:s3], $0xF7A  }
0x26: {  	[smem:$0x3F99] =	sst s1;
	(tag) =	ssettag s2;
	_ =	strace s9  }
0x27: {  	s1 =	sld [smem:$0x3FA9]  }
0x28: {  	s2 =	sld [smem:$0x3FAA]  }
0x29: {  	s4 =	sld [smem:$0x3FAC]  }
0x2a: {  	p0 =	seq.s32 s5, $0x0;
	s5 =	sld [smem:$0x3FAD]  }
0x2b: {  	s6 =	sld [smem:$0x3FAE]  }
0x2c: {  	s7 =	sld [smem:$0x3FAF]  }
0x2d: {  	s3 =	simm.s32 $0x108;
	s8 =	sld [smem:$0x3FB0]  }
0x2e: {  	s3 =	simm.s32 @!p0 $0x1082;
	s9 =	sld [smem:$0x3FB1]  }
0x2f: {  	lr =	sadd.s32 s0, s3;
	s0 =	sld [smem:$0x3FA8]  }
0x30: {  	s3 =	sld [smem:$0x3FAB]  }
0x31: {  	[smem:$0x3FB4] =	sst s10  }
0x32: {  	s10 =	sld [smem:$0x3FB2];
	_ =	sdelay $0x3  }
0x33: {  	p0 =	seq.s32 s10, $0x1;
	s10 =	sld [smem:$0x3FB4];
	_ =	sdelay $0x3  }
0x34: {  	[smem:$0x3FB4] =	sst s10  }
0x35: {  	s10 =	sld [smem:$0x3FB3];
	_ =	sdelay $0x3  }
0x36: {  	p1 =	seq.s32 s10, $0x1;
	s10 =	sld [smem:$0x3FB4];
	_ =	sdelay $0x3  }
0x37: {  	[smem:$0x3FB4] =	sst s10  }
0x38: {  	s10 =	sld [smem:$0x3FB5]  }
0x39: {  	_ = 	snop;
	(pc) =	sbr.ind lr, $3  }
0x3a: {  	_ = 	snop  }
0x3b: {  	_ = 	snop  }
0x3c: {  	p2 =	seq.s32 s10, $0x1;
	s10 =	sld [smem:$0x3FB4]  }
0x3d: {  	_ =	shalt  }
0x3e: {  	_ =	shalt  }
0x3f: {  	_ =	shalt  }
0x40: {  	_ =	shalt  }
0x41: {  	_ =	shalt  }
0x42: {  	_ =	shalt  }
0x43: {  	_ =	shalt  }
0x44: {  	_ =	shalt  }
0x45: {  	_ =	shalt  }
0x46: {  	_ =	shalt  }
0x47: {  	_ =	shalt  }
0x48: {  	_ =	shalt  }
0x49: {  	_ =	shalt  }
0x4a: {  	_ =	shalt  }
0x4b: {  	_ =	shalt  }
0x4c: {  	_ =	shalt  }
0x4d: {  	_ =	shalt  }
0x4e: {  	_ =	shalt  }
0x4f: {  	_ =	shalt  }
0x50: {  	_ =	shalt  }
0x51: {  	_ =	shalt  }
0x52: {  	_ =	shalt  }
0x53: {  	_ =	shalt  }
0x54: {  	_ =	shalt  }
0x55: {  	_ =	shalt  }
0x56: {  	_ =	shalt  }
0x57: {  	_ =	shalt  }
0x58: {  	_ =	shalt  }
0x59: {  	_ =	shalt  }
0x5a: {  	_ =	shalt  }
0x5b: {  	_ =	shalt  }
0x5c: {  	_ =	shalt  }
0x5d: {  	_ =	shalt  }
0x5e: {  	_ =	shalt  }
0x5f: {  	_ =	shalt  }
0x60: {  	_ =	shalt  }
0x61: {  	_ =	shalt  }
0x62: {  	_ =	shalt  }
0x63: {  	_ =	shalt  }
0x64: {  	_ =	shalt  }
0x65: {  	_ =	shalt  }
0x66: {  	_ =	shalt  }
0x67: {  	_ =	shalt  }
0x68: {  	_ =	shalt  }
0x69: {  	_ =	shalt  }
0x6a: {  	_ =	shalt  }
0x6b: {  	_ =	shalt  }
0x6c: {  	_ =	shalt  }
0x6d: {  	_ =	shalt  }
0x6e: {  	_ =	shalt  }
0x6f: {  	_ =	shalt  }
0x70: {  	_ =	shalt  }
0x71: {  	_ =	shalt  }
0x72: {  	_ =	shalt  }
0x73: {  	_ =	shalt  }
0x74: {  	_ =	shalt  }
0x75: {  	_ =	shalt  }
0x76: {  	_ =	shalt  }
0x77: {  	_ =	shalt  }
0x78: {  	_ =	shalt  }
0x79: {  	_ =	shalt  }
0x7a: {  	_ =	shalt  }
0x7b: {  	_ =	shalt  }
0x7c: {  	_ =	shalt  }
0x7d: {  	_ =	shalt  }
0x7e: {  	_ =	shalt  }
0x7f: {  	_ =	shalt  }
0x80: {  	_ =	shalt  }
0x81: {  	_ =	shalt  }
0x82: {  	_ =	shalt  }
0x83: {  	_ =	shalt  }
0x84: {  	_ =	shalt  }
0x85: {  	_ =	shalt  }
0x86: {  	_ =	shalt  }
0x87: {  	_ =	shalt  }
.Lfunc_end0:
.L_simem_size_0:
called_computation.1_lowered:
.L_overlay_start_0:
0x88: {  	s2 =	sld [smem:$0x3FD9]  }
0x89: {  	s3 =	sld [smem:$0x3FFE];
	_ =	sdelay $0x1  }
0x8a: {  	s1 =	srdreg.scid  }
0x8b: {  	s0 =	sand.u32 $0x1, s1  }
0x8c: {  	s14 =	sshll.u32 s0, $0xA;
	s2 =	sadd.s32 s3, s2  }
0x8d: {  	s2 =	sadd.s32 s2, s14  }
0x8e: {  	[smem:$0x3FC0] =	sst s2  }
0x8f: {  	_ = 	snop  }
0x90: {  	s2 =	sld [smem:$0x3FD0];
	_ =	sdelay $0x2  }
0x91: {  	s15 =	simm.s32 $0xA;
	s4 =	simm.s32 $0x10  }
0x92: {  	[smem:s4], [sflag:s15] =	dma.local [hbm:s2], $0x1  }
0x93: {  	_ =	swait.eq [sflag:s15], $0x1  }
0x94: {  	[sflag:s15] =	ssyncset.done $0x0  }
0x95: {  	[sflag:s15] =	ssyncadd.s32 $0xFFFFFFFF  }
0x96: {  	s16 =	sld [smem:$0x10];
	(tm) =	ssettm $0x1  }
0x97: {  	s17 =	sld [smem:$0x3FFB];
	_ =	sdelay $0x3  }
0x98: {  	_ =	strace s17  }
0x99: {  	s3 =	sld [smem:$0x3FFC];
	_ =	sdelay $0x3  }
0x9a: {  	_ =	strace s3  }
0x9b: {  	s3 =	sld [smem:$0x3FFD];
	_ =	sdelay $0x3  }
0x9c: {  	_ =	strace s3  }
0x9d: {  	_ =	strace $0x8FFFFFFF  }
0x9e: {  	s18 =	sld [smem:$0x3FDB];
	_ =	sdelay $0x1  }
0x9f: {  	s19 =	simm.s32 $_scs_section_size  }
0xa0: {  	s5 =	simm.s32 $_size__tile_overlayer_lowered;
	s6 =	simm.s32 $_tile_overlayer_lowered  }
0xa1: {  	s22 =	simm.s32 $0x1BFF;
	s21 =	sshll.u32 s6, $0x1;
	s3 =	sadd.s32 s19, s18  }
0xa2: {  	s7 =	simm.s32 $0x0;
	s20 =	sshll.u32 s5, $0x1;
	s5 =	sadd.s32 s21, s3  }
0xa3: {  	[timem:s7], [sflag:s22] =	dma.local [hbm:s5], s20  }
0xa4: {  	_ =	swait.ge [sflag:s22], s20  }
0xa5: {  	s4 =	ssub.s32 $0x0, s20;
	[sflag:s22] =	ssyncset.done $0x0  }
0xa6: {  	[sflag:s22] =	ssyncadd.s32 s4;
	_ =	sdelay $0x1  }
0xa7: {  	s23 =	simm.s32 $0x1B8B  }
0xa8: {  	_ =	swait.ge [sflag:s23], $0x1  }
0xa9: {  	[sflag:s23] =	ssyncset.done $0x0  }
0xaa: {  	s25 =	simm.s32 $0x1B8E;
	s24 =	sld [smem:$0x3FFE];
	[sflag:s23] =	ssyncadd.s32 $0xFFFFFFFF  }
0xab: {  	s26 =	simm.s32 $execute0_lowered;
	[smem:$0x3FD2] =	sst s25  }
0xac: {  	s5 =	sshll.u32 s26, $0x1;
	_ =	strace $0x80000049;
	[dreg:$0x1] =	wrdreg $0xFFFFFFFF  }
0xad: {  	s28 =	simm.s32 $_size_execute0_lowered;
	s3 =	sadd.s32 s3, s5;
	[dreg:$0x0] =	wrdreg $0x0  }
0xae: {  	s5 =	sshll.u32 s28, $0x1;
	[dreg:$0x2] =	wrdreg s3  }
0xaf: {  	[dreg:$0x3] =	wrdreg s5  }
0xb0: {  	[dreg:$0x4] =	wrdreg $0xC0  }
0xb1: {  	_ =	task [dreg:s7], $0x5FFFF  }
0xb2: {  	[dreg:$0x1] =	wrdreg $0xFFFFFFFF  }
0xb3: {  	[dreg:$0x0] =	wrdreg $0x60  }
0xb4: {  	[dreg:$0x2] =	wrdreg s24  }
0xb5: {  	[dreg:$0x3] =	wrdreg s16  }
0xb6: {  	[dreg:$0x4] =	wrdreg $0x41000  }
0xb7: {  	[dreg:$0x5] =	wrdreg $0x9  }
0xb8: {  	_ =	task.clear_ibuf [dreg:s7], $0x6FFFF;
	_ =	strace $0x90000049  }
0xb9: {  	s29 =	simm.s32 $0x9;
	_ =	strace $0x8000004B  }
0xba: {  	_ =	swait.ge [sflag:s29], $0x1  }
0xbb: {  	[sflag:s29] =	ssyncadd.s32 $0xFFFFFFFF  }
0xbc: {  	_ =	strace $0x9000004B  }
0xbd: {  	_ =	sfence  }
0xbe: {  	s30 =	sld [smem:$0x0];
	_ =	sdelay $0x2  }
0xbf: {  	s31 =	sshll.u32 s1, $0xD;
	s1 =	sshrl.u32 s1, $0x2  }
0xc0: {  	s3 =	sand.u32 $0x4000, s31;
	s1 =	sadd.s32 s1, s30  }
0xc1: {  	s0 =	sor.u32 s3, s0;
	s1 =	sshll.u32 s1, $0x11  }
0xc2: {  	s0 =	sor.u32 s1, s0  }
0xc3: {  	s0 =	sadd.s32 $0x8F2B, s0  }
0xc4: {  	[sflag:s0] =	ssyncadd.remote.s32 $0x1  }
0xc5: {  	_ =	sfence.sel $0xFFFF  }
0xc6: {  	[dreg:$0x0] =	wrdreg $0xFFFFFFFF;
	(pc) =	sbr.abs _section_cstart, $3  }
0xc7: {  	[dreg:$0x1] =	wrdreg $0xFFFFFFFF  }
0xc8: {  	_ =	task.clear_ibuf [dreg:s7], $0x2FFFF;
	_ =	strace $0x9FFFFFFF  }
0xc9: {  	(tm) =	ssettm $0x7FFFFFFF  }
tec
execute0_lowered:
.L_overlay_start_1:
0x0: {  	(tag) =	ssettag $0x1  }
0x1: {  	s5 =	rddreg [dreg:$0x0]  }
0x2: {  	s8 =	rddreg [dreg:$0x1]  }
0x3: {  	s1 =	rddreg [dreg:$0x2];
	s2 =	srdreg.scid  }
0x4: {  	s0 =	rddreg [dreg:$0x3];
	s3 =	simm.s32 $0x0;
	s7 =	sand.u32 $0x1, s2  }
0x5: {  	s15 =	simm.s32 $0x1;
	s2 =	stileid.u32;
	s9 =	smul.u32 $0x4F00, s7  }
0x6: {  	s16 =	simm.s32 $0x0;
	[smem:$0x7FF] =	sst s3;
	s6 =	smul.u32 $0x2800, s2  }
0x7: {  	s4 =	sadd.s32 $0x5D600, s5;
	_ =	strace $0x8000004A;
	s10 =	smul.u32 $0x50000, s2  }
0x8: {  	s12 =	ssub.s32 $0x2, s7;
	s31 =	sshll.u32 s2, $0x6;
	s14 =	smul.u32 $0x4F0, s2  }
0x9: {  	p0 =	seq.s32 s7, $0x1;
	s26 =	sshrl.u32 s12, $0x1;
	s11 =	sadd.s32 s9, s5  }
0xa: {  	s13 =	sadd.s32 s6, s5;
	s28 =	sshrl.u32 s10, $0x2;
	s29 =	ssub.s32 s12, s26  }
0xb: {  	s6 =	sor.u32 $0x1C02, s31;
	s10 =	simm.s32 $0xD5600;
	s9 =	sadd.s32 s9, s8  }
0xc: {  	s12 =	simm.s32 $0x2;
	s30 =	sadd.s32 s28, s1;
	s5 =	sadd.s32 $0x85600, s13  }
0xd: {  	s7 =	smax.u32 s29, $0x1;
	s10 =	simm.s32 @!p0 $0xAD600;
	s11 =	sadd.s32 s14, s11  }
0xe: {  	s9 =	sadd.s32 s14, s9;
	s14 =	simm.s32 $0x100;
	s8 =	sadd.s32 s10, s13  }
0xf: {  	s10 =	sadd.s32 $0x53800, s11;
	s11 =	sshrl.u32 s30, $0x3;
	s13 =	simm.s32 $0x80  }
.LBB2_1:
0x10: {  	[spmem:s11], [sflag:s6] =	dma.local [hbm:s5], $0x2800  }
0x11: {  	_ =	swait.ge [sflag:s12], $0x2800  }
0x12: {  	[sflag:s12] =	ssyncset.done $0x0  }
0x13: {  	[sflag:s12] =	ssyncadd.s32 $0xFFFFD800  }
0x14: {  	s17 =	sadd.s32 $0x0, s10;
	[bflag:$0x0] =	sbarrier.arrive $0xFFFF  }
0x15: {  	[tilespmem:s3], [sflag:$0x2] =	stream.linear.gather [hbm4b:s17+s3], $0x80, $0x38;
	[tilespmem:$0x18100] =	vst v63  }
0x16: {  	_ =	swait.ge [sflag:s12], $0x80  }
0x17: {  	[sflag:s12] =	ssyncset.done $0x0  }
0x18: {  	s31 =	sadd.s32 $0x0, s9;
	[sflag:s12] =	ssyncadd.s32 $0xFFFFFF80  }
0x19: {  	[tilespmem:s13], [sflag:$0x2] =	stream.linear.gather [hbm4b:s31+s3], $0x80, $0x38;
	[tilespmem:$0x18100] =	vst v63  }
0x1a: {  	_ =	swait.ge [sflag:s12], $0x80  }
0x1b: {  	[sflag:s12] =	ssyncset.done $0x0  }
0x1c: {  	[sflag:s12] =	ssyncadd.s32 $0xFFFFFF80  }
0x1d: {  	[tilespmem:s14], [sflag:$0x1] =	stream.indirect.gather [hbm4b:s4+s13], $0x80, s3, s13, $0xb8;
	[tilespmem:$0x18100] =	vst v63  }
0x1e: {  	_ =	swait.ge [sflag:s15], $0x4000  }
0x1f: {  	[sflag:s15] =	ssyncset.done $0x0  }
0x20: {  	[sflag:s15] =	ssyncadd.s32 $0xFFFFC000  }
0x21: {  	[spmem:s1] =	stream.indirect.scatter.add.f32 [tilespmem:s14], [sflag:$0x2], $0x80, s13, s13, $0xb8;
	[tilespmem:$0x18100] =	vst v63  }
0x22: {  	_ =	swait.ge [sflag:s12], $0x4000  }
0x23: {  	s18 =	simm.s32 $0x20;
	s17 =	simm.s32 $0x10;
	[sflag:s12] =	ssyncset.done $0x0  }
.LBB2_2:
0x24: {  	s19 =	sadd.s32 s17, s10  }
0x25: {  	[sflag:s12] =	ssyncadd.s32 $0xFFFFC000;
	s20 =	smov.u32 s18;
	s21 =	sadd.s32 $0x10, s18  }
0x26: {  	[tilespmem:s3], [sflag:$0x2] =	stream.linear.gather [hbm4b:s19+s3], $0x80, $0x38;
	[tilespmem:$0x18100] =	vst v63  }
0x27: {  	p0 =	sne.s32 s18, $0x4E0;
	_ =	swait.ge [sflag:s12], $0x80  }
0x28: {  	[sflag:s12] =	ssyncset.done $0x0  }
0x29: {  	s18 =	sadd.s32 s17, s9;
	s17 =	smov.u32 s20;
	[sflag:s12] =	ssyncadd.s32 $0xFFFFFF80  }
0x2a: {  	[tilespmem:s13], [sflag:$0x2] =	stream.linear.gather [hbm4b:s18+s3], $0x80, $0x38;
	[tilespmem:$0x18100] =	vst v63  }
0x2b: {  	_ =	swait.ge [sflag:s12], $0x80  }
0x2c: {  	[sflag:s12] =	ssyncset.done $0x0  }
0x2d: {  	[sflag:s12] =	ssyncadd.s32 $0xFFFFFF80  }
0x2e: {  	[tilespmem:s14], [sflag:$0x1] =	stream.indirect.gather [hbm4b:s4+s13], $0x80, s3, s13, $0xb8;
	[tilespmem:$0x18100] =	vst v63  }
0x2f: {  	_ =	swait.ge [sflag:s15], $0x4000  }
.Ltmp0:
0x30: {  	[sflag:s15] =	ssyncset.done $0x0;
	(pc) =	sbr.rel @p0 .LBB2_2-.Ltmp0, $4  }
0x31: {  	[sflag:s15] =	ssyncadd.s32 $0xFFFFC000  }
0x32: {  	[spmem:s1] =	stream.indirect.scatter.add.f32 [tilespmem:s14], [sflag:$0x2], $0x80, s13, s13, $0xb8;
	[tilespmem:$0x18100] =	vst v63  }
0x33: {  	_ =	swait.ge [sflag:s12], $0x4000  }
0x34: {  	s18 =	smov.u32 s21;
	[sflag:s12] =	ssyncset.done $0x0  }
0x35: {  	s18 =	sadd.s32 s17, s10;
	[sflag:s12] =	ssyncadd.s32 $0xFFFFC000  }
0x36: {  	[tilespmem:s3], [sflag:$0x2] =	stream.linear.gather [hbm4b:s18+s3], $0x80, $0x38;
	[tilespmem:$0x18100] =	vst v63  }
0x37: {  	_ =	swait.ge [sflag:s12], $0x80  }
0x38: {  	[sflag:s12] =	ssyncset.done $0x0  }
0x39: {  	s31 =	sadd.s32 s17, s9;
	[sflag:s12] =	ssyncadd.s32 $0xFFFFFF80  }
0x3a: {  	[tilespmem:s13], [sflag:$0x2] =	stream.linear.gather [hbm4b:s31+s3], $0x80, $0x38;
	[tilespmem:$0x18100] =	vst v63  }
0x3b: {  	_ =	swait.ge [sflag:s12], $0x80  }
0x3c: {  	[sflag:s12] =	ssyncset.done $0x0  }
0x3d: {  	[sflag:s12] =	ssyncadd.s32 $0xFFFFFF80  }
0x3e: {  	[tilespmem:s14], [sflag:$0x1] =	stream.indirect.gather [hbm4b:s4+s13], $0x80, s3, s13, $0xb8;
	[tilespmem:$0x18100] =	vst v63  }
0x3f: {  	_ =	swait.ge [sflag:s15], $0x4000  }
0x40: {  	[sflag:s15] =	ssyncset.done $0x0  }
0x41: {  	[sflag:s15] =	ssyncadd.s32 $0xFFFFC000  }
0x42: {  	[spmem:s1] =	stream.indirect.scatter.add.f32 [tilespmem:s14], [sflag:$0x2], $0x80, s13, s13, $0xb8;
	[tilespmem:$0x18100] =	vst v63  }
0x43: {  	_ =	swait.ge [sflag:s12], $0x4000  }
0x44: {  	s16 =	sadd.s32 $0x1, s16;
	[sflag:s12] =	ssyncset.done $0x0  }
0x45: {  	p0 =	sne.s32 s16, s7;
	[sflag:s12] =	ssyncadd.s32 $0xFFFFC000  }
.Ltmp1:
0x46: {  	[bflag:$0x0] =	sbarrier.arrive $0xFFFF;
	(pc) =	sbr.rel @p0 .LBB2_1-.Ltmp1, $4  }
0x47: {  	[hbm:s8], [sflag:s6] =	dma.local [spmem:s11], $0x2800  }
0x48: {  	_ =	swait.ge [sflag:s12], $0x2800  }
0x49: {  	[sflag:s12] =	ssyncset.done $0x0  }
0x4a: {  	[sflag:s12] =	ssyncadd.s32 $0xFFFFD800  }
0x4b: {  	_ =	sfence.sel $0x180000  }
0x4c: {  	[bflag:$0x0] =	sbarrier.arrive $0xFFFF  }
0x4d: {  	p0 =	sne.s32 s2, $0x0;
	_ =	strace $0x9000004A  }
0x4e: {  	s0 =	sadd.s32 @!p0 $0x100000, s0;
	[bflag:$0x2] =	sbarrier.arrive $0xFFFF  }
0x4f: {  	[sflag:s0] =	ssyncadd.tile.s32 @!p0 $0x1;
	_ =	shalt  }
.Lfunc_end2:
_tile_overlayer_lowered:
.L_overlay_start_2:
0x50: {  	(tag) =	ssettag $0x2  }
0x51: {  	s0 =	rddreg [dreg:$0x0];
	s2 =	stileid.u32  }
0x52: {  	s1 =	rddreg [dreg:$0x1];
	p0 =	sne.s32 s2, $0x0  }
0x53: {  	s3 =	rddreg [dreg:$0x2];
	[bflag:$0x3] =	sbarrier.arrive $0xFFFF;
	s2 =	simm.s32 @!p0 $0x1C02  }
0x54: {  	[timem:s3], [sflag:s2] =	dma.local @!p0 [hbm:s0], s1  }
0x55: {  	s0 =	simm.s32 @!p0 $0x2  }
0x56: {  	_ =	swait.ge @!p0 [sflag:s0], s1  }
0x57: {  	s1 =	ssub.s32 @!p0 $0x0, s1;
	[sflag:s0] =	ssyncset.done @!p0 $0x0  }
0x58: {  	[sflag:s0] =	ssyncadd.s32 @!p0 s1  }
0x59: {  	[bflag:$0x3] =	sbarrier.arrive $0xFFFF  }
0x5a: {  	_ =	shalt  }

// kernel: kernel.14.cloned.1.call-start
scs
__scs_entry_jumppad:
0x0: {  	(pc) =	sbr.rel $0x88, $3  }
0x1: {  	(tag) =	ssettag $0x0;
	lr =	simm.s32 $0x1  }
0x2: {  	[smem:$0x3F99] =	sst lr;
	_ =	strace $0xD0000000  }
0x3: {  	_ = 	snop  }
0x4: {  	_ = 	snop  }
0x5: {  	_ = 	snop  }
0x6: {  	_ = 	snop  }
0x7: {  	_ = 	snop  }
__scs_overlays_trampoline_lowered:
0x8: {  	[smem:$0x3FA8] =	sst s0  }
0x9: {  	[smem:$0x3FA9] =	sst s1  }
0xa: {  	[smem:$0x3FAA] =	sst s2  }
0xb: {  	[smem:$0x3FAB] =	sst s3  }
0xc: {  	[smem:$0x3FAC] =	sst s4  }
0xd: {  	[smem:$0x3FAD] =	sst s5  }
0xe: {  	[smem:$0x3FAE] =	sst s6  }
0xf: {  	[smem:$0x3FAF] =	sst s7  }
0x10: {  	[smem:$0x3FB0] =	sst s8  }
0x11: {  	[smem:$0x3FB1] =	sst s9;
	s0 =	simm.s32 @!p0 $0x0  }
0x12: {  	s1 =	sld [smem:$0x3F97];
	s0 =	simm.s32 @p0 $0x1  }
0x13: {  	[smem:$0x3FB2] =	sst s0;
	s0 =	simm.s32 @!p1 $0x0  }
0x14: {  	s2 =	sld [smem:$0x3F96];
	s0 =	simm.s32 @p1 $0x1  }
0x15: {  	[smem:$0x3FB3] =	sst s0;
	s0 =	simm.s32 @!p2 $0x0  }
0x16: {  	s3 =	sld [smem:$0x3FDB];
	s0 =	simm.s32 @p2 $0x1  }
0x17: {  	s4 =	simm.s32 $0x1BF5;
	[smem:$0x3FB5] =	sst s0  }
0x18: {  	s0 =	sld [smem:$0x3F98];
	_ =	swait.ge [sflag:s4], $0x0  }
0x19: {  	s7 =	sld [smem:$0x3F99]  }
0x1a: {  	s8 =	sadd.s32 $0xFFFFE003, lr  }
0x1b: {  	s9 =	sadd.s32 $0xFFFFFEF7, lr;
	s5 =	simm.s32 $0xFFFFFFFF;
	p2 =	slt.u32 s8, $0xFFFFF086  }
0x1c: {  	p1 =	slt.u32 s9, $0xF7A;
	s5 =	simm.s32 @!p2 $0x0  }
0x1d: {  	s5 =	simm.s32 @p1 $0x1;
	p0 =	seq.s32 s7, s2  }
0x1e: {  	s7 =	smul.u32 @!p0 $0xF7A, s2;
	p2 =	seq.s32 @!p0 s5, $0x0  }
0x1f: {  	s9 =	smul.u32 $0xF7A, s1;
	s8 =	simm.s32 @!p0 $0x1BF5;
	p2 =	por !p2, p0  }
0x20: {  	[sflag:s8] =	ssyncset.s32 @!p0 $0xFFFFF086;
	s6 =	sadd.s32 @!p0 s3, s7;
	s7 =	simm.s32 @!p0 $0x108  }
0x21: {  	s3 =	sadd.s32 s3, s9;
	s6 =	sadd.s32 @!p0 $0x88, s6;
	s7 =	simm.s32 @p2 $0x1082  }
0x22: {  	[simem:s7], [sflag:s8] =	dma.local @!p0 [hbm:s6], $0xF7A  }
0x23: {  	s9 =	sor.u32 $0xD0000000, s2;
	s6 =	simm.s32 $0x108;
	_ =	swait.ge @!p0 [sflag:s8], $0x0  }
0x24: {  	s3 =	sadd.s32 $0x88, s3;
	s6 =	simm.s32 @!p1 $0x1082;
	[sflag:s4] =	ssyncset.s32 $0xFFFFF086  }
0x25: {  	[simem:s6], [sflag:s4] =	dma.local [hbm:s3], $0xF7A  }
0x26: {  	[smem:$0x3F99] =	sst s1;
	(tag) =	ssettag s2;
	_ =	strace s9  }
0x27: {  	s1 =	sld [smem:$0x3FA9]  }
0x28: {  	s2 =	sld [smem:$0x3FAA]  }
0x29: {  	s4 =	sld [smem:$0x3FAC]  }
0x2a: {  	p0 =	seq.s32 s5, $0x0;
	s5 =	sld [smem:$0x3FAD]  }
0x2b: {  	s6 =	sld [smem:$0x3FAE]  }
0x2c: {  	s7 =	sld [smem:$0x3FAF]  }
0x2d: {  	s3 =	simm.s32 $0x108;
	s8 =	sld [smem:$0x3FB0]  }
0x2e: {  	s3 =	simm.s32 @!p0 $0x1082;
	s9 =	sld [smem:$0x3FB1]  }
0x2f: {  	lr =	sadd.s32 s0, s3;
	s0 =	sld [smem:$0x3FA8]  }
0x30: {  	s3 =	sld [smem:$0x3FAB]  }
0x31: {  	[smem:$0x3FB4] =	sst s10  }
0x32: {  	s10 =	sld [smem:$0x3FB2];
	_ =	sdelay $0x3  }
0x33: {  	p0 =	seq.s32 s10, $0x1;
	s10 =	sld [smem:$0x3FB4];
	_ =	sdelay $0x3  }
0x34: {  	[smem:$0x3FB4] =	sst s10  }
0x35: {  	s10 =	sld [smem:$0x3FB3];
	_ =	sdelay $0x3  }
0x36: {  	p1 =	seq.s32 s10, $0x1;
	s10 =	sld [smem:$0x3FB4];
	_ =	sdelay $0x3  }
0x37: {  	[smem:$0x3FB4] =	sst s10  }
0x38: {  	s10 =	sld [smem:$0x3FB5]  }
0x39: {  	_ = 	snop;
	(pc) =	sbr.ind lr, $3  }
0x3a: {  	_ = 	snop  }
0x3b: {  	_ = 	snop  }
0x3c: {  	p2 =	seq.s32 s10, $0x1;
	s10 =	sld [smem:$0x3FB4]  }
0x3d: {  	_ =	shalt  }
0x3e: {  	_ =	shalt  }
0x3f: {  	_ =	shalt  }
0x40: {  	_ =	shalt  }
0x41: {  	_ =	shalt  }
0x42: {  	_ =	shalt  }
0x43: {  	_ =	shalt  }
0x44: {  	_ =	shalt  }
0x45: {  	_ =	shalt  }
0x46: {  	_ =	shalt  }
0x47: {  	_ =	shalt  }
0x48: {  	_ =	shalt  }
0x49: {  	_ =	shalt  }
0x4a: {  	_ =	shalt  }
0x4b: {  	_ =	shalt  }
0x4c: {  	_ =	shalt  }
0x4d: {  	_ =	shalt  }
0x4e: {  	_ =	shalt  }
0x4f: {  	_ =	shalt  }
0x50: {  	_ =	shalt  }
0x51: {  	_ =	shalt  }
0x52: {  	_ =	shalt  }
0x53: {  	_ =	shalt  }
0x54: {  	_ =	shalt  }
0x55: {  	_ =	shalt  }
0x56: {  	_ =	shalt  }
0x57: {  	_ =	shalt  }
0x58: {  	_ =	shalt  }
0x59: {  	_ =	shalt  }
0x5a: {  	_ =	shalt  }
0x5b: {  	_ =	shalt  }
0x5c: {  	_ =	shalt  }
0x5d: {  	_ =	shalt  }
0x5e: {  	_ =	shalt  }
0x5f: {  	_ =	shalt  }
0x60: {  	_ =	shalt  }
0x61: {  	_ =	shalt  }
0x62: {  	_ =	shalt  }
0x63: {  	_ =	shalt  }
0x64: {  	_ =	shalt  }
0x65: {  	_ =	shalt  }
0x66: {  	_ =	shalt  }
0x67: {  	_ =	shalt  }
0x68: {  	_ =	shalt  }
0x69: {  	_ =	shalt  }
0x6a: {  	_ =	shalt  }
0x6b: {  	_ =	shalt  }
0x6c: {  	_ =	shalt  }
0x6d: {  	_ =	shalt  }
0x6e: {  	_ =	shalt  }
0x6f: {  	_ =	shalt  }
0x70: {  	_ =	shalt  }
0x71: {  	_ =	shalt  }
0x72: {  	_ =	shalt  }
0x73: {  	_ =	shalt  }
0x74: {  	_ =	shalt  }
0x75: {  	_ =	shalt  }
0x76: {  	_ =	shalt  }
0x77: {  	_ =	shalt  }
0x78: {  	_ =	shalt  }
0x79: {  	_ =	shalt  }
0x7a: {  	_ =	shalt  }
0x7b: {  	_ =	shalt  }
0x7c: {  	_ =	shalt  }
0x7d: {  	_ =	shalt  }
0x7e: {  	_ =	shalt  }
0x7f: {  	_ =	shalt  }
0x80: {  	_ =	shalt  }
0x81: {  	_ =	shalt  }
0x82: {  	_ =	shalt  }
0x83: {  	_ =	shalt  }
0x84: {  	_ =	shalt  }
0x85: {  	_ =	shalt  }
0x86: {  	_ =	shalt  }
0x87: {  	_ =	shalt  }
.Lfunc_end0:
.L_simem_size_0:
called_computation.2_lowered:
.L_overlay_start_0:
0x88: {  	s2 =	sld [smem:$0x3FD9]  }
0x89: {  	s3 =	sld [smem:$0x3FFE];
	_ =	sdelay $0x1  }
0x8a: {  	s1 =	srdreg.scid  }
0x8b: {  	s0 =	sand.u32 $0x1, s1  }
0x8c: {  	s14 =	sshll.u32 s0, $0xA;
	s2 =	sadd.s32 s3, s2  }
0x8d: {  	s2 =	sadd.s32 s2, s14  }
0x8e: {  	[smem:$0x3FC0] =	sst s2  }
0x8f: {  	_ = 	snop  }
0x90: {  	s2 =	sld [smem:$0x3FD0];
	_ =	sdelay $0x2  }
0x91: {  	s15 =	simm.s32 $0xA;
	s4 =	simm.s32 $0x10  }
0x92: {  	[smem:s4], [sflag:s15] =	dma.local [hbm:s2], $0x1  }
0x93: {  	_ =	swait.eq [sflag:s15], $0x1  }
0x94: {  	[sflag:s15] =	ssyncset.done $0x0  }
0x95: {  	[sflag:s15] =	ssyncadd.s32 $0xFFFFFFFF  }
0x96: {  	s16 =	sld [smem:$0x10];
	(tm) =	ssettm $0x1  }
0x97: {  	s17 =	sld [smem:$0x3FFB];
	_ =	sdelay $0x3  }
0x98: {  	_ =	strace s17  }
0x99: {  	s3 =	sld [smem:$0x3FFC];
	_ =	sdelay $0x3  }
0x9a: {  	_ =	strace s3  }
0x9b: {  	s3 =	sld [smem:$0x3FFD];
	_ =	sdelay $0x3  }
0x9c: {  	_ =	strace s3  }
0x9d: {  	_ =	strace $0x8FFFFFFF  }
0x9e: {  	s18 =	sld [smem:$0x3FDB];
	_ =	sdelay $0x1  }
0x9f: {  	s19 =	simm.s32 $_scs_section_size  }
0xa0: {  	s5 =	simm.s32 $_size__tile_overlayer_lowered;
	s6 =	simm.s32 $_tile_overlayer_lowered  }
0xa1: {  	s22 =	simm.s32 $0x1BFF;
	s21 =	sshll.u32 s6, $0x1;
	s3 =	sadd.s32 s19, s18  }
0xa2: {  	s7 =	simm.s32 $0x0;
	s20 =	sshll.u32 s5, $0x1;
	s5 =	sadd.s32 s21, s3  }
0xa3: {  	[timem:s7], [sflag:s22] =	dma.local [hbm:s5], s20  }
0xa4: {  	_ =	swait.ge [sflag:s22], s20  }
0xa5: {  	s4 =	ssub.s32 $0x0, s20;
	[sflag:s22] =	ssyncset.done $0x0  }
0xa6: {  	[sflag:s22] =	ssyncadd.s32 s4;
	_ =	sdelay $0x1  }
0xa7: {  	s23 =	simm.s32 $0x1B8B  }
0xa8: {  	_ =	swait.ge [sflag:s23], $0x1  }
0xa9: {  	[sflag:s23] =	ssyncset.done $0x0  }
0xaa: {  	s25 =	simm.s32 $0x1B8E;
	s24 =	sld [smem:$0x3FFE];
	[sflag:s23] =	ssyncadd.s32 $0xFFFFFFFF  }
0xab: {  	s26 =	simm.s32 $execute0_lowered;
	[smem:$0x3FD2] =	sst s25  }
0xac: {  	s5 =	sshll.u32 s26, $0x1;
	_ =	strace $0x8000004C;
	[dreg:$0x1] =	wrdreg $0xFFFFFFFF  }
0xad: {  	s28 =	simm.s32 $_size_execute0_lowered;
	s3 =	sadd.s32 s3, s5;
	[dreg:$0x0] =	wrdreg $0x0  }
0xae: {  	s5 =	sshll.u32 s28, $0x1;
	[dreg:$0x2] =	wrdreg s3  }
0xaf: {  	[dreg:$0x3] =	wrdreg s5  }
0xb0: {  	[dreg:$0x4] =	wrdreg $0xC0  }
0xb1: {  	_ =	task [dreg:s7], $0x5FFFF  }
0xb2: {  	[dreg:$0x1] =	wrdreg $0xFFFFFFFF  }
0xb3: {  	[dreg:$0x0] =	wrdreg $0x60  }
0xb4: {  	[dreg:$0x2] =	wrdreg s24  }
0xb5: {  	[dreg:$0x3] =	wrdreg s16  }
0xb6: {  	[dreg:$0x4] =	wrdreg $0x41000  }
0xb7: {  	[dreg:$0x5] =	wrdreg $0x9  }
0xb8: {  	_ =	task.clear_ibuf [dreg:s7], $0x6FFFF;
	_ =	strace $0x9000004C  }
0xb9: {  	s29 =	simm.s32 $0x9;
	_ =	strace $0x8000004E  }
0xba: {  	_ =	swait.ge [sflag:s29], $0x1  }
0xbb: {  	[sflag:s29] =	ssyncadd.s32 $0xFFFFFFFF  }
0xbc: {  	_ =	strace $0x9000004E  }
0xbd: {  	_ =	sfence  }
0xbe: {  	s30 =	sld [smem:$0x0];
	_ =	sdelay $0x2  }
0xbf: {  	s31 =	sshll.u32 s1, $0xD;
	s1 =	sshrl.u32 s1, $0x2  }
0xc0: {  	s3 =	sand.u32 $0x4000, s31;
	s1 =	sadd.s32 s1, s30  }
0xc1: {  	s0 =	sor.u32 s3, s0;
	s1 =	sshll.u32 s1, $0x11  }
0xc2: {  	s0 =	sor.u32 s1, s0  }
0xc3: {  	s0 =	sadd.s32 $0x8F2B, s0  }
0xc4: {  	[sflag:s0] =	ssyncadd.remote.s32 $0x1  }
0xc5: {  	_ =	sfence.sel $0xFFFF  }
0xc6: {  	[dreg:$0x0] =	wrdreg $0xFFFFFFFF;
	(pc) =	sbr.abs _section_cstart, $3  }
0xc7: {  	[dreg:$0x1] =	wrdreg $0xFFFFFFFF  }
0xc8: {  	_ =	task.clear_ibuf [dreg:s7], $0x2FFFF;
	_ =	strace $0x9FFFFFFF  }
0xc9: {  	(tm) =	ssettm $0x7FFFFFFF  }
tec
execute0_lowered:
.L_overlay_start_1:
0x0: {  	(tag) =	ssettag $0x1  }
0x1: {  	s5 =	rddreg [dreg:$0x0]  }
0x2: {  	s8 =	rddreg [dreg:$0x1]  }
0x3: {  	s1 =	rddreg [dreg:$0x2];
	s2 =	srdreg.scid  }
0x4: {  	s0 =	rddreg [dreg:$0x3];
	s3 =	simm.s32 $0x0;
	s7 =	sand.u32 $0x1, s2  }
0x5: {  	s15 =	simm.s32 $0x1;
	s2 =	stileid.u32;
	s9 =	smul.u32 $0x4F00, s7  }
0x6: {  	s16 =	simm.s32 $0x0;
	[smem:$0x7FF] =	sst s3;
	s6 =	smul.u32 $0x2800, s2  }
0x7: {  	s4 =	sadd.s32 $0x5D600, s5;
	_ =	strace $0x8000004D;
	s10 =	smul.u32 $0x50000, s2  }
0x8: {  	s12 =	ssub.s32 $0x2, s7;
	s31 =	sshll.u32 s2, $0x6;
	s14 =	smul.u32 $0x4F0, s2  }
0x9: {  	p0 =	seq.s32 s7, $0x1;
	s26 =	sshrl.u32 s12, $0x1;
	s11 =	sadd.s32 s9, s5  }
0xa: {  	s13 =	sadd.s32 s6, s5;
	s28 =	sshrl.u32 s10, $0x2;
	s29 =	ssub.s32 s12, s26  }
0xb: {  	s6 =	sor.u32 $0x1C02, s31;
	s10 =	simm.s32 $0xD5600;
	s9 =	sadd.s32 s9, s8  }
0xc: {  	s12 =	simm.s32 $0x2;
	s30 =	sadd.s32 s28, s1;
	s5 =	sadd.s32 $0x85600, s13  }
0xd: {  	s7 =	smax.u32 s29, $0x1;
	s10 =	simm.s32 @!p0 $0xAD600;
	s11 =	sadd.s32 s14, s11  }
0xe: {  	s9 =	sadd.s32 s14, s9;
	s14 =	simm.s32 $0x100;
	s8 =	sadd.s32 s10, s13  }
0xf: {  	s10 =	sadd.s32 $0x53800, s11;
	s11 =	sshrl.u32 s30, $0x3;
	s13 =	simm.s32 $0x80  }
.LBB2_1:
0x10: {  	[spmem:s11], [sflag:s6] =	dma.local [hbm:s5], $0x2800  }
0x11: {  	_ =	swait.ge [sflag:s12], $0x2800  }
0x12: {  	[sflag:s12] =	ssyncset.done $0x0  }
0x13: {  	[sflag:s12] =	ssyncadd.s32 $0xFFFFD800  }
0x14: {  	s17 =	sadd.s32 $0x0, s10;
	[bflag:$0x0] =	sbarrier.arrive $0xFFFF  }
0x15: {  	[tilespmem:s3], [sflag:$0x2] =	stream.linear.gather [hbm4b:s17+s3], $0x80, $0x38;
	[tilespmem:$0x18100] =	vst v63  }
0x16: {  	_ =	swait.ge [sflag:s12], $0x80  }
0x17: {  	[sflag:s12] =	ssyncset.done $0x0  }
0x18: {  	s31 =	sadd.s32 $0x0, s9;
	[sflag:s12] =	ssyncadd.s32 $0xFFFFFF80  }
0x19: {  	[tilespmem:s13], [sflag:$0x2] =	stream.linear.gather [hbm4b:s31+s3], $0x80, $0x38;
	[tilespmem:$0x18100] =	vst v63  }
0x1a: {  	_ =	swait.ge [sflag:s12], $0x80  }
0x1b: {  	[sflag:s12] =	ssyncset.done $0x0  }
0x1c: {  	[sflag:s12] =	ssyncadd.s32 $0xFFFFFF80  }
0x1d: {  	[tilespmem:s14], [sflag:$0x1] =	stream.indirect.gather [hbm4b:s4+s13], $0x80, s3, s13, $0xb8;
	[tilespmem:$0x18100] =	vst v63  }
0x1e: {  	_ =	swait.ge [sflag:s15], $0x4000  }
0x1f: {  	[sflag:s15] =	ssyncset.done $0x0  }
0x20: {  	[sflag:s15] =	ssyncadd.s32 $0xFFFFC000  }
0x21: {  	[spmem:s1] =	stream.indirect.scatter.add.f32 [tilespmem:s14], [sflag:$0x2], $0x80, s13, s13, $0xb8;
	[tilespmem:$0x18100] =	vst v63  }
0x22: {  	_ =	swait.ge [sflag:s12], $0x4000  }
0x23: {  	s18 =	simm.s32 $0x20;
	s17 =	simm.s32 $0x10;
	[sflag:s12] =	ssyncset.done $0x0  }
.LBB2_2:
0x24: {  	s19 =	sadd.s32 s17, s10  }
0x25: {  	[sflag:s12] =	ssyncadd.s32 $0xFFFFC000;
	s20 =	smov.u32 s18;
	s21 =	sadd.s32 $0x10, s18  }
0x26: {  	[tilespmem:s3], [sflag:$0x2] =	stream.linear.gather [hbm4b:s19+s3], $0x80, $0x38;
	[tilespmem:$0x18100] =	vst v63  }
0x27: {  	p0 =	sne.s32 s18, $0x4E0;
	_ =	swait.ge [sflag:s12], $0x80  }
0x28: {  	[sflag:s12] =	ssyncset.done $0x0  }
0x29: {  	s18 =	sadd.s32 s17, s9;
	s17 =	smov.u32 s20;
	[sflag:s12] =	ssyncadd.s32 $0xFFFFFF80  }
0x2a: {  	[tilespmem:s13], [sflag:$0x2] =	stream.linear.gather [hbm4b:s18+s3], $0x80, $0x38;
	[tilespmem:$0x18100] =	vst v63  }
0x2b: {  	_ =	swait.ge [sflag:s12], $0x80  }
0x2c: {  	[sflag:s12] =	ssyncset.done $0x0  }
0x2d: {  	[sflag:s12] =	ssyncadd.s32 $0xFFFFFF80  }
0x2e: {  	[tilespmem:s14], [sflag:$0x1] =	stream.indirect.gather [hbm4b:s4+s13], $0x80, s3, s13, $0xb8;
	[tilespmem:$0x18100] =	vst v63  }
0x2f: {  	_ =	swait.ge [sflag:s15], $0x4000  }
.Ltmp0:
0x30: {  	[sflag:s15] =	ssyncset.done $0x0;
	(pc) =	sbr.rel @p0 .LBB2_2-.Ltmp0, $4  }
0x31: {  	[sflag:s15] =	ssyncadd.s32 $0xFFFFC000  }
0x32: {  	[spmem:s1] =	stream.indirect.scatter.add.f32 [tilespmem:s14], [sflag:$0x2], $0x80, s13, s13, $0xb8;
	[tilespmem:$0x18100] =	vst v63  }
0x33: {  	_ =	swait.ge [sflag:s12], $0x4000  }
0x34: {  	s18 =	smov.u32 s21;
	[sflag:s12] =	ssyncset.done $0x0  }
0x35: {  	s18 =	sadd.s32 s17, s10;
	[sflag:s12] =	ssyncadd.s32 $0xFFFFC000  }
0x36: {  	[tilespmem:s3], [sflag:$0x2] =	stream.linear.gather [hbm4b:s18+s3], $0x80, $0x38;
	[tilespmem:$0x18100] =	vst v63  }
0x37: {  	_ =	swait.ge [sflag:s12], $0x80  }
0x38: {  	[sflag:s12] =	ssyncset.done $0x0  }
0x39: {  	s31 =	sadd.s32 s17, s9;
	[sflag:s12] =	ssyncadd.s32 $0xFFFFFF80  }
0x3a: {  	[tilespmem:s13], [sflag:$0x2] =	stream.linear.gather [hbm4b:s31+s3], $0x80, $0x38;
	[tilespmem:$0x18100] =	vst v63  }
0x3b: {  	_ =	swait.ge [sflag:s12], $0x80  }
0x3c: {  	[sflag:s12] =	ssyncset.done $0x0  }
0x3d: {  	[sflag:s12] =	ssyncadd.s32 $0xFFFFFF80  }
0x3e: {  	[tilespmem:s14], [sflag:$0x1] =	stream.indirect.gather [hbm4b:s4+s13], $0x80, s3, s13, $0xb8;
	[tilespmem:$0x18100] =	vst v63  }
0x3f: {  	_ =	swait.ge [sflag:s15], $0x4000  }
0x40: {  	[sflag:s15] =	ssyncset.done $0x0  }
0x41: {  	[sflag:s15] =	ssyncadd.s32 $0xFFFFC000  }
0x42: {  	[spmem:s1] =	stream.indirect.scatter.add.f32 [tilespmem:s14], [sflag:$0x2], $0x80, s13, s13, $0xb8;
	[tilespmem:$0x18100] =	vst v63  }
0x43: {  	_ =	swait.ge [sflag:s12], $0x4000  }
0x44: {  	s16 =	sadd.s32 $0x1, s16;
	[sflag:s12] =	ssyncset.done $0x0  }
0x45: {  	p0 =	sne.s32 s16, s7;
	[sflag:s12] =	ssyncadd.s32 $0xFFFFC000  }
.Ltmp1:
0x46: {  	[bflag:$0x0] =	sbarrier.arrive $0xFFFF;
	(pc) =	sbr.rel @p0 .LBB2_1-.Ltmp1, $4  }
0x47: {  	[hbm:s8], [sflag:s6] =	dma.local [spmem:s11], $0x2800  }
0x48: {  	_ =	swait.ge [sflag:s12], $0x2800  }
0x49: {  	[sflag:s12] =	ssyncset.done $0x0  }
0x4a: {  	[sflag:s12] =	ssyncadd.s32 $0xFFFFD800  }
0x4b: {  	_ =	sfence.sel $0x180000  }
0x4c: {  	[bflag:$0x0] =	sbarrier.arrive $0xFFFF  }
0x4d: {  	p0 =	sne.s32 s2, $0x0;
	_ =	strace $0x9000004D  }
0x4e: {  	s0 =	sadd.s32 @!p0 $0x100000, s0;
	[bflag:$0x2] =	sbarrier.arrive $0xFFFF  }
0x4f: {  	[sflag:s0] =	ssyncadd.tile.s32 @!p0 $0x1;
	_ =	shalt  }
.Lfunc_end2:
_tile_overlayer_lowered:
.L_overlay_start_2:
0x50: {  	(tag) =	ssettag $0x2  }
0x51: {  	s0 =	rddreg [dreg:$0x0];
	s2 =	stileid.u32  }
0x52: {  	s1 =	rddreg [dreg:$0x1];
	p0 =	sne.s32 s2, $0x0  }
0x53: {  	s3 =	rddreg [dreg:$0x2];
	[bflag:$0x3] =	sbarrier.arrive $0xFFFF;
	s2 =	simm.s32 @!p0 $0x1C02  }
0x54: {  	[timem:s3], [sflag:s2] =	dma.local @!p0 [hbm:s0], s1  }
0x55: {  	s0 =	simm.s32 @!p0 $0x2  }
0x56: {  	_ =	swait.ge @!p0 [sflag:s0], s1  }
0x57: {  	s1 =	ssub.s32 @!p0 $0x0, s1;
	[sflag:s0] =	ssyncset.done @!p0 $0x0  }
0x58: {  	[sflag:s0] =	ssyncadd.s32 @!p0 s1  }
0x59: {  	[bflag:$0x3] =	sbarrier.arrive $0xFFFF  }
0x5a: {  	_ =	shalt  }

// kernel: kernel.8.cloned.1.call-start
scs
__scs_entry_jumppad:
0x0: {  	(pc) =	sbr.rel $0x88, $3  }
0x1: {  	(tag) =	ssettag $0x0;
	lr =	simm.s32 $0x1  }
0x2: {  	[smem:$0x3F99] =	sst lr;
	_ =	strace $0xD0000000  }
0x3: {  	_ = 	snop  }
0x4: {  	_ = 	snop  }
0x5: {  	_ = 	snop  }
0x6: {  	_ = 	snop  }
0x7: {  	_ = 	snop  }
__scs_overlays_trampoline_lowered:
0x8: {  	[smem:$0x3FA8] =	sst s0  }
0x9: {  	[smem:$0x3FA9] =	sst s1  }
0xa: {  	[smem:$0x3FAA] =	sst s2  }
0xb: {  	[smem:$0x3FAB] =	sst s3  }
0xc: {  	[smem:$0x3FAC] =	sst s4  }
0xd: {  	[smem:$0x3FAD] =	sst s5  }
0xe: {  	[smem:$0x3FAE] =	sst s6  }
0xf: {  	[smem:$0x3FAF] =	sst s7  }
0x10: {  	[smem:$0x3FB0] =	sst s8  }
0x11: {  	[smem:$0x3FB1] =	sst s9;
	s0 =	simm.s32 @!p0 $0x0  }
0x12: {  	s1 =	sld [smem:$0x3F97];
	s0 =	simm.s32 @p0 $0x1  }
0x13: {  	[smem:$0x3FB2] =	sst s0;
	s0 =	simm.s32 @!p1 $0x0  }
0x14: {  	s2 =	sld [smem:$0x3F96];
	s0 =	simm.s32 @p1 $0x1  }
0x15: {  	[smem:$0x3FB3] =	sst s0;
	s0 =	simm.s32 @!p2 $0x0  }
0x16: {  	s3 =	sld [smem:$0x3FDB];
	s0 =	simm.s32 @p2 $0x1  }
0x17: {  	s4 =	simm.s32 $0x1BF5;
	[smem:$0x3FB5] =	sst s0  }
0x18: {  	s0 =	sld [smem:$0x3F98];
	_ =	swait.ge [sflag:s4], $0x0  }
0x19: {  	s7 =	sld [smem:$0x3F99]  }
0x1a: {  	s8 =	sadd.s32 $0xFFFFE003, lr  }
0x1b: {  	s9 =	sadd.s32 $0xFFFFFEF7, lr;
	s5 =	simm.s32 $0xFFFFFFFF;
	p2 =	slt.u32 s8, $0xFFFFF086  }
0x1c: {  	p1 =	slt.u32 s9, $0xF7A;
	s5 =	simm.s32 @!p2 $0x0  }
0x1d: {  	s5 =	simm.s32 @p1 $0x1;
	p0 =	seq.s32 s7, s2  }
0x1e: {  	s7 =	smul.u32 @!p0 $0xF7A, s2;
	p2 =	seq.s32 @!p0 s5, $0x0  }
0x1f: {  	s9 =	smul.u32 $0xF7A, s1;
	s8 =	simm.s32 @!p0 $0x1BF5;
	p2 =	por !p2, p0  }
0x20: {  	[sflag:s8] =	ssyncset.s32 @!p0 $0xFFFFF086;
	s6 =	sadd.s32 @!p0 s3, s7;
	s7 =	simm.s32 @!p0 $0x108  }
0x21: {  	s3 =	sadd.s32 s3, s9;
	s6 =	sadd.s32 @!p0 $0x88, s6;
	s7 =	simm.s32 @p2 $0x1082  }
0x22: {  	[simem:s7], [sflag:s8] =	dma.local @!p0 [hbm:s6], $0xF7A  }
0x23: {  	s9 =	sor.u32 $0xD0000000, s2;
	s6 =	simm.s32 $0x108;
	_ =	swait.ge @!p0 [sflag:s8], $0x0  }
0x24: {  	s3 =	sadd.s32 $0x88, s3;
	s6 =	simm.s32 @!p1 $0x1082;
	[sflag:s4] =	ssyncset.s32 $0xFFFFF086  }
0x25: {  	[simem:s6], [sflag:s4] =	dma.local [hbm:s3], $0xF7A  }
0x26: {  	[smem:$0x3F99] =	sst s1;
	(tag) =	ssettag s2;
	_ =	strace s9  }
0x27: {  	s1 =	sld [smem:$0x3FA9]  }
0x28: {  	s2 =	sld [smem:$0x3FAA]  }
0x29: {  	s4 =	sld [smem:$0x3FAC]  }
0x2a: {  	p0 =	seq.s32 s5, $0x0;
	s5 =	sld [smem:$0x3FAD]  }
0x2b: {  	s6 =	sld [smem:$0x3FAE]  }
0x2c: {  	s7 =	sld [smem:$0x3FAF]  }
0x2d: {  	s3 =	simm.s32 $0x108;
	s8 =	sld [smem:$0x3FB0]  }
0x2e: {  	s3 =	simm.s32 @!p0 $0x1082;
	s9 =	sld [smem:$0x3FB1]  }
0x2f: {  	lr =	sadd.s32 s0, s3;
	s0 =	sld [smem:$0x3FA8]  }
0x30: {  	s3 =	sld [smem:$0x3FAB]  }
0x31: {  	[smem:$0x3FB4] =	sst s10  }
0x32: {  	s10 =	sld [smem:$0x3FB2];
	_ =	sdelay $0x3  }
0x33: {  	p0 =	seq.s32 s10, $0x1;
	s10 =	sld [smem:$0x3FB4];
	_ =	sdelay $0x3  }
0x34: {  	[smem:$0x3FB4] =	sst s10  }
0x35: {  	s10 =	sld [smem:$0x3FB3];
	_ =	sdelay $0x3  }
0x36: {  	p1 =	seq.s32 s10, $0x1;
	s10 =	sld [smem:$0x3FB4];
	_ =	sdelay $0x3  }
0x37: {  	[smem:$0x3FB4] =	sst s10  }
0x38: {  	s10 =	sld [smem:$0x3FB5]  }
0x39: {  	_ = 	snop;
	(pc) =	sbr.ind lr, $3  }
0x3a: {  	_ = 	snop  }
0x3b: {  	_ = 	snop  }
0x3c: {  	p2 =	seq.s32 s10, $0x1;
	s10 =	sld [smem:$0x3FB4]  }
0x3d: {  	_ =	shalt  }
0x3e: {  	_ =	shalt  }
0x3f: {  	_ =	shalt  }
0x40: {  	_ =	shalt  }
0x41: {  	_ =	shalt  }
0x42: {  	_ =	shalt  }
0x43: {  	_ =	shalt  }
0x44: {  	_ =	shalt  }
0x45: {  	_ =	shalt  }
0x46: {  	_ =	shalt  }
0x47: {  	_ =	shalt  }
0x48: {  	_ =	shalt  }
0x49: {  	_ =	shalt  }
0x4a: {  	_ =	shalt  }
0x4b: {  	_ =	shalt  }
0x4c: {  	_ =	shalt  }
0x4d: {  	_ =	shalt  }
0x4e: {  	_ =	shalt  }
0x4f: {  	_ =	shalt  }
0x50: {  	_ =	shalt  }
0x51: {  	_ =	shalt  }
0x52: {  	_ =	shalt  }
0x53: {  	_ =	shalt  }
0x54: {  	_ =	shalt  }
0x55: {  	_ =	shalt  }
0x56: {  	_ =	shalt  }
0x57: {  	_ =	shalt  }
0x58: {  	_ =	shalt  }
0x59: {  	_ =	shalt  }
0x5a: {  	_ =	shalt  }
0x5b: {  	_ =	shalt  }
0x5c: {  	_ =	shalt  }
0x5d: {  	_ =	shalt  }
0x5e: {  	_ =	shalt  }
0x5f: {  	_ =	shalt  }
0x60: {  	_ =	shalt  }
0x61: {  	_ =	shalt  }
0x62: {  	_ =	shalt  }
0x63: {  	_ =	shalt  }
0x64: {  	_ =	shalt  }
0x65: {  	_ =	shalt  }
0x66: {  	_ =	shalt  }
0x67: {  	_ =	shalt  }
0x68: {  	_ =	shalt  }
0x69: {  	_ =	shalt  }
0x6a: {  	_ =	shalt  }
0x6b: {  	_ =	shalt  }
0x6c: {  	_ =	shalt  }
0x6d: {  	_ =	shalt  }
0x6e: {  	_ =	shalt  }
0x6f: {  	_ =	shalt  }
0x70: {  	_ =	shalt  }
0x71: {  	_ =	shalt  }
0x72: {  	_ =	shalt  }
0x73: {  	_ =	shalt  }
0x74: {  	_ =	shalt  }
0x75: {  	_ =	shalt  }
0x76: {  	_ =	shalt  }
0x77: {  	_ =	shalt  }
0x78: {  	_ =	shalt  }
0x79: {  	_ =	shalt  }
0x7a: {  	_ =	shalt  }
0x7b: {  	_ =	shalt  }
0x7c: {  	_ =	shalt  }
0x7d: {  	_ =	shalt  }
0x7e: {  	_ =	shalt  }
0x7f: {  	_ =	shalt  }
0x80: {  	_ =	shalt  }
0x81: {  	_ =	shalt  }
0x82: {  	_ =	shalt  }
0x83: {  	_ =	shalt  }
0x84: {  	_ =	shalt  }
0x85: {  	_ =	shalt  }
0x86: {  	_ =	shalt  }
0x87: {  	_ =	shalt  }
.Lfunc_end0:
.L_simem_size_0:
called_computation_lowered:
.L_overlay_start_0:
0x88: {  	s2 =	sld [smem:$0x3FD9]  }
0x89: {  	s3 =	sld [smem:$0x3FFE];
	_ =	sdelay $0x1  }
0x8a: {  	s1 =	srdreg.scid  }
0x8b: {  	s0 =	sand.u32 $0x1, s1  }
0x8c: {  	s14 =	sshll.u32 s0, $0xA;
	s2 =	sadd.s32 s3, s2  }
0x8d: {  	s2 =	sadd.s32 s2, s14  }
0x8e: {  	[smem:$0x3FC0] =	sst s2  }
0x8f: {  	_ = 	snop  }
0x90: {  	s2 =	sld [smem:$0x3FD0];
	_ =	sdelay $0x2  }
0x91: {  	s15 =	simm.s32 $0xA;
	s4 =	simm.s32 $0x10  }
0x92: {  	[smem:s4], [sflag:s15] =	dma.local [hbm:s2], $0x1  }
0x93: {  	_ =	swait.eq [sflag:s15], $0x1  }
0x94: {  	[sflag:s15] =	ssyncset.done $0x0  }
0x95: {  	[sflag:s15] =	ssyncadd.s32 $0xFFFFFFFF  }
0x96: {  	s16 =	sld [smem:$0x10];
	(tm) =	ssettm $0x1  }
0x97: {  	s17 =	sld [smem:$0x3FFB];
	_ =	sdelay $0x3  }
0x98: {  	_ =	strace s17  }
0x99: {  	s3 =	sld [smem:$0x3FFC];
	_ =	sdelay $0x3  }
0x9a: {  	_ =	strace s3  }
0x9b: {  	s3 =	sld [smem:$0x3FFD];
	_ =	sdelay $0x3  }
0x9c: {  	_ =	strace s3  }
0x9d: {  	_ =	strace $0x8FFFFFFF  }
0x9e: {  	s18 =	sld [smem:$0x3FDB];
	_ =	sdelay $0x1  }
0x9f: {  	s19 =	simm.s32 $_scs_section_size  }
0xa0: {  	s5 =	simm.s32 $_size__tile_overlayer_lowered;
	s6 =	simm.s32 $_tile_overlayer_lowered  }
0xa1: {  	s22 =	simm.s32 $0x1BFF;
	s21 =	sshll.u32 s6, $0x1;
	s3 =	sadd.s32 s19, s18  }
0xa2: {  	s7 =	simm.s32 $0x0;
	s20 =	sshll.u32 s5, $0x1;
	s5 =	sadd.s32 s21, s3  }
0xa3: {  	[timem:s7], [sflag:s22] =	dma.local [hbm:s5], s20  }
0xa4: {  	_ =	swait.ge [sflag:s22], s20  }
0xa5: {  	s4 =	ssub.s32 $0x0, s20;
	[sflag:s22] =	ssyncset.done $0x0  }
0xa6: {  	[sflag:s22] =	ssyncadd.s32 s4;
	_ =	sdelay $0x1  }
0xa7: {  	s23 =	simm.s32 $0x1B8B  }
0xa8: {  	_ =	swait.ge [sflag:s23], $0x1  }
0xa9: {  	[sflag:s23] =	ssyncset.done $0x0  }
0xaa: {  	s25 =	simm.s32 $0x1B8E;
	s24 =	sld [smem:$0x3FFE];
	[sflag:s23] =	ssyncadd.s32 $0xFFFFFFFF  }
0xab: {  	s26 =	simm.s32 $execute0_lowered;
	[smem:$0x3FD2] =	sst s25  }
0xac: {  	s5 =	sshll.u32 s26, $0x1;
	_ =	strace $0x80000046;
	[dreg:$0x1] =	wrdreg $0xFFFFFFFF  }
0xad: {  	s28 =	simm.s32 $_size_execute0_lowered;
	s3 =	sadd.s32 s3, s5;
	[dreg:$0x0] =	wrdreg $0x0  }
0xae: {  	s5 =	sshll.u32 s28, $0x1;
	[dreg:$0x2] =	wrdreg s3  }
0xaf: {  	[dreg:$0x3] =	wrdreg s5  }
0xb0: {  	[dreg:$0x4] =	wrdreg $0xC0  }
0xb1: {  	_ =	task [dreg:s7], $0x5FFFF  }
0xb2: {  	[dreg:$0x1] =	wrdreg $0xFFFFFFFF  }
0xb3: {  	[dreg:$0x0] =	wrdreg $0x60  }
0xb4: {  	[dreg:$0x2] =	wrdreg s16  }
0xb5: {  	[dreg:$0x3] =	wrdreg s24  }
0xb6: {  	[dreg:$0x4] =	wrdreg $0x192000  }
0xb7: {  	[dreg:$0x5] =	wrdreg $0x9  }
0xb8: {  	_ =	task.clear_ibuf [dreg:s7], $0x6FFFF;
	_ =	strace $0x90000046  }
0xb9: {  	s29 =	simm.s32 $0x9;
	_ =	strace $0x80000048  }
0xba: {  	_ =	swait.ge [sflag:s29], $0x1  }
0xbb: {  	[sflag:s29] =	ssyncadd.s32 $0xFFFFFFFF  }
0xbc: {  	_ =	strace $0x90000048  }
0xbd: {  	_ =	sfence  }
0xbe: {  	s30 =	sld [smem:$0x0];
	_ =	sdelay $0x2  }
0xbf: {  	s31 =	sshll.u32 s1, $0xD;
	s1 =	sshrl.u32 s1, $0x2  }
0xc0: {  	s3 =	sand.u32 $0x4000, s31;
	s1 =	sadd.s32 s1, s30  }
0xc1: {  	s0 =	sor.u32 s3, s0;
	s1 =	sshll.u32 s1, $0x11  }
0xc2: {  	s0 =	sor.u32 s1, s0  }
0xc3: {  	s0 =	sadd.s32 $0x8F2B, s0  }
0xc4: {  	[sflag:s0] =	ssyncadd.remote.s32 $0x1  }
0xc5: {  	_ =	sfence.sel $0xFFFF  }
0xc6: {  	[dreg:$0x0] =	wrdreg $0xFFFFFFFF;
	(pc) =	sbr.abs _section_cstart, $3  }
0xc7: {  	[dreg:$0x1] =	wrdreg $0xFFFFFFFF  }
0xc8: {  	_ =	task.clear_ibuf [dreg:s7], $0x2FFFF;
	_ =	strace $0x9FFFFFFF  }
0xc9: {  	(tm) =	ssettm $0x7FFFFFFF  }
tec
execute0_lowered:
.L_overlay_start_1:
0x0: {  	(tag) =	ssettag $0x1  }
0x1: {  	s0 =	srdreg.scid;
	s1 =	rddreg [dreg:$0x0]  }
0x2: {  	s2 =	rddreg [dreg:$0x1];
	s19 =	stileid.u32  }
0x3: {  	s4 =	rddreg [dreg:$0x2];
	s7 =	simm.s32 $0x0;
	s23 =	simm.s32 $0x1  }
0x4: {  	s28 =	simm.s32 $0x4F80;
	s29 =	simm.s32 $0x5200;
	s30 =	simm.s32 $0x0  }
0x5: {  	s0 =	sand.u32 $0x1, s0;
	s5 =	sshrl.u32 s19, $0x3;
	s8 =	smul.u32 $0x5000, s19  }
0x6: {  	[smem:$0x7FF] =	sst s7;
	s25 =	sshll.u32 s19, $0x7;
	s31 =	smul.u32 $0x2800, s19  }
0x7: {  	s3 =	sshll.u32 s0, $0x4;
	s6 =	ssub.s32 $0x2, s0;
	s5 =	smul.u32 $0x50000, s5  }
0x8: {  	_ =	strace $0x80000047;
	p0 =	seq.s32 s0, $0x1;
	s0 =	simm.s32 $0x2B800  }
0x9: {  	s3 =	sor.u32 s19, s3;
	s24 =	sshrl.u32 s6, $0x1;
	s26 =	sshrl.u32 s8, $0x2  }
0xa: {  	s0 =	simm.s32 @!p0 $0x3800;
	s3 =	smul.u32 $0x4F0, s3;
	s21 =	ssub.s32 s6, s24  }
0xb: {  	s5 =	sshrl.u32 s5, $0x2;
	s0 =	sadd.s32 s0, s2;
	s24 =	simm.s32 $0x2780  }
0xc: {  	s5 =	sadd.s32 s5, s4;
	s4 =	sadd.s32 s26, s4;
	s21 =	smax.u32 s21, $0x1  }
0xd: {  	s22 =	sadd.s32 s0, s31;
	s26 =	simm.s32 $0x400;
	s3 =	sadd.s32 s1, s3  }
0xe: {  	s1 =	sand.u32 $0x380, s25;
	s6 =	sadd.s32 $0x80, s4;
	s7 =	sadd.s32 $0x100, s4  }
0xf: {  	s8 =	sadd.s32 $0x180, s4;
	s9 =	sadd.s32 $0x200, s4;
	s10 =	sadd.s32 $0x280, s4  }
0x10: {  	s11 =	sadd.s32 $0x300, s4;
	s12 =	sadd.s32 $0x380, s4;
	s13 =	sadd.s32 $0x14000, s4  }
0x11: {  	s14 =	sadd.s32 $0x14080, s4;
	s15 =	sadd.s32 $0x14100, s4;
	s16 =	sadd.s32 $0x14180, s4  }
0x12: {  	s17 =	sadd.s32 $0x14200, s4;
	s18 =	sadd.s32 $0x14280, s4;
	s19 =	sadd.s32 $0x14300, s4  }
0x13: {  	v0 =	vimm.f32 $0.0e+00;
	v1 =	vimm.f32 $1.000000000e+00;
	s20 =	sadd.s32 $0x14380, s4;
	s25 =	simm.s32 $0x80;
	s5 =	sadd.s32 s1, s5  }
.LBB2_1:
0x14: {  	s0 =	simm.s32 $0x40;
	s1 =	simm.s32 $0x0  }
.LBB2_2:
0x15: {  	p0 =	sne.s32 s0, $0x9FC0;
	[tilespmem:s1+$0x2780] =	vst v0;
	s1 =	smov.u32 s0;
	s0 =	sadd.s32 $0x40, s0  }
.Ltmp0:
0x16: {  	(pc) =	sbr.rel @p0 .LBB2_2-.Ltmp0, $2  }
0x17: {  	_ =	sdelay $0x2  }
0x18: {  	s1 =	sshra.s32 s1, $0x2  }
0x19: {  	[tilespmem:s1+$0x2780] =	vst v0;
	s0 =	simm.s32 $0x0  }
0x1a: {  	[tilespmem:s0], [sflag:$0x1] =	stream.linear.gather [hbm4b:s3+s0], $0x2780, $0x38;
	[tilespmem:$0x1BA00] =	vst v63  }
0x1b: {  	_ =	swait.ge [sflag:s23], $0x2780  }
0x1c: {  	[sflag:s23] =	ssyncset.done $0x0  }
0x1d: {  	s1 =	simm.s32 $0x0;
	s0 =	simm.s32 $0x40;
	[sflag:s23] =	ssyncadd.s32 $0xFFFFD880  }
.LBB2_4:
0x1e: {  	p0 =	sne.s32 s0, $0x9DC0;
	v2 =	vld [tilespmem:s1+$0x0];
	_ =	sdelay $0x3  }
.Ltmp1:
0x1f: {  	(pc) =	sbr.rel @p0 .LBB2_4-.Ltmp1, $2  }
0x20: {  	_ =	sdelay $0x2  }
0x21: {  	s1 =	sshra.s32 s0, $0x2;
	s0 =	sadd.s32 $0x40, s0;
	[tilespmem:v2+s24+$0x0] =	vst.idx.add.f32.msk $0xffff, v1  }
0x22: {  	v2 =	vld [tilespmem:s1+$0x0];
	_ =	sdelay $0x7  }
0x23: {  	[tilespmem:v2+s24+$0x0] =	vst.idx.add.f32.msk $0xffff, v1  }
0x24: {  	[spmem:s5] =	stream.strided.scatter [tilespmem:s24], [sflag:$0x1], $0x2800, s26, s25, $0x38;
	[tilespmem:$0x1BA00] =	vst v63  }
0x25: {  	_ =	swait.ge [sflag:s23], $0x2800  }
0x26: {  	[sflag:s23] =	ssyncset.done $0x0  }
0x27: {  	[sflag:s23] =	ssyncadd.s32 $0xFFFFD800  }
0x28: {  	[bflag:$0x0] =	sbarrier.arrive $0xFFFF  }
0x29: {  	[tilespmem:s28], [sflag:$0x1] =	stream.strided.gather [spmem:s4], $0x280, s26, s25, $0x38;
	[tilespmem:$0x1BA00] =	vst v63  }
0x2a: {  	_ =	swait.ge [sflag:s23], $0x280  }
0x2b: {  	[sflag:s23] =	ssyncset.done $0x0  }
0x2c: {  	[sflag:s23] =	ssyncadd.s32 $0xFFFFFD80  }
0x2d: {  	[tilespmem:s24], [sflag:$0x1] =	stream.strided.gather [spmem:s6], $0x280, s26, s25, $0x38;
	[tilespmem:$0x1BA00] =	vst v63  }
0x2e: {  	_ =	swait.ge [sflag:s23], $0x280  }
0x2f: {  	[sflag:s23] =	ssyncset.done $0x0  }
0x30: {  	s0 =	simm.s32 $0x0;
	[sflag:s23] =	ssyncadd.s32 $0xFFFFFD80  }
0x31: {  	s1 =	simm.s32 $0x40;
	v2 =	vld [tilespmem:s0+$0x2780]  }
.LBB2_6:
0x32: {  	p0 =	sne.s32 s1, $0x9C0;
	v3 =	vld [tilespmem:s0+$0x4F80];
	_ =	sdelay $0x2  }
.Ltmp2:
0x33: {  	(pc) =	sbr.rel @p0 .LBB2_6-.Ltmp2, $4  }
0x34: {  	_ = 	snop  }
0x35: {  	v3 =	vadd.f32 v2, v3  }
0x36: {  	s2 =	sshra.s32 s1, $0x2  }
0x37: {  	s1 =	sadd.s32 $0x40, s1;
	v2 =	vld [tilespmem:s2+$0x2780];
	[tilespmem:s0+$0x4F80] =	vst v3;
	s0 =	smov.u32 s2  }
0x38: {  	v3 =	vld [tilespmem:s0+$0x4F80];
	_ =	sdelay $0x4  }
0x39: {  	v2 =	vadd.f32 v2, v3;
	_ =	sdelay $0x1  }
0x3a: {  	[tilespmem:s0+$0x4F80] =	vst v2  }
0x3b: {  	[tilespmem:s24], [sflag:$0x1] =	stream.strided.gather [spmem:s7], $0x280, s26, s25, $0x38;
	[tilespmem:$0x1BA00] =	vst v63  }
0x3c: {  	_ =	swait.ge [sflag:s23], $0x280  }
0x3d: {  	[sflag:s23] =	ssyncset.done $0x0  }
0x3e: {  	s0 =	simm.s32 $0x0;
	[sflag:s23] =	ssyncadd.s32 $0xFFFFFD80  }
0x3f: {  	s1 =	simm.s32 $0x40;
	v2 =	vld [tilespmem:s0+$0x2780]  }
.LBB2_8:
0x40: {  	p0 =	sne.s32 s1, $0x9C0;
	v3 =	vld [tilespmem:s0+$0x4F80];
	_ =	sdelay $0x2  }
.Ltmp3:
0x41: {  	(pc) =	sbr.rel @p0 .LBB2_8-.Ltmp3, $4  }
0x42: {  	_ = 	snop  }
0x43: {  	v3 =	vadd.f32 v2, v3  }
0x44: {  	s2 =	sshra.s32 s1, $0x2  }
0x45: {  	s1 =	sadd.s32 $0x40, s1;
	v2 =	vld [tilespmem:s2+$0x2780];
	[tilespmem:s0+$0x4F80] =	vst v3;
	s0 =	smov.u32 s2  }
0x46: {  	v3 =	vld [tilespmem:s0+$0x4F80];
	_ =	sdelay $0x4  }
0x47: {  	v2 =	vadd.f32 v2, v3;
	_ =	sdelay $0x1  }
0x48: {  	[tilespmem:s0+$0x4F80] =	vst v2  }
0x49: {  	[tilespmem:s24], [sflag:$0x1] =	stream.strided.gather [spmem:s8], $0x280, s26, s25, $0x38;
	[tilespmem:$0x1BA00] =	vst v63  }
0x4a: {  	_ =	swait.ge [sflag:s23], $0x280  }
0x4b: {  	[sflag:s23] =	ssyncset.done $0x0  }
0x4c: {  	s0 =	simm.s32 $0x0;
	[sflag:s23] =	ssyncadd.s32 $0xFFFFFD80  }
0x4d: {  	s1 =	simm.s32 $0x40;
	v2 =	vld [tilespmem:s0+$0x2780]  }
.LBB2_10:
0x4e: {  	p0 =	sne.s32 s1, $0x9C0;
	v3 =	vld [tilespmem:s0+$0x4F80];
	_ =	sdelay $0x2  }
.Ltmp4:
0x4f: {  	(pc) =	sbr.rel @p0 .LBB2_10-.Ltmp4, $4  }
0x50: {  	_ = 	snop  }
0x51: {  	v3 =	vadd.f32 v2, v3  }
0x52: {  	s2 =	sshra.s32 s1, $0x2  }
0x53: {  	s1 =	sadd.s32 $0x40, s1;
	v2 =	vld [tilespmem:s2+$0x2780];
	[tilespmem:s0+$0x4F80] =	vst v3;
	s0 =	smov.u32 s2  }
0x54: {  	v3 =	vld [tilespmem:s0+$0x4F80];
	_ =	sdelay $0x4  }
0x55: {  	v2 =	vadd.f32 v2, v3;
	_ =	sdelay $0x1  }
0x56: {  	[tilespmem:s0+$0x4F80] =	vst v2  }
0x57: {  	[tilespmem:s24], [sflag:$0x1] =	stream.strided.gather [spmem:s9], $0x280, s26, s25, $0x38;
	[tilespmem:$0x1BA00] =	vst v63  }
0x58: {  	_ =	swait.ge [sflag:s23], $0x280  }
0x59: {  	[sflag:s23] =	ssyncset.done $0x0  }
0x5a: {  	s0 =	simm.s32 $0x0;
	[sflag:s23] =	ssyncadd.s32 $0xFFFFFD80  }
0x5b: {  	s1 =	simm.s32 $0x40;
	v2 =	vld [tilespmem:s0+$0x2780]  }
.LBB2_12:
0x5c: {  	p0 =	sne.s32 s1, $0x9C0;
	v3 =	vld [tilespmem:s0+$0x4F80];
	_ =	sdelay $0x2  }
.Ltmp5:
0x5d: {  	(pc) =	sbr.rel @p0 .LBB2_12-.Ltmp5, $4  }
0x5e: {  	_ = 	snop  }
0x5f: {  	v3 =	vadd.f32 v2, v3  }
0x60: {  	s2 =	sshra.s32 s1, $0x2  }
0x61: {  	s1 =	sadd.s32 $0x40, s1;
	v2 =	vld [tilespmem:s2+$0x2780];
	[tilespmem:s0+$0x4F80] =	vst v3;
	s0 =	smov.u32 s2  }
0x62: {  	v3 =	vld [tilespmem:s0+$0x4F80];
	_ =	sdelay $0x4  }
0x63: {  	v2 =	vadd.f32 v2, v3;
	_ =	sdelay $0x1  }
0x64: {  	[tilespmem:s0+$0x4F80] =	vst v2  }
0x65: {  	[tilespmem:s24], [sflag:$0x1] =	stream.strided.gather [spmem:s10], $0x280, s26, s25, $0x38;
	[tilespmem:$0x1BA00] =	vst v63  }
0x66: {  	_ =	swait.ge [sflag:s23], $0x280  }
0x67: {  	[sflag:s23] =	ssyncset.done $0x0  }
0x68: {  	s0 =	simm.s32 $0x0;
	[sflag:s23] =	ssyncadd.s32 $0xFFFFFD80  }
0x69: {  	s1 =	simm.s32 $0x40;
	v2 =	vld [tilespmem:s0+$0x2780]  }
.LBB2_14:
0x6a: {  	p0 =	sne.s32 s1, $0x9C0;
	v3 =	vld [tilespmem:s0+$0x4F80];
	_ =	sdelay $0x2  }
.Ltmp6:
0x6b: {  	(pc) =	sbr.rel @p0 .LBB2_14-.Ltmp6, $4  }
0x6c: {  	_ = 	snop  }
0x6d: {  	v3 =	vadd.f32 v2, v3  }
0x6e: {  	s2 =	sshra.s32 s1, $0x2  }
0x6f: {  	s1 =	sadd.s32 $0x40, s1;
	v2 =	vld [tilespmem:s2+$0x2780];
	[tilespmem:s0+$0x4F80] =	vst v3;
	s0 =	smov.u32 s2  }
0x70: {  	v3 =	vld [tilespmem:s0+$0x4F80];
	_ =	sdelay $0x4  }
0x71: {  	v2 =	vadd.f32 v2, v3;
	_ =	sdelay $0x1  }
0x72: {  	[tilespmem:s0+$0x4F80] =	vst v2  }
0x73: {  	[tilespmem:s24], [sflag:$0x1] =	stream.strided.gather [spmem:s11], $0x280, s26, s25, $0x38;
	[tilespmem:$0x1BA00] =	vst v63  }
0x74: {  	_ =	swait.ge [sflag:s23], $0x280  }
0x75: {  	[sflag:s23] =	ssyncset.done $0x0  }
0x76: {  	s0 =	simm.s32 $0x0;
	[sflag:s23] =	ssyncadd.s32 $0xFFFFFD80  }
0x77: {  	s1 =	simm.s32 $0x40;
	v2 =	vld [tilespmem:s0+$0x2780]  }
.LBB2_16:
0x78: {  	p0 =	sne.s32 s1, $0x9C0;
	v3 =	vld [tilespmem:s0+$0x4F80];
	_ =	sdelay $0x2  }
.Ltmp7:
0x79: {  	(pc) =	sbr.rel @p0 .LBB2_16-.Ltmp7, $4  }
0x7a: {  	_ = 	snop  }
0x7b: {  	v3 =	vadd.f32 v2, v3  }
0x7c: {  	s2 =	sshra.s32 s1, $0x2  }
0x7d: {  	s1 =	sadd.s32 $0x40, s1;
	v2 =	vld [tilespmem:s2+$0x2780];
	[tilespmem:s0+$0x4F80] =	vst v3;
	s0 =	smov.u32 s2  }
0x7e: {  	v3 =	vld [tilespmem:s0+$0x4F80];
	_ =	sdelay $0x4  }
0x7f: {  	v2 =	vadd.f32 v2, v3;
	_ =	sdelay $0x1  }
0x80: {  	[tilespmem:s0+$0x4F80] =	vst v2  }
0x81: {  	[tilespmem:s24], [sflag:$0x1] =	stream.strided.gather [spmem:s12], $0x280, s26, s25, $0x38;
	[tilespmem:$0x1BA00] =	vst v63  }
0x82: {  	_ =	swait.ge [sflag:s23], $0x280  }
0x83: {  	[sflag:s23] =	ssyncset.done $0x0  }
0x84: {  	s0 =	simm.s32 $0x0;
	[sflag:s23] =	ssyncadd.s32 $0xFFFFFD80  }
0x85: {  	s1 =	simm.s32 $0x40;
	v2 =	vld [tilespmem:s0+$0x2780]  }
.LBB2_18:
0x86: {  	p0 =	sne.s32 s1, $0x9C0;
	v3 =	vld [tilespmem:s0+$0x4F80];
	_ =	sdelay $0x2  }
.Ltmp8:
0x87: {  	(pc) =	sbr.rel @p0 .LBB2_18-.Ltmp8, $4  }
0x88: {  	_ = 	snop  }
0x89: {  	v3 =	vadd.f32 v2, v3  }
0x8a: {  	s2 =	sshra.s32 s1, $0x2  }
0x8b: {  	s1 =	sadd.s32 $0x40, s1;
	v2 =	vld [tilespmem:s2+$0x2780];
	[tilespmem:s0+$0x4F80] =	vst v3;
	s0 =	smov.u32 s2  }
0x8c: {  	v3 =	vld [tilespmem:s0+$0x4F80];
	_ =	sdelay $0x4  }
0x8d: {  	v2 =	vadd.f32 v2, v3;
	_ =	sdelay $0x1  }
0x8e: {  	[tilespmem:s0+$0x4F80] =	vst v2  }
0x8f: {  	[tilespmem:s24], [sflag:$0x1] =	stream.strided.gather [spmem:s13], $0x280, s26, s25, $0x38;
	[tilespmem:$0x1BA00] =	vst v63  }
0x90: {  	_ =	swait.ge [sflag:s23], $0x280  }
0x91: {  	[sflag:s23] =	ssyncset.done $0x0  }
0x92: {  	s0 =	simm.s32 $0x0;
	[sflag:s23] =	ssyncadd.s32 $0xFFFFFD80  }
0x93: {  	s1 =	simm.s32 $0x40;
	v2 =	vld [tilespmem:s0+$0x2780]  }
.LBB2_20:
0x94: {  	p0 =	sne.s32 s1, $0x9C0;
	v3 =	vld [tilespmem:s0+$0x4F80];
	_ =	sdelay $0x2  }
.Ltmp9:
0x95: {  	(pc) =	sbr.rel @p0 .LBB2_20-.Ltmp9, $4  }
0x96: {  	_ = 	snop  }
0x97: {  	v3 =	vadd.f32 v2, v3  }
0x98: {  	s2 =	sshra.s32 s1, $0x2  }
0x99: {  	s1 =	sadd.s32 $0x40, s1;
	v2 =	vld [tilespmem:s2+$0x2780];
	[tilespmem:s0+$0x4F80] =	vst v3;
	s0 =	smov.u32 s2  }
0x9a: {  	v3 =	vld [tilespmem:s0+$0x4F80];
	_ =	sdelay $0x4  }
0x9b: {  	v2 =	vadd.f32 v2, v3;
	_ =	sdelay $0x1  }
0x9c: {  	[tilespmem:s0+$0x4F80] =	vst v2  }
0x9d: {  	[tilespmem:s24], [sflag:$0x1] =	stream.strided.gather [spmem:s14], $0x280, s26, s25, $0x38;
	[tilespmem:$0x1BA00] =	vst v63  }
0x9e: {  	_ =	swait.ge [sflag:s23], $0x280  }
0x9f: {  	[sflag:s23] =	ssyncset.done $0x0  }
0xa0: {  	s0 =	simm.s32 $0x0;
	[sflag:s23] =	ssyncadd.s32 $0xFFFFFD80  }
0xa1: {  	s1 =	simm.s32 $0x40;
	v2 =	vld [tilespmem:s0+$0x2780]  }
.LBB2_22:
0xa2: {  	p0 =	sne.s32 s1, $0x9C0;
	v3 =	vld [tilespmem:s0+$0x4F80];
	_ =	sdelay $0x2  }
.Ltmp10:
0xa3: {  	(pc) =	sbr.rel @p0 .LBB2_22-.Ltmp10, $4  }
0xa4: {  	_ = 	snop  }
0xa5: {  	v3 =	vadd.f32 v2, v3  }
0xa6: {  	s2 =	sshra.s32 s1, $0x2  }
0xa7: {  	s1 =	sadd.s32 $0x40, s1;
	v2 =	vld [tilespmem:s2+$0x2780];
	[tilespmem:s0+$0x4F80] =	vst v3;
	s0 =	smov.u32 s2  }
0xa8: {  	v3 =	vld [tilespmem:s0+$0x4F80];
	_ =	sdelay $0x4  }
0xa9: {  	v2 =	vadd.f32 v2, v3;
	_ =	sdelay $0x1  }
0xaa: {  	[tilespmem:s0+$0x4F80] =	vst v2  }
0xab: {  	[tilespmem:s24], [sflag:$0x1] =	stream.strided.gather [spmem:s15], $0x280, s26, s25, $0x38;
	[tilespmem:$0x1BA00] =	vst v63  }
0xac: {  	_ =	swait.ge [sflag:s23], $0x280  }
0xad: {  	[sflag:s23] =	ssyncset.done $0x0  }
0xae: {  	s0 =	simm.s32 $0x0;
	[sflag:s23] =	ssyncadd.s32 $0xFFFFFD80  }
0xaf: {  	s1 =	simm.s32 $0x40;
	v2 =	vld [tilespmem:s0+$0x2780]  }
.LBB2_24:
0xb0: {  	p0 =	sne.s32 s1, $0x9C0;
	v3 =	vld [tilespmem:s0+$0x4F80];
	_ =	sdelay $0x2  }
.Ltmp11:
0xb1: {  	(pc) =	sbr.rel @p0 .LBB2_24-.Ltmp11, $4  }
0xb2: {  	_ = 	snop  }
0xb3: {  	v3 =	vadd.f32 v2, v3  }
0xb4: {  	s2 =	sshra.s32 s1, $0x2  }
0xb5: {  	s1 =	sadd.s32 $0x40, s1;
	v2 =	vld [tilespmem:s2+$0x2780];
	[tilespmem:s0+$0x4F80] =	vst v3;
	s0 =	smov.u32 s2  }
0xb6: {  	v3 =	vld [tilespmem:s0+$0x4F80];
	_ =	sdelay $0x4  }
0xb7: {  	v2 =	vadd.f32 v2, v3;
	_ =	sdelay $0x1  }
0xb8: {  	[tilespmem:s0+$0x4F80] =	vst v2  }
0xb9: {  	[tilespmem:s24], [sflag:$0x1] =	stream.strided.gather [spmem:s16], $0x280, s26, s25, $0x38;
	[tilespmem:$0x1BA00] =	vst v63  }
0xba: {  	_ =	swait.ge [sflag:s23], $0x280  }
0xbb: {  	[sflag:s23] =	ssyncset.done $0x0  }
0xbc: {  	s0 =	simm.s32 $0x0;
	[sflag:s23] =	ssyncadd.s32 $0xFFFFFD80  }
0xbd: {  	s1 =	simm.s32 $0x40;
	v2 =	vld [tilespmem:s0+$0x2780]  }
.LBB2_26:
0xbe: {  	p0 =	sne.s32 s1, $0x9C0;
	v3 =	vld [tilespmem:s0+$0x4F80];
	_ =	sdelay $0x2  }
.Ltmp12:
0xbf: {  	(pc) =	sbr.rel @p0 .LBB2_26-.Ltmp12, $4  }
0xc0: {  	_ = 	snop  }
0xc1: {  	v3 =	vadd.f32 v2, v3  }
0xc2: {  	s2 =	sshra.s32 s1, $0x2  }
0xc3: {  	s1 =	sadd.s32 $0x40, s1;
	v2 =	vld [tilespmem:s2+$0x2780];
	[tilespmem:s0+$0x4F80] =	vst v3;
	s0 =	smov.u32 s2  }
0xc4: {  	v3 =	vld [tilespmem:s0+$0x4F80];
	_ =	sdelay $0x4  }
0xc5: {  	v2 =	vadd.f32 v2, v3;
	_ =	sdelay $0x1  }
0xc6: {  	[tilespmem:s0+$0x4F80] =	vst v2  }
0xc7: {  	[tilespmem:s24], [sflag:$0x1] =	stream.strided.gather [spmem:s17], $0x280, s26, s25, $0x38;
	[tilespmem:$0x1BA00] =	vst v63  }
0xc8: {  	_ =	swait.ge [sflag:s23], $0x280  }
0xc9: {  	[sflag:s23] =	ssyncset.done $0x0  }
0xca: {  	s0 =	simm.s32 $0x0;
	[sflag:s23] =	ssyncadd.s32 $0xFFFFFD80  }
0xcb: {  	s1 =	simm.s32 $0x40;
	v2 =	vld [tilespmem:s0+$0x2780]  }
.LBB2_28:
0xcc: {  	p0 =	sne.s32 s1, $0x9C0;
	v3 =	vld [tilespmem:s0+$0x4F80];
	_ =	sdelay $0x2  }
.Ltmp13:
0xcd: {  	(pc) =	sbr.rel @p0 .LBB2_28-.Ltmp13, $4  }
0xce: {  	_ = 	snop  }
0xcf: {  	v3 =	vadd.f32 v2, v3  }
0xd0: {  	s2 =	sshra.s32 s1, $0x2  }
0xd1: {  	s1 =	sadd.s32 $0x40, s1;
	v2 =	vld [tilespmem:s2+$0x2780];
	[tilespmem:s0+$0x4F80] =	vst v3;
	s0 =	smov.u32 s2  }
0xd2: {  	v3 =	vld [tilespmem:s0+$0x4F80];
	_ =	sdelay $0x4  }
0xd3: {  	v2 =	vadd.f32 v2, v3;
	_ =	sdelay $0x1  }
0xd4: {  	[tilespmem:s0+$0x4F80] =	vst v2  }
0xd5: {  	[tilespmem:s24], [sflag:$0x1] =	stream.strided.gather [spmem:s18], $0x280, s26, s25, $0x38;
	[tilespmem:$0x1BA00] =	vst v63  }
0xd6: {  	_ =	swait.ge [sflag:s23], $0x280  }
0xd7: {  	[sflag:s23] =	ssyncset.done $0x0  }
0xd8: {  	s0 =	simm.s32 $0x0;
	[sflag:s23] =	ssyncadd.s32 $0xFFFFFD80  }
0xd9: {  	s1 =	simm.s32 $0x40;
	v2 =	vld [tilespmem:s0+$0x2780]  }
.LBB2_30:
0xda: {  	p0 =	sne.s32 s1, $0x9C0;
	v3 =	vld [tilespmem:s0+$0x4F80];
	_ =	sdelay $0x2  }
.Ltmp14:
0xdb: {  	(pc) =	sbr.rel @p0 .LBB2_30-.Ltmp14, $4  }
0xdc: {  	_ = 	snop  }
0xdd: {  	v3 =	vadd.f32 v2, v3  }
0xde: {  	s2 =	sshra.s32 s1, $0x2  }
0xdf: {  	s1 =	sadd.s32 $0x40, s1;
	v2 =	vld [tilespmem:s2+$0x2780];
	[tilespmem:s0+$0x4F80] =	vst v3;
	s0 =	smov.u32 s2  }
0xe0: {  	v3 =	vld [tilespmem:s0+$0x4F80];
	_ =	sdelay $0x4  }
0xe1: {  	v2 =	vadd.f32 v2, v3;
	_ =	sdelay $0x1  }
0xe2: {  	[tilespmem:s0+$0x4F80] =	vst v2  }
0xe3: {  	[tilespmem:s24], [sflag:$0x1] =	stream.strided.gather [spmem:s19], $0x280, s26, s25, $0x38;
	[tilespmem:$0x1BA00] =	vst v63  }
0xe4: {  	_ =	swait.ge [sflag:s23], $0x280  }
0xe5: {  	[sflag:s23] =	ssyncset.done $0x0  }
0xe6: {  	s0 =	simm.s32 $0x0;
	[sflag:s23] =	ssyncadd.s32 $0xFFFFFD80  }
0xe7: {  	s1 =	simm.s32 $0x40;
	v2 =	vld [tilespmem:s0+$0x2780]  }
.LBB2_32:
0xe8: {  	p0 =	sne.s32 s1, $0x9C0;
	v3 =	vld [tilespmem:s0+$0x4F80];
	_ =	sdelay $0x2  }
.Ltmp15:
0xe9: {  	(pc) =	sbr.rel @p0 .LBB2_32-.Ltmp15, $4  }
0xea: {  	_ = 	snop  }
0xeb: {  	v3 =	vadd.f32 v2, v3  }
0xec: {  	s2 =	sshra.s32 s1, $0x2  }
0xed: {  	s1 =	sadd.s32 $0x40, s1;
	v2 =	vld [tilespmem:s2+$0x2780];
	[tilespmem:s0+$0x4F80] =	vst v3;
	s0 =	smov.u32 s2  }
0xee: {  	v3 =	vld [tilespmem:s0+$0x4F80];
	_ =	sdelay $0x4  }
0xef: {  	v2 =	vadd.f32 v2, v3;
	_ =	sdelay $0x1  }
0xf0: {  	[tilespmem:s0+$0x4F80] =	vst v2  }
0xf1: {  	[tilespmem:s24], [sflag:$0x1] =	stream.strided.gather [spmem:s20], $0x280, s26, s25, $0x38;
	[tilespmem:$0x1BA00] =	vst v63  }
0xf2: {  	_ =	swait.ge [sflag:s23], $0x280  }
0xf3: {  	[sflag:s23] =	ssyncset.done $0x0  }
0xf4: {  	s0 =	simm.s32 $0x0;
	[sflag:s23] =	ssyncadd.s32 $0xFFFFFD80  }
0xf5: {  	s1 =	simm.s32 $0x40;
	v2 =	vld [tilespmem:s0+$0x2780]  }
.LBB2_34:
0xf6: {  	p0 =	sne.s32 s1, $0x9C0;
	v3 =	vld [tilespmem:s0+$0x4F80];
	_ =	sdelay $0x2  }
.Ltmp16:
0xf7: {  	(pc) =	sbr.rel @p0 .LBB2_34-.Ltmp16, $4  }
0xf8: {  	_ = 	snop  }
0xf9: {  	v3 =	vadd.f32 v2, v3  }
0xfa: {  	s2 =	sshra.s32 s1, $0x2  }
0xfb: {  	s1 =	sadd.s32 $0x40, s1;
	v2 =	vld [tilespmem:s2+$0x2780];
	[tilespmem:s0+$0x4F80] =	vst v3;
	s0 =	smov.u32 s2  }
0xfc: {  	s1 =	simm.s32 $0x0  }
0xfd: {  	v3 =	vld [tilespmem:s0+$0x4F80];
	v4 =	vmov s1  }
0xfe: {  	v4 =	vand.u32 $0xFFFFFFF0, v4  }
0xff: {  	v4 =	vbroadcast v4, $0x0;
	_ =	sdelay $0x2  }
0x100: {  	s2 =	simm.s32 $0x1;
	v2 =	vadd.f32 v2, v3  }
0x101: {  	v3 =	vmov s2  }
0x102: {  	[tilespmem:s0+$0x4F80] =	vst v2;
	v2 =	vand.u32 $0xFFFFFFF1, v3  }
0x103: {  	v2 =	vbroadcast v2, $0x0;
	v3 =	vld.idx.msk [tilespmem:v4+s28+$0x0], $0xffff;
	_ =	sdelay $0x2  }
0x104: {  	s1 =	simm.s32 $0x2  }
0x105: {  	s31 =	simm.s32 $0x5600;
	v4 =	vmov s1  }
0x106: {  	[tilespmem:s31+$0xFFFFFC00] =	vst v3;
	v3 =	vand.u32 $0xFFFFFFF2, v4  }
0x107: {  	v2 =	vld.idx.msk [tilespmem:v2+s28+$0x0], $0xffff;
	v3 =	vbroadcast v3, $0x0;
	_ =	sdelay $0x2  }
0x108: {  	s2 =	simm.s32 $0x3  }
0x109: {  	v4 =	vmov s2  }
0x10a: {  	[tilespmem:s31+$0xFFFFFC80] =	vst v2;
	v2 =	vand.u32 $0xFFFFFFF3, v4  }
0x10b: {  	v3 =	vld.idx.msk [tilespmem:v3+s28+$0x0], $0xffff;
	v2 =	vbroadcast v2, $0x0;
	_ =	sdelay $0x2  }
0x10c: {  	s1 =	simm.s32 $0x4  }
0x10d: {  	v4 =	vmov s1  }
0x10e: {  	[tilespmem:s31+$0xFFFFFD00] =	vst v3;
	v3 =	vand.u32 $0xFFFFFFF4, v4  }
0x10f: {  	v2 =	vld.idx.msk [tilespmem:v2+s28+$0x0], $0xffff;
	v3 =	vbroadcast v3, $0x0;
	_ =	sdelay $0x2  }
0x110: {  	s2 =	simm.s32 $0x5  }
0x111: {  	v4 =	vmov s2  }
0x112: {  	[tilespmem:s31+$0xFFFFFD80] =	vst v2;
	v2 =	vand.u32 $0xFFFFFFF5, v4  }
0x113: {  	v3 =	vld.idx.msk [tilespmem:v3+s28+$0x0], $0xffff;
	v2 =	vbroadcast v2, $0x0;
	_ =	sdelay $0x2  }
0x114: {  	s1 =	simm.s32 $0x6  }
0x115: {  	v4 =	vmov s1  }
0x116: {  	[tilespmem:s31+$0xFFFFFE00] =	vst v3;
	v3 =	vand.u32 $0xFFFFFFF6, v4  }
0x117: {  	v2 =	vld.idx.msk [tilespmem:v2+s28+$0x0], $0xffff;
	v3 =	vbroadcast v3, $0x0;
	_ =	sdelay $0x2  }
0x118: {  	s2 =	simm.s32 $0x7  }
0x119: {  	v4 =	vmov s2  }
0x11a: {  	[tilespmem:s31+$0xFFFFFE80] =	vst v2;
	v2 =	vand.u32 $0xFFFFFFF7, v4  }
0x11b: {  	v3 =	vld.idx.msk [tilespmem:v3+s28+$0x0], $0xffff;
	v2 =	vbroadcast v2, $0x0;
	_ =	sdelay $0x2  }
0x11c: {  	s1 =	simm.s32 $0x8  }
0x11d: {  	v4 =	vmov s1  }
0x11e: {  	[tilespmem:s31+$0xFFFFFF00] =	vst v3;
	v3 =	vand.u32 $0xFFFFFFF8, v4  }
0x11f: {  	v2 =	vld.idx.msk [tilespmem:v2+s28+$0x0], $0xffff;
	v3 =	vbroadcast v3, $0x0;
	_ =	sdelay $0x2  }
0x120: {  	s2 =	simm.s32 $0x9  }
0x121: {  	v4 =	vmov s2  }
0x122: {  	[tilespmem:s31+$0xFFFFFF80] =	vst v2;
	v2 =	vand.u32 $0xFFFFFFF9, v4  }
0x123: {  	v3 =	vld.idx.msk [tilespmem:v3+s28+$0x0], $0xffff;
	v2 =	vbroadcast v2, $0x0;
	_ =	sdelay $0x2  }
0x124: {  	s1 =	simm.s32 $0xA  }
0x125: {  	v4 =	vmov s1  }
0x126: {  	[tilespmem:s31+$0x0] =	vst v3;
	v3 =	vand.u32 $0xFFFFFFFA, v4  }
0x127: {  	v2 =	vld.idx.msk [tilespmem:v2+s28+$0x0], $0xffff;
	v3 =	vbroadcast v3, $0x0;
	_ =	sdelay $0x2  }
0x128: {  	s2 =	simm.s32 $0xB  }
0x129: {  	v4 =	vmov s2  }
0x12a: {  	[tilespmem:s31+$0x80] =	vst v2;
	v2 =	vand.u32 $0xFFFFFFFB, v4  }
0x12b: {  	v3 =	vld.idx.msk [tilespmem:v3+s28+$0x0], $0xffff;
	v2 =	vbroadcast v2, $0x0;
	_ =	sdelay $0x2  }
0x12c: {  	s1 =	simm.s32 $0xC  }
0x12d: {  	v4 =	vmov s1  }
0x12e: {  	[tilespmem:s31+$0x100] =	vst v3;
	v3 =	vand.u32 $0xFFFFFFFC, v4  }
0x12f: {  	v2 =	vld.idx.msk [tilespmem:v2+s28+$0x0], $0xffff;
	v3 =	vbroadcast v3, $0x0;
	_ =	sdelay $0x2  }
0x130: {  	s2 =	simm.s32 $0xD  }
0x131: {  	v4 =	vmov s2  }
0x132: {  	[tilespmem:s31+$0x180] =	vst v2;
	v2 =	vand.u32 $0xFFFFFFFD, v4  }
0x133: {  	v3 =	vld.idx.msk [tilespmem:v3+s28+$0x0], $0xffff;
	v2 =	vbroadcast v2, $0x0;
	_ =	sdelay $0x2  }
0x134: {  	s1 =	simm.s32 $0xE  }
0x135: {  	v4 =	vmov s1  }
0x136: {  	[tilespmem:s31+$0x200] =	vst v3;
	v3 =	vand.u32 $0xFFFFFFFE, v4  }
0x137: {  	v2 =	vld.idx.msk [tilespmem:v2+s28+$0x0], $0xffff;
	v3 =	vbroadcast v3, $0x0;
	_ =	sdelay $0x4  }
0x138: {  	[tilespmem:s31+$0x280] =	vst v2  }
0x139: {  	s2 =	simm.s32 $0xF;
	v3 =	vld.idx.msk [tilespmem:v3+s28+$0x0], $0xffff  }
0x13a: {  	v2 =	vmov s2;
	_ =	sdelay $0x2  }
0x13b: {  	s0 =	simm.s32 $0x2F;
	s1 =	simm.s32 $0x1F;
	s2 =	simm.s32 $0x10  }
.LBB2_36:
0x13c: {  	p0 =	sne.s32 s0, $0x27F;
	v4 =	vmov s2;
	[tilespmem:s31+$0x300] =	vst v3  }
0x13d: {  	v3 =	vand.u32 $0xFFFFFFF0, v4;
	v2 =	vld.idx.msk [tilespmem:v2+s28+$0x0], $0xffff  }
0x13e: {  	v3 =	vbroadcast v3, $0x0;
	_ =	sdelay $0x3  }
0x13f: {  	s2 =	sadd.s32 $0xFFFFFFF2, s1  }
0x140: {  	v4 =	vmov s2;
	[tilespmem:s31+$0x380] =	vst v2  }
0x141: {  	v2 =	vld.idx.msk [tilespmem:v3+s28+$0x0], $0xffff;
	v3 =	vand.u32 $0xFFFFFFF1, v4  }
0x142: {  	v3 =	vbroadcast v3, $0x0;
	_ =	sdelay $0x3  }
0x143: {  	s2 =	sadd.s32 $0xFFFFFFF3, s1;
	s31 =	sadd.s32 $0x800, s31  }
0x144: {  	[tilespmem:s31+$0xFFFFFC00] =	vst v2;
	v2 =	vmov s2  }
0x145: {  	v3 =	vld.idx.msk [tilespmem:v3+s28+$0x0], $0xffff;
	v2 =	vand.u32 $0xFFFFFFF2, v2  }
0x146: {  	v2 =	vbroadcast v2, $0x0;
	_ =	sdelay $0x3  }
0x147: {  	s2 =	sadd.s32 $0xFFFFFFF4, s1  }
0x148: {  	[tilespmem:s31+$0xFFFFFC80] =	vst v3;
	v3 =	vmov s2  }
0x149: {  	v2 =	vld.idx.msk [tilespmem:v2+s28+$0x0], $0xffff;
	v3 =	vand.u32 $0xFFFFFFF3, v3  }
0x14a: {  	v3 =	vbroadcast v3, $0x0;
	_ =	sdelay $0x3  }
0x14b: {  	s2 =	sadd.s32 $0xFFFFFFF5, s1  }
0x14c: {  	[tilespmem:s31+$0xFFFFFD00] =	vst v2;
	v2 =	vmov s2  }
0x14d: {  	v3 =	vld.idx.msk [tilespmem:v3+s28+$0x0], $0xffff;
	v2 =	vand.u32 $0xFFFFFFF4, v2  }
0x14e: {  	v2 =	vbroadcast v2, $0x0;
	_ =	sdelay $0x3  }
0x14f: {  	s2 =	sadd.s32 $0xFFFFFFF6, s1  }
0x150: {  	[tilespmem:s31+$0xFFFFFD80] =	vst v3;
	v3 =	vmov s2  }
0x151: {  	v2 =	vld.idx.msk [tilespmem:v2+s28+$0x0], $0xffff;
	v3 =	vand.u32 $0xFFFFFFF5, v3  }
0x152: {  	v3 =	vbroadcast v3, $0x0;
	_ =	sdelay $0x3  }
0x153: {  	s2 =	sadd.s32 $0xFFFFFFF7, s1  }
0x154: {  	[tilespmem:s31+$0xFFFFFE00] =	vst v2;
	v2 =	vmov s2  }
0x155: {  	v3 =	vld.idx.msk [tilespmem:v3+s28+$0x0], $0xffff;
	v2 =	vand.u32 $0xFFFFFFF6, v2  }
0x156: {  	v2 =	vbroadcast v2, $0x0;
	_ =	sdelay $0x3  }
0x157: {  	s2 =	sadd.s32 $0xFFFFFFF8, s1  }
0x158: {  	[tilespmem:s31+$0xFFFFFE80] =	vst v3;
	v3 =	vmov s2  }
0x159: {  	v2 =	vld.idx.msk [tilespmem:v2+s28+$0x0], $0xffff;
	v3 =	vand.u32 $0xFFFFFFF7, v3  }
0x15a: {  	v3 =	vbroadcast v3, $0x0;
	_ =	sdelay $0x3  }
0x15b: {  	s2 =	sadd.s32 $0xFFFFFFF9, s1  }
0x15c: {  	[tilespmem:s31+$0xFFFFFF00] =	vst v2;
	v2 =	vmov s2  }
0x15d: {  	v3 =	vld.idx.msk [tilespmem:v3+s28+$0x0], $0xffff;
	v2 =	vand.u32 $0xFFFFFFF8, v2  }
0x15e: {  	v2 =	vbroadcast v2, $0x0;
	_ =	sdelay $0x3  }
0x15f: {  	s2 =	sadd.s32 $0xFFFFFFFA, s1  }
0x160: {  	[tilespmem:s31+$0xFFFFFF80] =	vst v3;
	v3 =	vmov s2  }
0x161: {  	v2 =	vld.idx.msk [tilespmem:v2+s28+$0x0], $0xffff;
	v3 =	vand.u32 $0xFFFFFFF9, v3  }
0x162: {  	v3 =	vbroadcast v3, $0x0;
	_ =	sdelay $0x3  }
0x163: {  	s2 =	sadd.s32 $0xFFFFFFFB, s1  }
0x164: {  	[tilespmem:s31+$0x0] =	vst v2;
	v2 =	vmov s2  }
0x165: {  	v3 =	vld.idx.msk [tilespmem:v3+s28+$0x0], $0xffff;
	v2 =	vand.u32 $0xFFFFFFFA, v2  }
0x166: {  	v2 =	vbroadcast v2, $0x0;
	_ =	sdelay $0x3  }
0x167: {  	s2 =	sadd.s32 $0xFFFFFFFC, s1  }
0x168: {  	[tilespmem:s31+$0x80] =	vst v3;
	v3 =	vmov s2  }
0x169: {  	v2 =	vld.idx.msk [tilespmem:v2+s28+$0x0], $0xffff;
	v3 =	vand.u32 $0xFFFFFFFB, v3  }
0x16a: {  	v3 =	vbroadcast v3, $0x0;
	_ =	sdelay $0x3  }
0x16b: {  	s2 =	sadd.s32 $0xFFFFFFFD, s1  }
0x16c: {  	[tilespmem:s31+$0x100] =	vst v2;
	v2 =	vmov s2  }
0x16d: {  	v3 =	vld.idx.msk [tilespmem:v3+s28+$0x0], $0xffff;
	v2 =	vand.u32 $0xFFFFFFFC, v2  }
0x16e: {  	v2 =	vbroadcast v2, $0x0;
	_ =	sdelay $0x3  }
0x16f: {  	s2 =	sadd.s32 $0xFFFFFFFE, s1  }
0x170: {  	[tilespmem:s31+$0x180] =	vst v3;
	v3 =	vmov s2  }
0x171: {  	v2 =	vld.idx.msk [tilespmem:v2+s28+$0x0], $0xffff;
	v3 =	vand.u32 $0xFFFFFFFD, v3  }
0x172: {  	v3 =	vbroadcast v3, $0x0;
	_ =	sdelay $0x3  }
0x173: {  	s2 =	sadd.s32 $0xFFFFFFFF, s1  }
0x174: {  	[tilespmem:s31+$0x200] =	vst v2;
	v2 =	vmov s2  }
0x175: {  	v3 =	vld.idx.msk [tilespmem:v3+s28+$0x0], $0xffff;
	v2 =	vand.u32 $0xFFFFFFFE, v2  }
0x176: {  	v2 =	vbroadcast v2, $0x0;
	_ =	sdelay $0x4  }
0x177: {  	[tilespmem:s31+$0x280] =	vst v3  }
0x178: {  	v3 =	vld.idx.msk [tilespmem:v2+s28+$0x0], $0xffff  }
.Ltmp17:
0x179: {  	(pc) =	sbr.rel @p0 .LBB2_36-.Ltmp17, $2  }
0x17a: {  	v2 =	vmov s1;
	s1 =	smov.u32 s0;
	_ =	sdelay $0x2  }
0x17b: {  	s0 =	sadd.s32 $0x10, s0;
	s2 =	sadd.s32 $0xFFFFFFF1, s1  }
0x17c: {  	_ =	sdelay $0x1  }
0x17d: {  	v4 =	vmov s2  }
0x17e: {  	[tilespmem:s31+$0x300] =	vst v3;
	v3 =	vand.u32 $0xFFFFFFF0, v4  }
0x17f: {  	v2 =	vld.idx.msk [tilespmem:v2+s28+$0x0], $0xffff;
	v3 =	vbroadcast v3, $0x0;
	_ =	sdelay $0x2  }
0x180: {  	s0 =	sadd.s32 $0xFFFFFFF2, s1  }
0x181: {  	v50 =	vmov s0  }
0x182: {  	[tilespmem:s31+$0x380] =	vst v2;
	v2 =	vand.u32 $0xFFFFFFF1, v50  }
0x183: {  	v2 =	vbroadcast v2, $0x0;
	v3 =	vld.idx.msk [tilespmem:v3+s28+$0x0], $0xffff;
	_ =	sdelay $0x2  }
0x184: {  	s2 =	sadd.s32 $0xFFFFFFF3, s1  }
0x185: {  	s0 =	sadd.s32 $0x800, s31;
	v51 =	vmov s2  }
0x186: {  	[tilespmem:s0+$0xFFFFFC00] =	vst v3;
	v3 =	vand.u32 $0xFFFFFFF2, v51  }
0x187: {  	v2 =	vld.idx.msk [tilespmem:v2+s28+$0x0], $0xffff;
	v3 =	vbroadcast v3, $0x0;
	_ =	sdelay $0x2  }
0x188: {  	s31 =	sadd.s32 $0xFFFFFFF4, s1  }
0x189: {  	v52 =	vmov s31  }
0x18a: {  	[tilespmem:s0+$0xFFFFFC80] =	vst v2;
	v2 =	vand.u32 $0xFFFFFFF3, v52  }
0x18b: {  	v3 =	vld.idx.msk [tilespmem:v3+s28+$0x0], $0xffff;
	v2 =	vbroadcast v2, $0x0;
	_ =	sdelay $0x2  }
0x18c: {  	s31 =	sadd.s32 $0xFFFFFFF5, s1  }
0x18d: {  	v53 =	vmov s31  }
0x18e: {  	[tilespmem:s0+$0xFFFFFD00] =	vst v3;
	v3 =	vand.u32 $0xFFFFFFF4, v53  }
0x18f: {  	v2 =	vld.idx.msk [tilespmem:v2+s28+$0x0], $0xffff;
	v3 =	vbroadcast v3, $0x0;
	_ =	sdelay $0x2  }
0x190: {  	s31 =	sadd.s32 $0xFFFFFFF6, s1  }
0x191: {  	v54 =	vmov s31  }
0x192: {  	[tilespmem:s0+$0xFFFFFD80] =	vst v2;
	v2 =	vand.u32 $0xFFFFFFF5, v54  }
0x193: {  	v3 =	vld.idx.msk [tilespmem:v3+s28+$0x0], $0xffff;
	v2 =	vbroadcast v2, $0x0;
	_ =	sdelay $0x2  }
0x194: {  	s31 =	sadd.s32 $0xFFFFFFF7, s1  }
0x195: {  	v55 =	vmov s31  }
0x196: {  	[tilespmem:s0+$0xFFFFFE00] =	vst v3;
	v3 =	vand.u32 $0xFFFFFFF6, v55  }
0x197: {  	v2 =	vld.idx.msk [tilespmem:v2+s28+$0x0], $0xffff;
	v3 =	vbroadcast v3, $0x0;
	_ =	sdelay $0x2  }
0x198: {  	s31 =	sadd.s32 $0xFFFFFFF8, s1  }
0x199: {  	v56 =	vmov s31  }
0x19a: {  	[tilespmem:s0+$0xFFFFFE80] =	vst v2;
	v2 =	vand.u32 $0xFFFFFFF7, v56  }
0x19b: {  	v3 =	vld.idx.msk [tilespmem:v3+s28+$0x0], $0xffff;
	v2 =	vbroadcast v2, $0x0;
	_ =	sdelay $0x2  }
0x19c: {  	s31 =	sadd.s32 $0xFFFFFFF9, s1  }
0x19d: {  	v57 =	vmov s31  }
0x19e: {  	[tilespmem:s0+$0xFFFFFF00] =	vst v3;
	v3 =	vand.u32 $0xFFFFFFF8, v57  }
0x19f: {  	v2 =	vld.idx.msk [tilespmem:v2+s28+$0x0], $0xffff;
	v3 =	vbroadcast v3, $0x0;
	_ =	sdelay $0x2  }
0x1a0: {  	s31 =	sadd.s32 $0xFFFFFFFA, s1  }
0x1a1: {  	v58 =	vmov s31  }
0x1a2: {  	[tilespmem:s0+$0xFFFFFF80] =	vst v2;
	v2 =	vand.u32 $0xFFFFFFF9, v58  }
0x1a3: {  	v3 =	vld.idx.msk [tilespmem:v3+s28+$0x0], $0xffff;
	v2 =	vbroadcast v2, $0x0;
	_ =	sdelay $0x2  }
0x1a4: {  	s31 =	sadd.s32 $0xFFFFFFFB, s1  }
0x1a5: {  	v59 =	vmov s31  }
0x1a6: {  	[tilespmem:s0+$0x0] =	vst v3;
	v3 =	vand.u32 $0xFFFFFFFA, v59  }
0x1a7: {  	v2 =	vld.idx.msk [tilespmem:v2+s28+$0x0], $0xffff;
	v3 =	vbroadcast v3, $0x0;
	_ =	sdelay $0x2  }
0x1a8: {  	s31 =	sadd.s32 $0xFFFFFFFC, s1  }
0x1a9: {  	v60 =	vmov s31  }
0x1aa: {  	[tilespmem:s0+$0x80] =	vst v2;
	v2 =	vand.u32 $0xFFFFFFFB, v60  }
0x1ab: {  	v3 =	vld.idx.msk [tilespmem:v3+s28+$0x0], $0xffff;
	v2 =	vbroadcast v2, $0x0;
	_ =	sdelay $0x2  }
0x1ac: {  	s31 =	sadd.s32 $0xFFFFFFFD, s1  }
0x1ad: {  	v61 =	vmov s31  }
0x1ae: {  	[tilespmem:s0+$0x100] =	vst v3;
	v3 =	vand.u32 $0xFFFFFFFC, v61  }
0x1af: {  	v2 =	vld.idx.msk [tilespmem:v2+s28+$0x0], $0xffff;
	v3 =	vbroadcast v3, $0x0;
	_ =	sdelay $0x2  }
0x1b0: {  	s31 =	sadd.s32 $0xFFFFFFFE, s1  }
0x1b1: {  	v62 =	vmov s31  }
0x1b2: {  	[tilespmem:s0+$0x180] =	vst v2;
	v2 =	vand.u32 $0xFFFFFFFD, v62  }
0x1b3: {  	v3 =	vld.idx.msk [tilespmem:v3+s28+$0x0], $0xffff;
	v2 =	vbroadcast v2, $0x0;
	_ =	sdelay $0x2  }
0x1b4: {  	s31 =	sadd.s32 $0xFFFFFFFF, s1  }
0x1b5: {  	v63 =	vmov s31  }
0x1b6: {  	[tilespmem:s0+$0x200] =	vst v3;
	v3 =	vand.u32 $0xFFFFFFFE, v63  }
0x1b7: {  	v2 =	vld.idx.msk [tilespmem:v2+s28+$0x0], $0xffff;
	v3 =	vbroadcast v3, $0x0;
	_ =	sdelay $0x4  }
0x1b8: {  	[tilespmem:s0+$0x280] =	vst v2  }
0x1b9: {  	v2 =	vld.idx.msk [tilespmem:v3+s28+$0x0], $0xffff  }
0x1ba: {  	v3 =	vmov s1;
	_ =	sdelay $0x3  }
0x1bb: {  	[tilespmem:s0+$0x300] =	vst v2  }
0x1bc: {  	v2 =	vld.idx.msk [tilespmem:v3+s28+$0x0], $0xffff;
	_ =	sdelay $0x2  }
0x1bd: {  	s30 =	sadd.s32 $0x1, s30  }
0x1be: {  	p0 =	sne.s32 s30, s21  }
.Ltmp18:
0x1bf: {  	s31 =	simm.s32 $0x0;
	[tilespmem:s0+$0x380] =	vst v2;
	(pc) =	sbr.rel @p0 .LBB2_1-.Ltmp18, $4  }
0x1c0: {  	[hbm4b:s22+s31] =	stream.linear.scatter [tilespmem:s29], [sflag:$0x1], $0x14000, $0x38;
	[tilespmem:$0x1BA00] =	vst v63  }
0x1c1: {  	_ =	swait.ge [sflag:s23], $0x14000  }
0x1c2: {  	[sflag:s23] =	ssyncset.done $0x0  }
0x1c3: {  	[sflag:s23] =	ssyncadd.s32 $0xFFFEC000  }
0x1c4: {  	_ =	sfence.sel $0x180000  }
0x1c5: {  	[bflag:$0x0] =	sbarrier.arrive $0xFFFF  }
0x1c6: {  	_ =	strace $0x90000047  }
0x1c7: {  	s0 =	stileid.u32;
	[bflag:$0x2] =	sbarrier.arrive $0xFFFF  }
0x1c8: {  	p0 =	sne.s32 s0, $0x0;
	s0 =	rddreg [dreg:$0x3]  }
0x1c9: {  	s0 =	sadd.s32 @!p0 $0x100000, s0  }
0x1ca: {  	[sflag:s0] =	ssyncadd.tile.s32 @!p0 $0x1;
	_ =	shalt  }
.Lfunc_end2:
_tile_overlayer_lowered:
.L_overlay_start_2:
0x1cb: {  	(tag) =	ssettag $0x2  }
0x1cc: {  	s0 =	rddreg [dreg:$0x0];
	s2 =	stileid.u32  }
0x1cd: {  	s1 =	rddreg [dreg:$0x1];
	p0 =	sne.s32 s2, $0x0  }
0x1ce: {  	s3 =	rddreg [dreg:$0x2];
	[bflag:$0x3] =	sbarrier.arrive $0xFFFF;
	s2 =	simm.s32 @!p0 $0x1C01  }
0x1cf: {  	[timem:s3], [sflag:s2] =	dma.local @!p0 [hbm:s0], s1  }
0x1d0: {  	s0 =	simm.s32 @!p0 $0x1  }
0x1d1: {  	_ =	swait.ge @!p0 [sflag:s0], s1  }
0x1d2: {  	s1 =	ssub.s32 @!p0 $0x0, s1;
	[sflag:s0] =	ssyncset.done @!p0 $0x0  }
0x1d3: {  	[sflag:s0] =	ssyncadd.s32 @!p0 s1  }
0x1d4: {  	[bflag:$0x3] =	sbarrier.arrive $0xFFFF  }
0x1d5: {  	_ =	shalt  }

</sc_bundles>
